<compile_context>
chip_gen: v7x
topology: tpu7x:2x2x1
jax: 0.10.2.dev20260603
libtpu: 0.0.44.dev20260713+nightly
codegen_flags: <defaults>
</compile_context>

<pallas_src>
import jax
import jax.numpy as jnp
from jax.experimental import pallas as pl
from jax.experimental.pallas import tpu as pltpu
from jax.experimental.pallas import tpu_sc as plsc

K = 8192
D = 256
N = 8 * 32 * 32
NB = 256
NBLK = N // NB
GW = 128
COMMIT = 0.25


SR = 16
KC = 1024


def _vq_body(x_ref, x2_ref, et2_ref, e2_ref, iota_ref, ones_ref,
             idx_ref, enc_ref, counts_ref, loss_ref, perp_ref, sd_ref):
    i = pl.program_id(0)
    mm2 = jnp.dot(x_ref[...], et2_ref[...], preferred_element_type=jnp.float32)
    iotaf = iota_ref[...]
    idx_parts = []
    vacc = None
    for r in range(0, NB, SR):
        x2s = x2_ref[r:r + SR, :]
        macc = None
        iacc = None
        for c in range(0, K, KC):
            dc = (x2s + e2_ref[:, c:c + KC]) - mm2[r:r + SR, c:c + KC]
            iotac = iotaf[:, c:c + KC]
            if macc is None:
                macc = dc
                iacc = jnp.broadcast_to(iotac, dc.shape)
            else:
                upd = dc < macc
                iacc = jnp.where(upd, iotac, iacc)
                macc = jnp.minimum(dc, macc)
        vmin = jnp.min(macc, axis=1, keepdims=True)
        idxf = jnp.min(jnp.where(macc == vmin, iacc, float(K)), axis=1)
        idx_parts.append(idxf)
        vacc = vmin if vacc is None else vacc + vmin
        enc_ref[r:r + SR, :] = jnp.where(iotaf == idxf[:, None], 1.0, 0.0)
    idx_ref[...] = jnp.concatenate(idx_parts).astype(jnp.int32).reshape(1, NB)

    @pl.when(i == 0)
    def _():
        counts_ref[...] = jnp.zeros_like(counts_ref)
        sd_ref[...] = jnp.zeros_like(sd_ref)

    counts_ref[...] += jnp.dot(ones_ref[...], enc_ref[...],
                               preferred_element_type=jnp.float32)
    sd_ref[...] += jnp.sum(vacc).reshape(1, 1)

    @pl.when(i == pl.num_programs(0) - 1)
    def _():
        mse = sd_ref[0, 0] * (1.0 / (N * D))
        loss_ref[...] = (mse + COMMIT * mse).reshape(1, 1)
        p = counts_ref[...] * (1.0 / N)
        ent = jnp.sum(p * jnp.log(p + 1e-10))
        perp_ref[...] = jnp.exp(-ent).reshape(1, 1)


def _main_call(flat, x2, et2, e2, iotaf, ones_row):
    in_specs = [
        pl.BlockSpec((NB, D), lambda i: (i, 0)),
        pl.BlockSpec((NB, 1), lambda i: (i, 0)),
        pl.BlockSpec((D, K), lambda i: (0, 0)),
        pl.BlockSpec((1, K), lambda i: (0, 0)),
        pl.BlockSpec((1, K), lambda i: (0, 0)),
        pl.BlockSpec((1, NB), lambda i: (0, 0)),
    ]
    args = [flat, x2, et2, e2, iotaf, ones_row]
    return pl.pallas_call(
        _vq_body,
        grid=(NBLK,),
        in_specs=in_specs,
        out_specs=[
            pl.BlockSpec((1, NB), lambda i: (0, i)),
            pl.BlockSpec((NB, K), lambda i: (i, 0)),
            pl.BlockSpec((1, K), lambda i: (0, 0)),
            pl.BlockSpec((1, 1), lambda i: (0, 0)),
            pl.BlockSpec((1, 1), lambda i: (0, 0)),
        ],
        out_shape=[
            jax.ShapeDtypeStruct((1, N), jnp.int32),
            jax.ShapeDtypeStruct((N, K), jnp.float32),
            jax.ShapeDtypeStruct((1, K), jnp.float32),
            jax.ShapeDtypeStruct((1, 1), jnp.float32),
            jax.ShapeDtypeStruct((1, 1), jnp.float32),
        ],
        scratch_shapes=[pltpu.VMEM((1, 1), jnp.float32)],
        compiler_params=pltpu.CompilerParams(
            dimension_semantics=("arbitrary",)),
    )(*args)


def _make_sc_gather(rows):
    def _sc_gather(emb_hbm, i_hbm, o_hbm):
        def body(i_vmem, o_vmem):
            pltpu.sync_copy(emb_hbm.at[i_vmem.at[0]], o_vmem)

        pltpu.emit_pipeline(
            body,
            grid=(rows // GW,),
            in_specs=[pl.BlockSpec((1, GW), index_map=lambda i: (0, i))],
            out_specs=[pl.BlockSpec((GW, D), index_map=lambda i: (i, 0))],
            core_axis_name=("core", "subcore"),
            dimension_semantics=(pltpu.PARALLEL,),
        )(i_hbm, o_hbm)

    return _sc_gather


def kernel(inputs, embedding, reset):
    del reset
    x = jnp.transpose(inputs, (0, 2, 3, 1))
    input_shape = x.shape
    flat = x.reshape(-1, D)
    x2 = jnp.sum(flat ** 2, axis=1, keepdims=True)
    e2 = jnp.sum(embedding ** 2, axis=1).reshape(1, K)
    et2 = embedding.T * 2.0
    iotaf = jnp.arange(K, dtype=jnp.float32).reshape(1, K)
    ones_row = jnp.ones((1, NB), jnp.float32)

    idx, enc, _counts, loss, perp = _main_call(
        flat, x2, et2, e2, iotaf, ones_row)

    sc_mesh = plsc.VectorSubcoreMesh(
        core_axis_name="core", subcore_axis_name="subcore")
    quantized = pl.kernel(
        _make_sc_gather(N),
        out_type=jax.ShapeDtypeStruct((N, D), jnp.float32),
        mesh=sc_mesh,
    )(embedding, idx)

    loss = loss[0, 0]
    perplexity = perp[0, 0]
    qst_nchw = jnp.transpose(quantized.reshape(input_shape), (0, 3, 1, 2))
    return (loss, qst_nchw, perplexity, enc)

# --- scband reference (transcript-rebuilt; emitter-appended) ---
"""Pipeline reference for scband-vector-quantizer-79955111182614 (READ-ONLY COPY).

The authoritative reference and input builder live on the scoring server;
editing this copy changes nothing except your own understanding.
"""

import jax, jax.numpy as jnp
import numpy as np

NUM_EMBEDDINGS = 8192
EMBEDDING_DIM = 256
COMMITMENT_COST = 0.25


def setup_inputs(seed: int = 0) -> dict:
    key = jax.random.key(seed)
    k1, k2 = jax.random.split(key)
    inputs = jax.random.normal(k1, (8, 256, 32, 32), dtype=jnp.float32)
    embedding = jax.random.uniform(
        k2, (NUM_EMBEDDINGS, EMBEDDING_DIM),
        minval=-1.0 / NUM_EMBEDDINGS, maxval=1.0 / NUM_EMBEDDINGS,
        dtype=jnp.float32)
    return {"inputs": inputs, "embedding": embedding, "reset": 0}


def reference(inputs, embedding, reset):
    # NCHW -> NHWC
    x = jnp.transpose(inputs, (0, 2, 3, 1))
    input_shape = x.shape
    flat_input = x.reshape(-1, EMBEDDING_DIM)
    # squared L2 distances to codebook
    distances = (jnp.sum(flat_input ** 2, axis=1, keepdims=True)
                 + jnp.sum(embedding ** 2, axis=1)
                 - 2.0 * jnp.matmul(flat_input, embedding.T))
    encoding_indices = jnp.argmin(distances, axis=1)
    encodings = jax.nn.one_hot(encoding_indices, NUM_EMBEDDINGS, dtype=jnp.float32)
    quantized = jnp.matmul(encodings, embedding).reshape(input_shape)
    # eval mode: `reset` branch (training-only codebook reinit) is skipped
    e_latent_loss = jnp.mean((jax.lax.stop_gradient(quantized) - x) ** 2)
    q_latent_loss = jnp.mean((quantized - jax.lax.stop_gradient(x)) ** 2)
    loss = q_latent_loss + COMMITMENT_COST * e_latent_loss
    quantized_st = x + jax.lax.stop_gradient(quantized - x)
    avg_probs = jnp.mean(encodings, axis=0)
    perplexity = jnp.exp(-jnp.sum(avg_probs * jnp.log(avg_probs + 1e-10)))
    return (loss, jnp.transpose(quantized_st, (0, 3, 1, 2)), perplexity, encodings)

if __name__ == "__main__":
    import jax
    _d = setup_inputs()
    print(jax.jit(kernel)(*tuple(_d.values())))

</pallas_src>

<mosaic_0001>
#map = affine_map<(d0, d1) -> (0, 0)>
module attributes {stable_mosaic.version = 14 : i64} {
  func.func @_sc_gather(%arg0: i32, %arg1: i32, %arg2: memref<8192x256xf32, #tpu.memory_space<hbm>>, %arg3: memref<1x8192xi32, #tpu.memory_space<hbm>>, %arg4: memref<8192x256xf32, #tpu.memory_space<hbm>>) attributes {dimension_semantics = [#tpu.dimension_semantics<core_parallel>, #tpu.dimension_semantics<subcore_parallel>], iteration_bounds = array<i64: 2, 16>, scalar_prefetch = 0 : i64, scratch_operands = 0 : i64, tpu.core_type = #tpu.core_type<sc_vector_subcore>, window_params = [{transform_indices = #map}, {transform_indices = #map}, {transform_indices = #map}]} {
    %mul3A = arith.constant 1 : i32
    %mul3A_0 = arith.muli %arg1, %mul3A : i32
    %add3A = arith.constant 0 : i32
    %add3A_1 = arith.addi %add3A, %mul3A_0 : i32
    %mul3A_2 = arith.constant 16 : i32
    %mul3A_3 = arith.muli %arg0, %mul3A_2 : i32
    %add3A_4 = arith.addi %add3A_1, %mul3A_3 : i32
    %mul3A_5 = arith.constant 2 : i32
    %mul3A_6 = arith.muli %add3A_4, %mul3A_5 : i32
    "tpu.region"() ({
      %run_scoped3A = memref.alloca() : memref<2x1x128xi32, #tpu.memory_space<vmem>>
      %run_scoped3A_7 = tpu.sem_alloc : memref<2x!tpu.dma_semaphore, #tpu.memory_space<semaphore_mem>>
      %run_scoped3A_8 = memref.alloca() : memref<2x128x256xf32, #tpu.memory_space<vmem>>
      %run_scoped3A_9 = tpu.sem_alloc : memref<2x!tpu.dma_semaphore, #tpu.memory_space<semaphore_mem>>
      %add3A_10 = arith.constant 0 : i32
      %add3A_11 = arith.addi %add3A_10, %mul3A_6 : i32
      %select_n3A = arith.constant true
      %select_n3A_12 = arith.constant 0 : i32
      %select_n3A_13 = arith.constant -1 : i32
      %select_n3A_14 = arith.select %select_n3A, %select_n3A_13, %select_n3A_12 : i32
      %eq3A = arith.constant -1 : i32
      %eq3A_15 = arith.cmpi eq, %select_n3A_14, %eq3A : i32
      %select_n3A_16 = arith.constant 1 : i32
      %select_n3A_17 = arith.select %eq3A_15, %select_n3A_16, %select_n3A_14 : i32
      %add3A_18 = arith.addi %select_n3A_17, %mul3A_6 : i32
      %select_n3A_19 = arith.constant true
      %select_n3A_20 = arith.constant 0 : i32
      %select_n3A_21 = arith.constant 1 : i32
      %select_n3A_22 = arith.select %select_n3A_19, %select_n3A_21, %select_n3A_20 : i32
      %eq3A_23 = arith.constant 2 : i32
      %eq3A_24 = arith.cmpi eq, %select_n3A_22, %eq3A_23 : i32
      %select_n3A_25 = arith.constant 0 : i32
      %select_n3A_26 = arith.select %eq3A_24, %select_n3A_25, %select_n3A_22 : i32
      %add3A_27 = arith.addi %select_n3A_26, %mul3A_6 : i32
      %add3A_28 = arith.constant 1 : i32
      %add3A_29 = arith.addi %select_n3A_26, %add3A_28 : i32
      %select_n3A_30 = arith.constant true
      %select_n3A_31 = arith.select %select_n3A_30, %add3A_29, %select_n3A_26 : i32
      %eq3A_32 = arith.constant 2 : i32
      %eq3A_33 = arith.cmpi eq, %select_n3A_31, %eq3A_32 : i32
      %select_n3A_34 = arith.constant 0 : i32
      %select_n3A_35 = arith.select %eq3A_33, %select_n3A_34, %select_n3A_31 : i32
      %add3A_36 = arith.addi %select_n3A_35, %mul3A_6 : i32
      "tpu.trace_start"() <{level = 10 : i32, message = "ep_initialize_0"}> : () -> ()
      %rem3A = arith.constant 0 : i32
      %rem3A_37 = arith.constant 2 : i32
      %rem3A_38 = arith.remui %rem3A, %rem3A_37 : i32
      %mul3A_39 = arith.constant 128 : i32
      %mul3A_40 = arith.muli %mul3A_39, %add3A_11 : i32
      %dma_start3A = arith.constant 0 : i32
      %dma_start3A_41 = arith.constant 0 : i32
      %dma_start3A_42 = tpu.memref_slice %run_scoped3A[%rem3A_38, %dma_start3A, %dma_start3A_41] : memref<2x1x128xi32, #tpu.memory_space<vmem>> -> memref<1x1x128xi32, #tpu.memory_space<vmem>>
      %dma_start3A_43 = tpu.memref_squeeze %dma_start3A_42 : memref<1x1x128xi32, #tpu.memory_space<vmem>> -> memref<1x128xi32, #tpu.memory_space<vmem>>
      %dma_start3A_44 = arith.constant 0 : i32
      %dma_start3A_45 = tpu.memref_slice %arg3[%dma_start3A_44, %mul3A_40] : memref<1x8192xi32, #tpu.memory_space<hbm>> -> memref<1x128xi32, #tpu.memory_space<hbm>>
      %dma_start3A_46 = tpu.memref_slice %run_scoped3A_7[%rem3A_38] : memref<2x!tpu.dma_semaphore, #tpu.memory_space<semaphore_mem>> -> memref<1x!tpu.dma_semaphore, #tpu.memory_space<semaphore_mem>>
      %dma_start3A_47 = tpu.memref_squeeze %dma_start3A_46 : memref<1x!tpu.dma_semaphore, #tpu.memory_space<semaphore_mem>> -> memref<!tpu.dma_semaphore, #tpu.memory_space<semaphore_mem>>
      %dma_start3A_48 = arith.constant 0 : i32
      %dma_start3A_49 = arith.constant 0 : i32
      %dma_start3A_50 = tpu.memref_slice %run_scoped3A[%rem3A_38, %dma_start3A_48, %dma_start3A_49] : memref<2x1x128xi32, #tpu.memory_space<vmem>> -> memref<1x1x128xi32, #tpu.memory_space<vmem>>
      %dma_start3A_51 = tpu.memref_squeeze %dma_start3A_50 : memref<1x1x128xi32, #tpu.memory_space<vmem>> -> memref<1x128xi32, #tpu.memory_space<vmem>>
      %dma_start3A_52 = arith.constant 0 : i32
      %dma_start3A_53 = tpu.memref_slice %arg3[%dma_start3A_52, %mul3A_40] : memref<1x8192xi32, #tpu.memory_space<hbm>> -> memref<1x128xi32, #tpu.memory_space<hbm>>
      tpu.enqueue_dma source(%dma_start3A_53 : memref<1x128xi32, #tpu.memory_space<hbm>>) target(%dma_start3A_51 : memref<1x128xi32, #tpu.memory_space<vmem>>) target_semaphore(%dma_start3A_47 : memref<!tpu.dma_semaphore, #tpu.memory_space<semaphore_mem>>)
      %add3A_54 = arith.constant 0 : i32
      %add3A_55 = arith.constant 1 : i32
      %add3A_56 = arith.addi %add3A_54, %add3A_55 : i32
      %select_n3A_57 = arith.constant true
      %select_n3A_58 = arith.constant 0 : i32
      %select_n3A_59 = arith.select %select_n3A_57, %add3A_56, %select_n3A_58 : i32
      "tpu.trace_stop"() : () -> ()
      %scan3A = arith.constant 0 : i32
      %scan3A_60 = arith.constant 0 : i32
      %scan3A_61 = arith.constant 0 : i32
      %scan3A_62 = arith.constant 0 : i32
      %scan3A_63 = arith.constant 0 : i32
      %scan3A_64 = arith.constant 2 : i32
      %scan3A_65 = arith.addi %scan3A_63, %scan3A_64 : i32
      %scan3A_66 = arith.constant 1 : i32
      %scan3A_67:5 = scf.for %scan3A_121 = %scan3A_63 to %scan3A_65 step %scan3A_66 iter_args(%scan3A_122 = %select_n3A_59, %scan3A_123 = %scan3A, %scan3A_124 = %scan3A_60, %scan3A_125 = %scan3A_61, %scan3A_126 = %scan3A_62) -> (i32, i32, i32, i32, i32)  : i32 {
        %eq3A_127 = arith.constant 0 : i32
        %eq3A_128 = arith.cmpi eq, %scan3A_121, %eq3A_127 : i32
        %eq3A_129 = arith.constant 1 : i32
        %eq3A_130 = arith.cmpi eq, %scan3A_121, %eq3A_129 : i32
        %add3A_131 = arith.addi %scan3A_126, %mul3A_6 : i32
        %sub3A_132 = arith.constant 1 : i32
        %sub3A_133 = arith.subi %scan3A_126, %sub3A_132 : i32
        %select_n3A_134 = arith.constant true
        %select_n3A_135 = arith.select %select_n3A_134, %sub3A_133, %scan3A_126 : i32
        %eq3A_136 = arith.constant -1 : i32
        %eq3A_137 = arith.cmpi eq, %select_n3A_135, %eq3A_136 : i32
        %select_n3A_138 = arith.constant 1 : i32
        %select_n3A_139 = arith.select %eq3A_137, %select_n3A_138, %select_n3A_135 : i32
        %add3A_140 = arith.addi %select_n3A_139, %mul3A_6 : i32
        %add3A_141 = arith.constant 1 : i32
        %add3A_142 = arith.addi %scan3A_126, %add3A_141 : i32
        %select_n3A_143 = arith.constant true
        %select_n3A_144 = arith.select %select_n3A_143, %add3A_142, %scan3A_126 : i32
        %eq3A_145 = arith.constant 2 : i32
        %eq3A_146 = arith.cmpi eq, %select_n3A_144, %eq3A_145 : i32
        %select_n3A_147 = arith.constant 0 : i32
        %select_n3A_148 = arith.select %eq3A_146, %select_n3A_147, %select_n3A_144 : i32
        %add3A_149 = arith.addi %select_n3A_148, %mul3A_6 : i32
        %add3A_150 = arith.constant 1 : i32
        %add3A_151 = arith.addi %select_n3A_148, %add3A_150 : i32
        %select_n3A_152 = arith.constant true
        %select_n3A_153 = arith.select %select_n3A_152, %add3A_151, %select_n3A_148 : i32
        %eq3A_154 = arith.constant 2 : i32
        %eq3A_155 = arith.cmpi eq, %select_n3A_153, %eq3A_154 : i32
        %select_n3A_156 = arith.constant 0 : i32
        %select_n3A_157 = arith.select %eq3A_155, %select_n3A_156, %select_n3A_153 : i32
        %add3A_158 = arith.addi %select_n3A_157, %mul3A_6 : i32
        %ne3A = arith.cmpi ne, %add3A_131, %add3A_149 : i32
        %or3A = arith.constant false
        %or3A_159 = arith.ori %or3A, %ne3A : i1
        %ge3A = arith.constant 1 : i32
        %ge3A_160 = arith.cmpi sge, %scan3A_121, %ge3A : i32
        %not3A = arith.constant true
        %not3A_161 = arith.xori %ge3A_160, %not3A : i1
        %and3A = arith.andi %or3A_159, %not3A_161 : i1
        %convert_element_type3A = arith.extui %and3A : i1 to i32
        %cond3A = arith.constant 0 : i32
        %cond3A_162 = arith.cmpi ne, %convert_element_type3A, %cond3A : i32
        scf.if %cond3A_162 {
          "tpu.trace_start"() <{level = 10 : i32, message = "ep_copy_in"}> : () -> ()
          %rem3A_264 = arith.constant 2 : i32
          %rem3A_265 = arith.remui %scan3A_122, %rem3A_264 : i32
          %mul3A_266 = arith.constant 128 : i32
          %mul3A_267 = arith.muli %mul3A_266, %add3A_149 : i32
          %dma_start3A_268 = arith.constant 0 : i32
          %dma_start3A_269 = arith.constant 0 : i32
          %dma_start3A_270 = tpu.memref_slice %run_scoped3A[%rem3A_265, %dma_start3A_268, %dma_start3A_269] : memref<2x1x128xi32, #tpu.memory_space<vmem>> -> memref<1x1x128xi32, #tpu.memory_space<vmem>>
          %dma_start3A_271 = tpu.memref_squeeze %dma_start3A_270 : memref<1x1x128xi32, #tpu.memory_space<vmem>> -> memref<1x128xi32, #tpu.memory_space<vmem>>
          %dma_start3A_272 = arith.constant 0 : i32
          %dma_start3A_273 = tpu.memref_slice %arg3[%dma_start3A_272, %mul3A_267] : memref<1x8192xi32, #tpu.memory_space<hbm>> -> memref<1x128xi32, #tpu.memory_space<hbm>>
          %dma_start3A_274 = tpu.memref_slice %run_scoped3A_7[%rem3A_265] : memref<2x!tpu.dma_semaphore, #tpu.memory_space<semaphore_mem>> -> memref<1x!tpu.dma_semaphore, #tpu.memory_space<semaphore_mem>>
          %dma_start3A_275 = tpu.memref_squeeze %dma_start3A_274 : memref<1x!tpu.dma_semaphore, #tpu.memory_space<semaphore_mem>> -> memref<!tpu.dma_semaphore, #tpu.memory_space<semaphore_mem>>
          %dma_start3A_276 = arith.constant 0 : i32
          %dma_start3A_277 = arith.constant 0 : i32
          %dma_start3A_278 = tpu.memref_slice %run_scoped3A[%rem3A_265, %dma_start3A_276, %dma_start3A_277] : memref<2x1x128xi32, #tpu.memory_space<vmem>> -> memref<1x1x128xi32, #tpu.memory_space<vmem>>
          %dma_start3A_279 = tpu.memref_squeeze %dma_start3A_278 : memref<1x1x128xi32, #tpu.memory_space<vmem>> -> memref<1x128xi32, #tpu.memory_space<vmem>>
          %dma_start3A_280 = arith.constant 0 : i32
          %dma_start3A_281 = tpu.memref_slice %arg3[%dma_start3A_280, %mul3A_267] : memref<1x8192xi32, #tpu.memory_space<hbm>> -> memref<1x128xi32, #tpu.memory_space<hbm>>
          tpu.enqueue_dma source(%dma_start3A_281 : memref<1x128xi32, #tpu.memory_space<hbm>>) target(%dma_start3A_279 : memref<1x128xi32, #tpu.memory_space<vmem>>) target_semaphore(%dma_start3A_275 : memref<!tpu.dma_semaphore, #tpu.memory_space<semaphore_mem>>)
          "tpu.trace_stop"() : () -> ()
        } else {
        }
        %and3A_163 = arith.constant true
        %and3A_164 = arith.andi %and3A, %and3A_163 : i1
        %add3A_165 = arith.constant 1 : i32
        %add3A_166 = arith.addi %scan3A_122, %add3A_165 : i32
        %select_n3A_167 = arith.select %and3A_164, %add3A_166, %scan3A_122 : i32
        %ne3A_168 = arith.cmpi ne, %add3A_131, %add3A_149 : i32
        %or3A_169 = arith.constant false
        %or3A_170 = arith.ori %or3A_169, %ne3A_168 : i1
        %or3A_171 = arith.constant false
        %or3A_172 = arith.ori %or3A_170, %or3A_171 : i1
        %ge3A_173 = arith.constant 1 : i32
        %ge3A_174 = arith.cmpi sge, %scan3A_121, %ge3A_173 : i32
        %not3A_175 = arith.constant true
        %not3A_176 = arith.xori %ge3A_174, %not3A_175 : i1
        %and3A_177 = arith.andi %or3A_172, %not3A_176 : i1
        %ne3A_178 = arith.cmpi ne, %add3A_131, %add3A_140 : i32
        %or3A_179 = arith.constant false
        %or3A_180 = arith.ori %or3A_179, %ne3A_178 : i1
        %or3A_181 = arith.ori %or3A_180, %eq3A_128 : i1
        %convert_element_type3A_182 = arith.extui %or3A_181 : i1 to i32
        %cond3A_183 = arith.constant 0 : i32
        %cond3A_184 = arith.cmpi ne, %convert_element_type3A_182, %cond3A_183 : i32
        scf.if %cond3A_184 {
          "tpu.trace_start"() <{level = 10 : i32, message = "ep_wait_in"}> : () -> ()
          %mul3A_264 = arith.constant 128 : i32
          %mul3A_265 = arith.muli %mul3A_264, %add3A_131 : i32
          %rem3A_266 = arith.constant 2 : i32
          %rem3A_267 = arith.remui %scan3A_123, %rem3A_266 : i32
          %dma_wait3A_268 = arith.constant 0 : i32
          %dma_wait3A_269 = arith.constant 0 : i32
          %dma_wait3A_270 = tpu.memref_slice %run_scoped3A[%rem3A_267, %dma_wait3A_268, %dma_wait3A_269] : memref<2x1x128xi32, #tpu.memory_space<vmem>> -> memref<1x1x128xi32, #tpu.memory_space<vmem>>
          %dma_wait3A_271 = tpu.memref_squeeze %dma_wait3A_270 : memref<1x1x128xi32, #tpu.memory_space<vmem>> -> memref<1x128xi32, #tpu.memory_space<vmem>>
          %dma_wait3A_272 = arith.constant 0 : i32
          %dma_wait3A_273 = tpu.memref_slice %arg3[%dma_wait3A_272, %mul3A_265] : memref<1x8192xi32, #tpu.memory_space<hbm>> -> memref<1x128xi32, #tpu.memory_space<hbm>>
          %dma_wait3A_274 = tpu.memref_slice %run_scoped3A_7[%rem3A_267] : memref<2x!tpu.dma_semaphore, #tpu.memory_space<semaphore_mem>> -> memref<1x!tpu.dma_semaphore, #tpu.memory_space<semaphore_mem>>
          %dma_wait3A_275 = tpu.memref_squeeze %dma_wait3A_274 : memref<1x!tpu.dma_semaphore, #tpu.memory_space<semaphore_mem>> -> memref<!tpu.dma_semaphore, #tpu.memory_space<semaphore_mem>>
          %dma_wait3A_276 = arith.constant 0 : i32
          %dma_wait3A_277 = arith.constant 0 : i32
          %dma_wait3A_278 = tpu.memref_slice %run_scoped3A[%rem3A_267, %dma_wait3A_276, %dma_wait3A_277] : memref<2x1x128xi32, #tpu.memory_space<vmem>> -> memref<1x1x128xi32, #tpu.memory_space<vmem>>
          %dma_wait3A_279 = tpu.memref_squeeze %dma_wait3A_278 : memref<1x1x128xi32, #tpu.memory_space<vmem>> -> memref<1x128xi32, #tpu.memory_space<vmem>>
          %dma_wait3A_280 = arith.constant 0 : i32
          %dma_wait3A_281 = tpu.memref_slice %arg3[%dma_wait3A_280, %mul3A_265] : memref<1x8192xi32, #tpu.memory_space<hbm>> -> memref<1x128xi32, #tpu.memory_space<hbm>>
          tpu.wait_dma2 semaphore(%dma_wait3A_275 : memref<!tpu.dma_semaphore, #tpu.memory_space<semaphore_mem>>) src(%dma_wait3A_281 : memref<1x128xi32, #tpu.memory_space<hbm>>) dst(%dma_wait3A_279 : memref<1x128xi32, #tpu.memory_space<vmem>>)
          "tpu.trace_stop"() : () -> ()
        } else {
        }
        %ne3A_185 = arith.cmpi ne, %add3A_131, %add3A_140 : i32
        %or3A_186 = arith.constant false
        %or3A_187 = arith.ori %or3A_186, %ne3A_185 : i1
        %or3A_188 = arith.constant false
        %or3A_189 = arith.ori %or3A_187, %or3A_188 : i1
        %or3A_190 = arith.ori %or3A_189, %eq3A_128 : i1
        %convert_element_type3A_191 = arith.extui %or3A_190 : i1 to i32
        %cond3A_192 = arith.constant 0 : i32
        %cond3A_193 = arith.cmpi ne, %convert_element_type3A_191, %cond3A_192 : i32
        scf.if %cond3A_193 {
        } else {
        }
        %rem3A_194 = arith.constant 2 : i32
        %rem3A_195 = arith.remui %scan3A_123, %rem3A_194 : i32
        %rem3A_196 = arith.constant 2 : i32
        %rem3A_197 = arith.remui %scan3A_124, %rem3A_196 : i32
        %run_scoped3A_198 = arith.constant 0 : i32
        "tpu.trace_start"() <{level = 10 : i32, message = "ep_run_kernel"}> : () -> ()
        "tpu.region"() ({
          %run_scoped3A_264 = tpu.sem_alloc : memref<!tpu.dma_semaphore, #tpu.memory_space<semaphore_mem>>
          %dma_start3A_265 = arith.constant 0 : i32
          %dma_start3A_266 = arith.constant 0 : i32
          %dma_start3A_267 = tpu.memref_slice %run_scoped3A_8[%rem3A_197, %dma_start3A_265, %dma_start3A_266] : memref<2x128x256xf32, #tpu.memory_space<vmem>> -> memref<1x128x256xf32, #tpu.memory_space<vmem>>
          %dma_start3A_268 = tpu.memref_squeeze %dma_start3A_267 : memref<1x128x256xf32, #tpu.memory_space<vmem>> -> memref<128x256xf32, #tpu.memory_space<vmem>>
          %dma_start3A_269 = arith.constant 0 : i32
          %dma_start3A_270 = arith.constant 0 : i32
          %dma_start3A_271 = tpu.memref_slice %run_scoped3A[%rem3A_195, %dma_start3A_269, %dma_start3A_270] : memref<2x1x128xi32, #tpu.memory_space<vmem>> -> memref<1x1x128xi32, #tpu.memory_space<vmem>>
          %dma_start3A_272 = tpu.memref_squeeze %dma_start3A_271 : memref<1x1x128xi32, #tpu.memory_space<vmem>> -> memref<1x128xi32, #tpu.memory_space<vmem>>
          %dma_start3A_273 = arith.constant 0 : i32
          %dma_start3A_274 = tpu.memref_slice %dma_start3A_272[%run_scoped3A_198, %dma_start3A_273] : memref<1x128xi32, #tpu.memory_space<vmem>> -> memref<1x128xi32, #tpu.memory_space<vmem>>
          %dma_start3A_275 = tpu.memref_squeeze %dma_start3A_274 : memref<1x128xi32, #tpu.memory_space<vmem>> -> memref<128xi32, #tpu.memory_space<vmem>>
          %dma_start3A_276 = arith.constant 0 : i32
          %dma_start3A_277 = arith.constant 0 : i32
          %dma_start3A_278 = tpu.memref_slice %arg2[%dma_start3A_276, %dma_start3A_277] : memref<8192x256xf32, #tpu.memory_space<hbm>> -> memref<8192x256xf32, #tpu.memory_space<hbm>>
          tpu.enqueue_indirect_dma source(%dma_start3A_278 : memref<8192x256xf32, #tpu.memory_space<hbm>>) target(%dma_start3A_268 : memref<128x256xf32, #tpu.memory_space<vmem>>) offsets(%dma_start3A_275 : memref<128xi32, #tpu.memory_space<vmem>>) semaphore(%run_scoped3A_264 : memref<!tpu.dma_semaphore, #tpu.memory_space<semaphore_mem>>)
          %dma_wait3A_279 = arith.constant 0 : i32
          %dma_wait3A_280 = arith.constant 0 : i32
          %dma_wait3A_281 = tpu.memref_slice %run_scoped3A_8[%rem3A_197, %dma_wait3A_279, %dma_wait3A_280] : memref<2x128x256xf32, #tpu.memory_space<vmem>> -> memref<1x128x256xf32, #tpu.memory_space<vmem>>
          %dma_wait3A_282 = tpu.memref_squeeze %dma_wait3A_281 : memref<1x128x256xf32, #tpu.memory_space<vmem>> -> memref<128x256xf32, #tpu.memory_space<vmem>>
          %dma_wait3A_283 = arith.constant 0 : i32
          %dma_wait3A_284 = arith.constant 0 : i32
          %dma_wait3A_285 = tpu.memref_slice %run_scoped3A[%rem3A_195, %dma_wait3A_283, %dma_wait3A_284] : memref<2x1x128xi32, #tpu.memory_space<vmem>> -> memref<1x1x128xi32, #tpu.memory_space<vmem>>
          %dma_wait3A_286 = tpu.memref_squeeze %dma_wait3A_285 : memref<1x1x128xi32, #tpu.memory_space<vmem>> -> memref<1x128xi32, #tpu.memory_space<vmem>>
          %dma_wait3A_287 = arith.constant 0 : i32
          %dma_wait3A_288 = tpu.memref_slice %dma_wait3A_286[%run_scoped3A_198, %dma_wait3A_287] : memref<1x128xi32, #tpu.memory_space<vmem>> -> memref<1x128xi32, #tpu.memory_space<vmem>>
          %dma_wait3A_289 = tpu.memref_squeeze %dma_wait3A_288 : memref<1x128xi32, #tpu.memory_space<vmem>> -> memref<128xi32, #tpu.memory_space<vmem>>
          %dma_wait3A_290 = arith.constant 0 : i32
          %dma_wait3A_291 = arith.constant 0 : i32
          %dma_wait3A_292 = tpu.memref_slice %arg2[%dma_wait3A_290, %dma_wait3A_291] : memref<8192x256xf32, #tpu.memory_space<hbm>> -> memref<8192x256xf32, #tpu.memory_space<hbm>>
          tpu.wait_indirect_dma semaphore(%run_scoped3A_264 : memref<!tpu.dma_semaphore, #tpu.memory_space<semaphore_mem>>) src(%dma_wait3A_292 : memref<8192x256xf32, #tpu.memory_space<hbm>>) dst(%dma_wait3A_282 : memref<128x256xf32, #tpu.memory_space<vmem>>)
          tpu.yield
        }) : () -> ()
        "tpu.trace_stop"() : () -> ()
        %ne3A_199 = arith.cmpi ne, %add3A_131, %add3A_149 : i32
        %or3A_200 = arith.constant false
        %or3A_201 = arith.ori %or3A_200, %ne3A_199 : i1
        %or3A_202 = arith.ori %or3A_201, %eq3A_130 : i1
        %convert_element_type3A_203 = arith.extui %or3A_202 : i1 to i32
        %cond3A_204 = arith.constant 0 : i32
        %cond3A_205 = arith.cmpi ne, %convert_element_type3A_203, %cond3A_204 : i32
        scf.if %cond3A_205 {
        } else {
        }
        %and3A_206 = arith.constant false
        %and3A_207 = arith.andi %or3A_202, %and3A_206 : i1
        %ne3A_208 = arith.cmpi ne, %add3A_131, %add3A_149 : i32
        %or3A_209 = arith.constant false
        %or3A_210 = arith.ori %or3A_209, %ne3A_208 : i1
        %or3A_211 = arith.constant false
        %or3A_212 = arith.ori %or3A_210, %or3A_211 : i1
        %or3A_213 = arith.ori %or3A_212, %eq3A_130 : i1
        %convert_element_type3A_214 = arith.extui %or3A_213 : i1 to i32
        %cond3A_215 = arith.constant 0 : i32
        %cond3A_216 = arith.cmpi ne, %convert_element_type3A_214, %cond3A_215 : i32
        scf.if %cond3A_216 {
          "tpu.trace_start"() <{level = 10 : i32, message = "ep_copy_out"}> : () -> ()
          %rem3A_264 = arith.constant 2 : i32
          %rem3A_265 = arith.remui %scan3A_124, %rem3A_264 : i32
          %mul3A_266 = arith.constant 128 : i32
          %mul3A_267 = arith.muli %mul3A_266, %add3A_131 : i32
          %dma_start3A_268 = arith.constant 0 : i32
          %dma_start3A_269 = arith.constant 0 : i32
          %dma_start3A_270 = tpu.memref_slice %run_scoped3A_8[%rem3A_265, %dma_start3A_268, %dma_start3A_269] : memref<2x128x256xf32, #tpu.memory_space<vmem>> -> memref<1x128x256xf32, #tpu.memory_space<vmem>>
          %dma_start3A_271 = tpu.memref_squeeze %dma_start3A_270 : memref<1x128x256xf32, #tpu.memory_space<vmem>> -> memref<128x256xf32, #tpu.memory_space<vmem>>
          %dma_start3A_272 = arith.constant 0 : i32
          %dma_start3A_273 = tpu.memref_slice %arg4[%mul3A_267, %dma_start3A_272] : memref<8192x256xf32, #tpu.memory_space<hbm>> -> memref<128x256xf32, #tpu.memory_space<hbm>>
          %dma_start3A_274 = tpu.memref_slice %run_scoped3A_9[%rem3A_265] : memref<2x!tpu.dma_semaphore, #tpu.memory_space<semaphore_mem>> -> memref<1x!tpu.dma_semaphore, #tpu.memory_space<semaphore_mem>>
          %dma_start3A_275 = tpu.memref_squeeze %dma_start3A_274 : memref<1x!tpu.dma_semaphore, #tpu.memory_space<semaphore_mem>> -> memref<!tpu.dma_semaphore, #tpu.memory_space<semaphore_mem>>
          %dma_start3A_276 = arith.constant 0 : i32
          %dma_start3A_277 = tpu.memref_slice %arg4[%mul3A_267, %dma_start3A_276] : memref<8192x256xf32, #tpu.memory_space<hbm>> -> memref<128x256xf32, #tpu.memory_space<hbm>>
          %dma_start3A_278 = arith.constant 0 : i32
          %dma_start3A_279 = arith.constant 0 : i32
          %dma_start3A_280 = tpu.memref_slice %run_scoped3A_8[%rem3A_265, %dma_start3A_278, %dma_start3A_279] : memref<2x128x256xf32, #tpu.memory_space<vmem>> -> memref<1x128x256xf32, #tpu.memory_space<vmem>>
          %dma_start3A_281 = tpu.memref_squeeze %dma_start3A_280 : memref<1x128x256xf32, #tpu.memory_space<vmem>> -> memref<128x256xf32, #tpu.memory_space<vmem>>
          tpu.enqueue_dma source(%dma_start3A_281 : memref<128x256xf32, #tpu.memory_space<vmem>>) target(%dma_start3A_277 : memref<128x256xf32, #tpu.memory_space<hbm>>) target_semaphore(%dma_start3A_275 : memref<!tpu.dma_semaphore, #tpu.memory_space<semaphore_mem>>)
          "tpu.trace_stop"() : () -> ()
        } else {
        }
        %and3A_217 = arith.constant true
        %and3A_218 = arith.andi %or3A_213, %and3A_217 : i1
        %add3A_219 = arith.constant 1 : i32
        %add3A_220 = arith.addi %scan3A_124, %add3A_219 : i32
        %select_n3A_221 = arith.select %and3A_218, %add3A_220, %scan3A_124 : i32
        %ne3A_222 = arith.cmpi ne, %add3A_131, %add3A_140 : i32
        %or3A_223 = arith.constant false
        %or3A_224 = arith.ori %or3A_223, %ne3A_222 : i1
        %not3A_225 = arith.constant true
        %not3A_226 = arith.xori %eq3A_128, %not3A_225 : i1
        %and3A_227 = arith.andi %or3A_224, %not3A_226 : i1
        %convert_element_type3A_228 = arith.extui %and3A_227 : i1 to i32
        %cond3A_229 = arith.constant 0 : i32
        %cond3A_230 = arith.cmpi ne, %convert_element_type3A_228, %cond3A_229 : i32
        scf.if %cond3A_230 {
        } else {
        }
        %and3A_231 = arith.constant false
        %and3A_232 = arith.andi %and3A_227, %and3A_231 : i1
        %ne3A_233 = arith.cmpi ne, %add3A_131, %add3A_140 : i32
        %or3A_234 = arith.constant false
        %or3A_235 = arith.ori %or3A_234, %ne3A_233 : i1
        %or3A_236 = arith.constant false
        %or3A_237 = arith.ori %or3A_235, %or3A_236 : i1
        %not3A_238 = arith.constant true
        %not3A_239 = arith.xori %eq3A_128, %not3A_238 : i1
        %and3A_240 = arith.andi %or3A_237, %not3A_239 : i1
        %convert_element_type3A_241 = arith.extui %and3A_240 : i1 to i32
        %cond3A_242 = arith.constant 0 : i32
        %cond3A_243 = arith.cmpi ne, %convert_element_type3A_241, %cond3A_242 : i32
        scf.if %cond3A_243 {
          "tpu.trace_start"() <{level = 10 : i32, message = "ep_wait_out"}> : () -> ()
          %rem3A_264 = arith.constant 2 : i32
          %rem3A_265 = arith.remui %scan3A_125, %rem3A_264 : i32
          %mul3A_266 = arith.constant 128 : i32
          %mul3A_267 = arith.muli %mul3A_266, %add3A_140 : i32
          %dma_wait3A_268 = arith.constant 0 : i32
          %dma_wait3A_269 = arith.constant 0 : i32
          %dma_wait3A_270 = tpu.memref_slice %run_scoped3A_8[%rem3A_265, %dma_wait3A_268, %dma_wait3A_269] : memref<2x128x256xf32, #tpu.memory_space<vmem>> -> memref<1x128x256xf32, #tpu.memory_space<vmem>>
          %dma_wait3A_271 = tpu.memref_squeeze %dma_wait3A_270 : memref<1x128x256xf32, #tpu.memory_space<vmem>> -> memref<128x256xf32, #tpu.memory_space<vmem>>
          %dma_wait3A_272 = arith.constant 0 : i32
          %dma_wait3A_273 = tpu.memref_slice %arg4[%mul3A_267, %dma_wait3A_272] : memref<8192x256xf32, #tpu.memory_space<hbm>> -> memref<128x256xf32, #tpu.memory_space<hbm>>
          %dma_wait3A_274 = tpu.memref_slice %run_scoped3A_9[%rem3A_265] : memref<2x!tpu.dma_semaphore, #tpu.memory_space<semaphore_mem>> -> memref<1x!tpu.dma_semaphore, #tpu.memory_space<semaphore_mem>>
          %dma_wait3A_275 = tpu.memref_squeeze %dma_wait3A_274 : memref<1x!tpu.dma_semaphore, #tpu.memory_space<semaphore_mem>> -> memref<!tpu.dma_semaphore, #tpu.memory_space<semaphore_mem>>
          %dma_wait3A_276 = arith.constant 0 : i32
          %dma_wait3A_277 = tpu.memref_slice %arg4[%mul3A_267, %dma_wait3A_276] : memref<8192x256xf32, #tpu.memory_space<hbm>> -> memref<128x256xf32, #tpu.memory_space<hbm>>
          %dma_wait3A_278 = arith.constant 0 : i32
          %dma_wait3A_279 = arith.constant 0 : i32
          %dma_wait3A_280 = tpu.memref_slice %run_scoped3A_8[%rem3A_265, %dma_wait3A_278, %dma_wait3A_279] : memref<2x128x256xf32, #tpu.memory_space<vmem>> -> memref<1x128x256xf32, #tpu.memory_space<vmem>>
          %dma_wait3A_281 = tpu.memref_squeeze %dma_wait3A_280 : memref<1x128x256xf32, #tpu.memory_space<vmem>> -> memref<128x256xf32, #tpu.memory_space<vmem>>
          tpu.wait_dma2 semaphore(%dma_wait3A_275 : memref<!tpu.dma_semaphore, #tpu.memory_space<semaphore_mem>>) src(%dma_wait3A_281 : memref<128x256xf32, #tpu.memory_space<vmem>>) dst(%dma_wait3A_277 : memref<128x256xf32, #tpu.memory_space<hbm>>)
          "tpu.trace_stop"() : () -> ()
        } else {
        }
        %and3A_244 = arith.constant true
        %and3A_245 = arith.andi %and3A_240, %and3A_244 : i1
        %add3A_246 = arith.constant 1 : i32
        %add3A_247 = arith.addi %scan3A_125, %add3A_246 : i32
        %select_n3A_248 = arith.select %and3A_245, %add3A_247, %scan3A_125 : i32
        %ne3A_249 = arith.cmpi ne, %add3A_131, %add3A_149 : i32
        %or3A_250 = arith.constant false
        %or3A_251 = arith.ori %or3A_250, %ne3A_249 : i1
        %or3A_252 = arith.ori %or3A_251, %eq3A_130 : i1
        %add3A_253 = arith.constant 1 : i32
        %add3A_254 = arith.addi %scan3A_123, %add3A_253 : i32
        %select_n3A_255 = arith.select %or3A_252, %add3A_254, %scan3A_123 : i32
        %add3A_256 = arith.constant 1 : i32
        %add3A_257 = arith.addi %scan3A_126, %add3A_256 : i32
        %select_n3A_258 = arith.constant true
        %select_n3A_259 = arith.select %select_n3A_258, %add3A_257, %scan3A_126 : i32
        %eq3A_260 = arith.constant 2 : i32
        %eq3A_261 = arith.cmpi eq, %select_n3A_259, %eq3A_260 : i32
        %select_n3A_262 = arith.constant 0 : i32
        %select_n3A_263 = arith.select %eq3A_261, %select_n3A_262, %select_n3A_259 : i32
        scf.yield %select_n3A_167, %select_n3A_255, %select_n3A_221, %select_n3A_248, %select_n3A_263 : i32, i32, i32, i32, i32
      }
      %scan3A_68 = arith.constant 2 : i32
      %sub3A = arith.constant 1 : i32
      %sub3A_69 = arith.subi %scan3A_67#4, %sub3A : i32
      %select_n3A_70 = arith.constant true
      %select_n3A_71 = arith.select %select_n3A_70, %sub3A_69, %scan3A_67#4 : i32
      %eq3A_72 = arith.constant -1 : i32
      %eq3A_73 = arith.cmpi eq, %select_n3A_71, %eq3A_72 : i32
      %select_n3A_74 = arith.constant 1 : i32
      %select_n3A_75 = arith.select %eq3A_73, %select_n3A_74, %select_n3A_71 : i32
      %add3A_76 = arith.addi %select_n3A_75, %mul3A_6 : i32
      %sub3A_77 = arith.constant 1 : i32
      %sub3A_78 = arith.subi %select_n3A_75, %sub3A_77 : i32
      %select_n3A_79 = arith.constant true
      %select_n3A_80 = arith.select %select_n3A_79, %sub3A_78, %select_n3A_75 : i32
      %eq3A_81 = arith.constant -1 : i32
      %eq3A_82 = arith.cmpi eq, %select_n3A_80, %eq3A_81 : i32
      %select_n3A_83 = arith.constant 1 : i32
      %select_n3A_84 = arith.select %eq3A_82, %select_n3A_83, %select_n3A_80 : i32
      %add3A_85 = arith.addi %select_n3A_84, %mul3A_6 : i32
      %add3A_86 = arith.constant 1 : i32
      %add3A_87 = arith.addi %select_n3A_75, %add3A_86 : i32
      %select_n3A_88 = arith.constant true
      %select_n3A_89 = arith.select %select_n3A_88, %add3A_87, %select_n3A_75 : i32
      %eq3A_90 = arith.constant 2 : i32
      %eq3A_91 = arith.cmpi eq, %select_n3A_89, %eq3A_90 : i32
      %select_n3A_92 = arith.constant 0 : i32
      %select_n3A_93 = arith.select %eq3A_91, %select_n3A_92, %select_n3A_89 : i32
      %add3A_94 = arith.addi %select_n3A_93, %mul3A_6 : i32
      %add3A_95 = arith.constant 1 : i32
      %add3A_96 = arith.addi %select_n3A_93, %add3A_95 : i32
      %select_n3A_97 = arith.constant true
      %select_n3A_98 = arith.select %select_n3A_97, %add3A_96, %select_n3A_93 : i32
      %eq3A_99 = arith.constant 2 : i32
      %eq3A_100 = arith.cmpi eq, %select_n3A_98, %eq3A_99 : i32
      %select_n3A_101 = arith.constant 0 : i32
      %select_n3A_102 = arith.select %eq3A_100, %select_n3A_101, %select_n3A_98 : i32
      %add3A_103 = arith.addi %select_n3A_102, %mul3A_6 : i32
      "tpu.trace_start"() <{level = 10 : i32, message = "ep_finalize"}> : () -> ()
      %rem3A_104 = arith.constant 2 : i32
      %rem3A_105 = arith.remui %scan3A_67#3, %rem3A_104 : i32
      %mul3A_106 = arith.constant 128 : i32
      %mul3A_107 = arith.muli %mul3A_106, %add3A_76 : i32
      %dma_wait3A = arith.constant 0 : i32
      %dma_wait3A_108 = arith.constant 0 : i32
      %dma_wait3A_109 = tpu.memref_slice %run_scoped3A_8[%rem3A_105, %dma_wait3A, %dma_wait3A_108] : memref<2x128x256xf32, #tpu.memory_space<vmem>> -> memref<1x128x256xf32, #tpu.memory_space<vmem>>
      %dma_wait3A_110 = tpu.memref_squeeze %dma_wait3A_109 : memref<1x128x256xf32, #tpu.memory_space<vmem>> -> memref<128x256xf32, #tpu.memory_space<vmem>>
      %dma_wait3A_111 = arith.constant 0 : i32
      %dma_wait3A_112 = tpu.memref_slice %arg4[%mul3A_107, %dma_wait3A_111] : memref<8192x256xf32, #tpu.memory_space<hbm>> -> memref<128x256xf32, #tpu.memory_space<hbm>>
      %dma_wait3A_113 = tpu.memref_slice %run_scoped3A_9[%rem3A_105] : memref<2x!tpu.dma_semaphore, #tpu.memory_space<semaphore_mem>> -> memref<1x!tpu.dma_semaphore, #tpu.memory_space<semaphore_mem>>
      %dma_wait3A_114 = tpu.memref_squeeze %dma_wait3A_113 : memref<1x!tpu.dma_semaphore, #tpu.memory_space<semaphore_mem>> -> memref<!tpu.dma_semaphore, #tpu.memory_space<semaphore_mem>>
      %dma_wait3A_115 = arith.constant 0 : i32
      %dma_wait3A_116 = tpu.memref_slice %arg4[%mul3A_107, %dma_wait3A_115] : memref<8192x256xf32, #tpu.memory_space<hbm>> -> memref<128x256xf32, #tpu.memory_space<hbm>>
      %dma_wait3A_117 = arith.constant 0 : i32
      %dma_wait3A_118 = arith.constant 0 : i32
      %dma_wait3A_119 = tpu.memref_slice %run_scoped3A_8[%rem3A_105, %dma_wait3A_117, %dma_wait3A_118] : memref<2x128x256xf32, #tpu.memory_space<vmem>> -> memref<1x128x256xf32, #tpu.memory_space<vmem>>
      %dma_wait3A_120 = tpu.memref_squeeze %dma_wait3A_119 : memref<1x128x256xf32, #tpu.memory_space<vmem>> -> memref<128x256xf32, #tpu.memory_space<vmem>>
      tpu.wait_dma2 semaphore(%dma_wait3A_114 : memref<!tpu.dma_semaphore, #tpu.memory_space<semaphore_mem>>) src(%dma_wait3A_120 : memref<128x256xf32, #tpu.memory_space<vmem>>) dst(%dma_wait3A_116 : memref<128x256xf32, #tpu.memory_space<hbm>>)
      "tpu.trace_stop"() : () -> ()
      tpu.yield
    }) : () -> ()
    return
  }
}

module attributes {stable_mosaic.version = 14 : i64} {
  func.func @_vq_body(%arg0: i32, %arg1: memref<256x256xf32, #tpu.memory_space<vmem>>, %arg2: memref<256x1xf32, #tpu.memory_space<vmem>>, %arg3: memref<256x8192xf32, #tpu.memory_space<vmem>>, %arg4: memref<1x8192xf32, #tpu.memory_space<vmem>>, %arg5: memref<1x8192xf32, #tpu.memory_space<vmem>>, %arg6: memref<1x256xf32, #tpu.memory_space<vmem>>, %arg7: memref<1x256xi32, #tpu.memory_space<vmem>>, %arg8: memref<256x8192xf32, #tpu.memory_space<vmem>>, %arg9: memref<1x8192xf32, #tpu.memory_space<vmem>>, %arg10: memref<1x1xf32, #tpu.memory_space<vmem>>, %arg11: memref<1x1xf32, #tpu.memory_space<vmem>>, %arg12: memref<1x1xf32, #tpu.memory_space<vmem>>) attributes {dimension_semantics = [#tpu.dimension_semantics<arbitrary>], iteration_bounds = array<i64: 32>, scalar_prefetch = 0 : i64, scratch_operands = 1 : i64, tpu.core_type = #tpu.core_type<tc>, window_params = [{transform_indices = @transform_0, window_bounds = array<i64: 256, 256>}, {transform_indices = @transform_1, window_bounds = array<i64: 256, 1>}, {pipeline_mode = #tpu.pipeline_mode<synchronous>, transform_indices = @transform_2, window_bounds = array<i64: 256, 8192>}, {pipeline_mode = #tpu.pipeline_mode<synchronous>, transform_indices = @transform_3, window_bounds = array<i64: 1, 8192>}, {pipeline_mode = #tpu.pipeline_mode<synchronous>, transform_indices = @transform_4, window_bounds = array<i64: 1, 8192>}, {pipeline_mode = #tpu.pipeline_mode<synchronous>, transform_indices = @transform_5, window_bounds = array<i64: 1, 256>}, {transform_indices = @transform_6, window_bounds = array<i64: 1, 256>}, {transform_indices = @transform_7, window_bounds = array<i64: 256, 8192>}, {pipeline_mode = #tpu.pipeline_mode<synchronous>, transform_indices = @transform_8, window_bounds = array<i64: 1, 8192>}, {pipeline_mode = #tpu.pipeline_mode<synchronous>, transform_indices = @transform_9, window_bounds = array<i64: 1, 1>}, {pipeline_mode = #tpu.pipeline_mode<synchronous>, transform_indices = @transform_10, window_bounds = array<i64: 1, 1>}]} {
    %get3A = arith.constant 0 : index
    %get3A_0 = arith.constant 0 : index
    %get3A_1 = vector.load %arg1[%get3A, %get3A_0] : memref<256x256xf32, #tpu.memory_space<vmem>>, vector<256x256xf32>
    %get3A_2 = arith.constant 0 : index
    %get3A_3 = arith.constant 0 : index
    %get3A_4 = vector.load %arg3[%get3A_2, %get3A_3] : memref<256x8192xf32, #tpu.memory_space<vmem>>, vector<256x8192xf32>
    %dot_general3A = arith.constant dense<0.000000e+00> : vector<256x8192xf32>
    %dot_general3A_5 = tpu.matmul %get3A_1, %get3A_4, %dot_general3A {dimension_numbers = #tpu.dot_dimension_numbers<[1], [0], [0], [1], [0, 0, 1, 1], [], []>, transpose_lhs_hint = false} : vector<256x256xf32>, vector<256x8192xf32>, vector<256x8192xf32> -> vector<256x8192xf32>
    %get3A_6 = arith.constant 0 : index
    %get3A_7 = arith.constant 0 : index
    %get3A_8 = vector.load %arg5[%get3A_6, %get3A_7] : memref<1x8192xf32, #tpu.memory_space<vmem>>, vector<1x8192xf32>
    %get3A_9 = arith.constant 0 : index
    %get3A_10 = arith.constant 0 : index
    %get3A_11 = vector.load %arg2[%get3A_9, %get3A_10] : memref<256x1xf32, #tpu.memory_space<vmem>>, vector<16x1xf32>
    %get3A_12 = arith.constant 0 : index
    %get3A_13 = arith.constant 0 : index
    %get3A_14 = vector.load %arg4[%get3A_12, %get3A_13] : memref<1x8192xf32, #tpu.memory_space<vmem>>, vector<1x1024xf32>
    %add3A = vector.broadcast %get3A_11 : vector<16x1xf32> to vector<16x1024xf32>
    %add3A_15 = vector.broadcast %get3A_14 : vector<1x1024xf32> to vector<16x1024xf32>
    %add3A_16 = arith.addf %add3A, %add3A_15 : vector<16x1024xf32>
    %slice3A = vector.extract_strided_slice %dot_general3A_5 {offsets = [0, 0], sizes = [16, 1024], strides = [1, 1]} : vector<256x8192xf32> to vector<16x1024xf32>
    %sub3A = arith.subf %add3A_16, %slice3A : vector<16x1024xf32>
    %slice3A_17 = vector.extract_strided_slice %get3A_8 {offsets = [0, 0], sizes = [1, 1024], strides = [1, 1]} : vector<1x8192xf32> to vector<1x1024xf32>
    %broadcast_in_dim3A = vector.shape_cast %slice3A_17 : vector<1x1024xf32> to vector<1x1024xf32>
    %broadcast_in_dim3A_18 = vector.broadcast %broadcast_in_dim3A : vector<1x1024xf32> to vector<16x1024xf32>
    %get3A_19 = arith.constant 0 : index
    %get3A_20 = arith.constant 1024 : index
    %get3A_21 = vector.load %arg4[%get3A_19, %get3A_20] : memref<1x8192xf32, #tpu.memory_space<vmem>>, vector<1x1024xf32>
    %add3A_22 = vector.broadcast %get3A_11 : vector<16x1xf32> to vector<16x1024xf32>
    %add3A_23 = vector.broadcast %get3A_21 : vector<1x1024xf32> to vector<16x1024xf32>
    %add3A_24 = arith.addf %add3A_22, %add3A_23 : vector<16x1024xf32>
    %slice3A_25 = vector.extract_strided_slice %dot_general3A_5 {offsets = [0, 1024], sizes = [16, 1024], strides = [1, 1]} : vector<256x8192xf32> to vector<16x1024xf32>
    %sub3A_26 = arith.subf %add3A_24, %slice3A_25 : vector<16x1024xf32>
    %slice3A_27 = vector.extract_strided_slice %get3A_8 {offsets = [0, 1024], sizes = [1, 1024], strides = [1, 1]} : vector<1x8192xf32> to vector<1x1024xf32>
    %lt3A = arith.cmpf olt, %sub3A_26, %sub3A : vector<16x1024xf32>
    %broadcast_in_dim3A_28 = vector.shape_cast %slice3A_27 : vector<1x1024xf32> to vector<1x1024xf32>
    %broadcast_in_dim3A_29 = vector.broadcast %broadcast_in_dim3A_28 : vector<1x1024xf32> to vector<16x1024xf32>
    %select_n3A = arith.select %lt3A, %broadcast_in_dim3A_29, %broadcast_in_dim3A_18 : vector<16x1024xi1>, vector<16x1024xf32>
    %min3A = arith.minimumf %sub3A_26, %sub3A : vector<16x1024xf32>
    %get3A_30 = arith.constant 0 : index
    %get3A_31 = arith.constant 2048 : index
    %get3A_32 = vector.load %arg4[%get3A_30, %get3A_31] : memref<1x8192xf32, #tpu.memory_space<vmem>>, vector<1x1024xf32>
    %add3A_33 = vector.broadcast %get3A_11 : vector<16x1xf32> to vector<16x1024xf32>
    %add3A_34 = vector.broadcast %get3A_32 : vector<1x1024xf32> to vector<16x1024xf32>
    %add3A_35 = arith.addf %add3A_33, %add3A_34 : vector<16x1024xf32>
    %slice3A_36 = vector.extract_strided_slice %dot_general3A_5 {offsets = [0, 2048], sizes = [16, 1024], strides = [1, 1]} : vector<256x8192xf32> to vector<16x1024xf32>
    %sub3A_37 = arith.subf %add3A_35, %slice3A_36 : vector<16x1024xf32>
    %slice3A_38 = vector.extract_strided_slice %get3A_8 {offsets = [0, 2048], sizes = [1, 1024], strides = [1, 1]} : vector<1x8192xf32> to vector<1x1024xf32>
    %lt3A_39 = arith.cmpf olt, %sub3A_37, %min3A : vector<16x1024xf32>
    %broadcast_in_dim3A_40 = vector.shape_cast %slice3A_38 : vector<1x1024xf32> to vector<1x1024xf32>
    %broadcast_in_dim3A_41 = vector.broadcast %broadcast_in_dim3A_40 : vector<1x1024xf32> to vector<16x1024xf32>
    %select_n3A_42 = arith.select %lt3A_39, %broadcast_in_dim3A_41, %select_n3A : vector<16x1024xi1>, vector<16x1024xf32>
    %min3A_43 = arith.minimumf %sub3A_37, %min3A : vector<16x1024xf32>
    %get3A_44 = arith.constant 0 : index
    %get3A_45 = arith.constant 3072 : index
    %get3A_46 = vector.load %arg4[%get3A_44, %get3A_45] : memref<1x8192xf32, #tpu.memory_space<vmem>>, vector<1x1024xf32>
    %add3A_47 = vector.broadcast %get3A_11 : vector<16x1xf32> to vector<16x1024xf32>
    %add3A_48 = vector.broadcast %get3A_46 : vector<1x1024xf32> to vector<16x1024xf32>
    %add3A_49 = arith.addf %add3A_47, %add3A_48 : vector<16x1024xf32>
    %slice3A_50 = vector.extract_strided_slice %dot_general3A_5 {offsets = [0, 3072], sizes = [16, 1024], strides = [1, 1]} : vector<256x8192xf32> to vector<16x1024xf32>
    %sub3A_51 = arith.subf %add3A_49, %slice3A_50 : vector<16x1024xf32>
    %slice3A_52 = vector.extract_strided_slice %get3A_8 {offsets = [0, 3072], sizes = [1, 1024], strides = [1, 1]} : vector<1x8192xf32> to vector<1x1024xf32>
    %lt3A_53 = arith.cmpf olt, %sub3A_51, %min3A_43 : vector<16x1024xf32>
    %broadcast_in_dim3A_54 = vector.shape_cast %slice3A_52 : vector<1x1024xf32> to vector<1x1024xf32>
    %broadcast_in_dim3A_55 = vector.broadcast %broadcast_in_dim3A_54 : vector<1x1024xf32> to vector<16x1024xf32>
    %select_n3A_56 = arith.select %lt3A_53, %broadcast_in_dim3A_55, %select_n3A_42 : vector<16x1024xi1>, vector<16x1024xf32>
    %min3A_57 = arith.minimumf %sub3A_51, %min3A_43 : vector<16x1024xf32>
    %get3A_58 = arith.constant 0 : index
    %get3A_59 = arith.constant 4096 : index
    %get3A_60 = vector.load %arg4[%get3A_58, %get3A_59] : memref<1x8192xf32, #tpu.memory_space<vmem>>, vector<1x1024xf32>
    %add3A_61 = vector.broadcast %get3A_11 : vector<16x1xf32> to vector<16x1024xf32>
    %add3A_62 = vector.broadcast %get3A_60 : vector<1x1024xf32> to vector<16x1024xf32>
    %add3A_63 = arith.addf %add3A_61, %add3A_62 : vector<16x1024xf32>
    %slice3A_64 = vector.extract_strided_slice %dot_general3A_5 {offsets = [0, 4096], sizes = [16, 1024], strides = [1, 1]} : vector<256x8192xf32> to vector<16x1024xf32>
    %sub3A_65 = arith.subf %add3A_63, %slice3A_64 : vector<16x1024xf32>
    %slice3A_66 = vector.extract_strided_slice %get3A_8 {offsets = [0, 4096], sizes = [1, 1024], strides = [1, 1]} : vector<1x8192xf32> to vector<1x1024xf32>
    %lt3A_67 = arith.cmpf olt, %sub3A_65, %min3A_57 : vector<16x1024xf32>
    %broadcast_in_dim3A_68 = vector.shape_cast %slice3A_66 : vector<1x1024xf32> to vector<1x1024xf32>
    %broadcast_in_dim3A_69 = vector.broadcast %broadcast_in_dim3A_68 : vector<1x1024xf32> to vector<16x1024xf32>
    %select_n3A_70 = arith.select %lt3A_67, %broadcast_in_dim3A_69, %select_n3A_56 : vector<16x1024xi1>, vector<16x1024xf32>
    %min3A_71 = arith.minimumf %sub3A_65, %min3A_57 : vector<16x1024xf32>
    %get3A_72 = arith.constant 0 : index
    %get3A_73 = arith.constant 5120 : index
    %get3A_74 = vector.load %arg4[%get3A_72, %get3A_73] : memref<1x8192xf32, #tpu.memory_space<vmem>>, vector<1x1024xf32>
    %add3A_75 = vector.broadcast %get3A_11 : vector<16x1xf32> to vector<16x1024xf32>
    %add3A_76 = vector.broadcast %get3A_74 : vector<1x1024xf32> to vector<16x1024xf32>
    %add3A_77 = arith.addf %add3A_75, %add3A_76 : vector<16x1024xf32>
    %slice3A_78 = vector.extract_strided_slice %dot_general3A_5 {offsets = [0, 5120], sizes = [16, 1024], strides = [1, 1]} : vector<256x8192xf32> to vector<16x1024xf32>
    %sub3A_79 = arith.subf %add3A_77, %slice3A_78 : vector<16x1024xf32>
    %slice3A_80 = vector.extract_strided_slice %get3A_8 {offsets = [0, 5120], sizes = [1, 1024], strides = [1, 1]} : vector<1x8192xf32> to vector<1x1024xf32>
    %lt3A_81 = arith.cmpf olt, %sub3A_79, %min3A_71 : vector<16x1024xf32>
    %broadcast_in_dim3A_82 = vector.shape_cast %slice3A_80 : vector<1x1024xf32> to vector<1x1024xf32>
    %broadcast_in_dim3A_83 = vector.broadcast %broadcast_in_dim3A_82 : vector<1x1024xf32> to vector<16x1024xf32>
    %select_n3A_84 = arith.select %lt3A_81, %broadcast_in_dim3A_83, %select_n3A_70 : vector<16x1024xi1>, vector<16x1024xf32>
    %min3A_85 = arith.minimumf %sub3A_79, %min3A_71 : vector<16x1024xf32>
    %get3A_86 = arith.constant 0 : index
    %get3A_87 = arith.constant 6144 : index
    %get3A_88 = vector.load %arg4[%get3A_86, %get3A_87] : memref<1x8192xf32, #tpu.memory_space<vmem>>, vector<1x1024xf32>
    %add3A_89 = vector.broadcast %get3A_11 : vector<16x1xf32> to vector<16x1024xf32>
    %add3A_90 = vector.broadcast %get3A_88 : vector<1x1024xf32> to vector<16x1024xf32>
    %add3A_91 = arith.addf %add3A_89, %add3A_90 : vector<16x1024xf32>
    %slice3A_92 = vector.extract_strided_slice %dot_general3A_5 {offsets = [0, 6144], sizes = [16, 1024], strides = [1, 1]} : vector<256x8192xf32> to vector<16x1024xf32>
    %sub3A_93 = arith.subf %add3A_91, %slice3A_92 : vector<16x1024xf32>
    %slice3A_94 = vector.extract_strided_slice %get3A_8 {offsets = [0, 6144], sizes = [1, 1024], strides = [1, 1]} : vector<1x8192xf32> to vector<1x1024xf32>
    %lt3A_95 = arith.cmpf olt, %sub3A_93, %min3A_85 : vector<16x1024xf32>
    %broadcast_in_dim3A_96 = vector.shape_cast %slice3A_94 : vector<1x1024xf32> to vector<1x1024xf32>
    %broadcast_in_dim3A_97 = vector.broadcast %broadcast_in_dim3A_96 : vector<1x1024xf32> to vector<16x1024xf32>
    %select_n3A_98 = arith.select %lt3A_95, %broadcast_in_dim3A_97, %select_n3A_84 : vector<16x1024xi1>, vector<16x1024xf32>
    %min3A_99 = arith.minimumf %sub3A_93, %min3A_85 : vector<16x1024xf32>
    %get3A_100 = arith.constant 0 : index
    %get3A_101 = arith.constant 7168 : index
    %get3A_102 = vector.load %arg4[%get3A_100, %get3A_101] : memref<1x8192xf32, #tpu.memory_space<vmem>>, vector<1x1024xf32>
    %add3A_103 = vector.broadcast %get3A_11 : vector<16x1xf32> to vector<16x1024xf32>
    %add3A_104 = vector.broadcast %get3A_102 : vector<1x1024xf32> to vector<16x1024xf32>
    %add3A_105 = arith.addf %add3A_103, %add3A_104 : vector<16x1024xf32>
    %slice3A_106 = vector.extract_strided_slice %dot_general3A_5 {offsets = [0, 7168], sizes = [16, 1024], strides = [1, 1]} : vector<256x8192xf32> to vector<16x1024xf32>
    %sub3A_107 = arith.subf %add3A_105, %slice3A_106 : vector<16x1024xf32>
    %slice3A_108 = vector.extract_strided_slice %get3A_8 {offsets = [0, 7168], sizes = [1, 1024], strides = [1, 1]} : vector<1x8192xf32> to vector<1x1024xf32>
    %lt3A_109 = arith.cmpf olt, %sub3A_107, %min3A_99 : vector<16x1024xf32>
    %broadcast_in_dim3A_110 = vector.shape_cast %slice3A_108 : vector<1x1024xf32> to vector<1x1024xf32>
    %broadcast_in_dim3A_111 = vector.broadcast %broadcast_in_dim3A_110 : vector<1x1024xf32> to vector<16x1024xf32>
    %select_n3A_112 = arith.select %lt3A_109, %broadcast_in_dim3A_111, %select_n3A_98 : vector<16x1024xi1>, vector<16x1024xf32>
    %min3A_113 = arith.minimumf %sub3A_107, %min3A_99 : vector<16x1024xf32>
    %reduce_min3A = arith.constant dense<0x7F800000> : vector<16xf32>
    %reduce_min3A_114 = vector.multi_reduction <minimumf>, %min3A_113, %reduce_min3A [1] : vector<16x1024xf32> to vector<16xf32>
    %broadcast_in_dim3A_115 = vector.shape_cast %reduce_min3A_114 : vector<16xf32> to vector<16x1xf32>
    %eq3A = vector.broadcast %broadcast_in_dim3A_115 : vector<16x1xf32> to vector<16x1024xf32>
    %eq3A_116 = arith.cmpf oeq, %min3A_113, %eq3A : vector<16x1024xf32>
    %jit3A = arith.constant 8.192000e+03 : f32
    %broadcast_in_dim3A_117 = vector.broadcast %jit3A : f32 to vector<16x1024xf32>
    %select_n3A_118 = arith.select %eq3A_116, %select_n3A_112, %broadcast_in_dim3A_117 : vector<16x1024xi1>, vector<16x1024xf32>
    %reduce_min3A_119 = arith.constant dense<0x7F800000> : vector<16xf32>
    %reduce_min3A_120 = vector.multi_reduction <minimumf>, %select_n3A_118, %reduce_min3A_119 [1] : vector<16x1024xf32> to vector<16xf32>
    %broadcast_in_dim3A_121 = vector.shape_cast %reduce_min3A_120 : vector<16xf32> to vector<16x1xf32>
    %eq3A_122 = vector.broadcast %get3A_8 : vector<1x8192xf32> to vector<16x8192xf32>
    %eq3A_123 = vector.broadcast %broadcast_in_dim3A_121 : vector<16x1xf32> to vector<16x8192xf32>
    %eq3A_124 = arith.cmpf oeq, %eq3A_122, %eq3A_123 : vector<16x8192xf32>
    %jit3A_125 = arith.constant 1.000000e+00 : f32
    %jit3A_126 = arith.constant 0.000000e+00 : f32
    %broadcast_in_dim3A_127 = vector.broadcast %jit3A_125 : f32 to vector<16x8192xf32>
    %broadcast_in_dim3A_128 = vector.broadcast %jit3A_126 : f32 to vector<16x8192xf32>
    %select_n3A_129 = arith.select %eq3A_124, %broadcast_in_dim3A_127, %broadcast_in_dim3A_128 : vector<16x8192xi1>, vector<16x8192xf32>
    %swap3A = arith.constant 0 : index
    %swap3A_130 = arith.constant 0 : index
    %swap3A_131 = vector.load %arg8[%swap3A, %swap3A_130] : memref<256x8192xf32, #tpu.memory_space<vmem>>, vector<16x8192xf32>
    tpu.vector_store %arg8[%swap3A, %swap3A_130], %select_n3A_129 {strides = array<i32>} : memref<256x8192xf32, #tpu.memory_space<vmem>>, vector<16x8192xf32>,
    %get3A_132 = arith.constant 16 : index
    %get3A_133 = arith.constant 0 : index
    %get3A_134 = vector.load %arg2[%get3A_132, %get3A_133] : memref<256x1xf32, #tpu.memory_space<vmem>>, vector<16x1xf32>
    %get3A_135 = arith.constant 0 : index
    %get3A_136 = arith.constant 0 : index
    %get3A_137 = vector.load %arg4[%get3A_135, %get3A_136] : memref<1x8192xf32, #tpu.memory_space<vmem>>, vector<1x1024xf32>
    %add3A_138 = vector.broadcast %get3A_134 : vector<16x1xf32> to vector<16x1024xf32>
    %add3A_139 = vector.broadcast %get3A_137 : vector<1x1024xf32> to vector<16x1024xf32>
    %add3A_140 = arith.addf %add3A_138, %add3A_139 : vector<16x1024xf32>
    %slice3A_141 = vector.extract_strided_slice %dot_general3A_5 {offsets = [16, 0], sizes = [16, 1024], strides = [1, 1]} : vector<256x8192xf32> to vector<16x1024xf32>
    %sub3A_142 = arith.subf %add3A_140, %slice3A_141 : vector<16x1024xf32>
    %slice3A_143 = vector.extract_strided_slice %get3A_8 {offsets = [0, 0], sizes = [1, 1024], strides = [1, 1]} : vector<1x8192xf32> to vector<1x1024xf32>
    %broadcast_in_dim3A_144 = vector.shape_cast %slice3A_143 : vector<1x1024xf32> to vector<1x1024xf32>
    %broadcast_in_dim3A_145 = vector.broadcast %broadcast_in_dim3A_144 : vector<1x1024xf32> to vector<16x1024xf32>
    %get3A_146 = arith.constant 0 : index
    %get3A_147 = arith.constant 1024 : index
    %get3A_148 = vector.load %arg4[%get3A_146, %get3A_147] : memref<1x8192xf32, #tpu.memory_space<vmem>>, vector<1x1024xf32>
    %add3A_149 = vector.broadcast %get3A_134 : vector<16x1xf32> to vector<16x1024xf32>
    %add3A_150 = vector.broadcast %get3A_148 : vector<1x1024xf32> to vector<16x1024xf32>
    %add3A_151 = arith.addf %add3A_149, %add3A_150 : vector<16x1024xf32>
    %slice3A_152 = vector.extract_strided_slice %dot_general3A_5 {offsets = [16, 1024], sizes = [16, 1024], strides = [1, 1]} : vector<256x8192xf32> to vector<16x1024xf32>
    %sub3A_153 = arith.subf %add3A_151, %slice3A_152 : vector<16x1024xf32>
    %slice3A_154 = vector.extract_strided_slice %get3A_8 {offsets = [0, 1024], sizes = [1, 1024], strides = [1, 1]} : vector<1x8192xf32> to vector<1x1024xf32>
    %lt3A_155 = arith.cmpf olt, %sub3A_153, %sub3A_142 : vector<16x1024xf32>
    %broadcast_in_dim3A_156 = vector.shape_cast %slice3A_154 : vector<1x1024xf32> to vector<1x1024xf32>
    %broadcast_in_dim3A_157 = vector.broadcast %broadcast_in_dim3A_156 : vector<1x1024xf32> to vector<16x1024xf32>
    %select_n3A_158 = arith.select %lt3A_155, %broadcast_in_dim3A_157, %broadcast_in_dim3A_145 : vector<16x1024xi1>, vector<16x1024xf32>
    %min3A_159 = arith.minimumf %sub3A_153, %sub3A_142 : vector<16x1024xf32>
    %get3A_160 = arith.constant 0 : index
    %get3A_161 = arith.constant 2048 : index
    %get3A_162 = vector.load %arg4[%get3A_160, %get3A_161] : memref<1x8192xf32, #tpu.memory_space<vmem>>, vector<1x1024xf32>
    %add3A_163 = vector.broadcast %get3A_134 : vector<16x1xf32> to vector<16x1024xf32>
    %add3A_164 = vector.broadcast %get3A_162 : vector<1x1024xf32> to vector<16x1024xf32>
    %add3A_165 = arith.addf %add3A_163, %add3A_164 : vector<16x1024xf32>
    %slice3A_166 = vector.extract_strided_slice %dot_general3A_5 {offsets = [16, 2048], sizes = [16, 1024], strides = [1, 1]} : vector<256x8192xf32> to vector<16x1024xf32>
    %sub3A_167 = arith.subf %add3A_165, %slice3A_166 : vector<16x1024xf32>
    %slice3A_168 = vector.extract_strided_slice %get3A_8 {offsets = [0, 2048], sizes = [1, 1024], strides = [1, 1]} : vector<1x8192xf32> to vector<1x1024xf32>
    %lt3A_169 = arith.cmpf olt, %sub3A_167, %min3A_159 : vector<16x1024xf32>
    %broadcast_in_dim3A_170 = vector.shape_cast %slice3A_168 : vector<1x1024xf32> to vector<1x1024xf32>
    %broadcast_in_dim3A_171 = vector.broadcast %broadcast_in_dim3A_170 : vector<1x1024xf32> to vector<16x1024xf32>
    %select_n3A_172 = arith.select %lt3A_169, %broadcast_in_dim3A_171, %select_n3A_158 : vector<16x1024xi1>, vector<16x1024xf32>
    %min3A_173 = arith.minimumf %sub3A_167, %min3A_159 : vector<16x1024xf32>
    %get3A_174 = arith.constant 0 : index
    %get3A_175 = arith.constant 3072 : index
    %get3A_176 = vector.load %arg4[%get3A_174, %get3A_175] : memref<1x8192xf32, #tpu.memory_space<vmem>>, vector<1x1024xf32>
    %add3A_177 = vector.broadcast %get3A_134 : vector<16x1xf32> to vector<16x1024xf32>
    %add3A_178 = vector.broadcast %get3A_176 : vector<1x1024xf32> to vector<16x1024xf32>
    %add3A_179 = arith.addf %add3A_177, %add3A_178 : vector<16x1024xf32>
    %slice3A_180 = vector.extract_strided_slice %dot_general3A_5 {offsets = [16, 3072], sizes = [16, 1024], strides = [1, 1]} : vector<256x8192xf32> to vector<16x1024xf32>
    %sub3A_181 = arith.subf %add3A_179, %slice3A_180 : vector<16x1024xf32>
    %slice3A_182 = vector.extract_strided_slice %get3A_8 {offsets = [0, 3072], sizes = [1, 1024], strides = [1, 1]} : vector<1x8192xf32> to vector<1x1024xf32>
    %lt3A_183 = arith.cmpf olt, %sub3A_181, %min3A_173 : vector<16x1024xf32>
    %broadcast_in_dim3A_184 = vector.shape_cast %slice3A_182 : vector<1x1024xf32> to vector<1x1024xf32>
    %broadcast_in_dim3A_185 = vector.broadcast %broadcast_in_dim3A_184 : vector<1x1024xf32> to vector<16x1024xf32>
    %select_n3A_186 = arith.select %lt3A_183, %broadcast_in_dim3A_185, %select_n3A_172 : vector<16x1024xi1>, vector<16x1024xf32>
    %min3A_187 = arith.minimumf %sub3A_181, %min3A_173 : vector<16x1024xf32>
    %get3A_188 = arith.constant 0 : index
    %get3A_189 = arith.constant 4096 : index
    %get3A_190 = vector.load %arg4[%get3A_188, %get3A_189] : memref<1x8192xf32, #tpu.memory_space<vmem>>, vector<1x1024xf32>
    %add3A_191 = vector.broadcast %get3A_134 : vector<16x1xf32> to vector<16x1024xf32>
    %add3A_192 = vector.broadcast %get3A_190 : vector<1x1024xf32> to vector<16x1024xf32>
    %add3A_193 = arith.addf %add3A_191, %add3A_192 : vector<16x1024xf32>
    %slice3A_194 = vector.extract_strided_slice %dot_general3A_5 {offsets = [16, 4096], sizes = [16, 1024], strides = [1, 1]} : vector<256x8192xf32> to vector<16x1024xf32>
    %sub3A_195 = arith.subf %add3A_193, %slice3A_194 : vector<16x1024xf32>
    %slice3A_196 = vector.extract_strided_slice %get3A_8 {offsets = [0, 4096], sizes = [1, 1024], strides = [1, 1]} : vector<1x8192xf32> to vector<1x1024xf32>
    %lt3A_197 = arith.cmpf olt, %sub3A_195, %min3A_187 : vector<16x1024xf32>
    %broadcast_in_dim3A_198 = vector.shape_cast %slice3A_196 : vector<1x1024xf32> to vector<1x1024xf32>
    %broadcast_in_dim3A_199 = vector.broadcast %broadcast_in_dim3A_198 : vector<1x1024xf32> to vector<16x1024xf32>
    %select_n3A_200 = arith.select %lt3A_197, %broadcast_in_dim3A_199, %select_n3A_186 : vector<16x1024xi1>, vector<16x1024xf32>
    %min3A_201 = arith.minimumf %sub3A_195, %min3A_187 : vector<16x1024xf32>
    %get3A_202 = arith.constant 0 : index
    %get3A_203 = arith.constant 5120 : index
    %get3A_204 = vector.load %arg4[%get3A_202, %get3A_203] : memref<1x8192xf32, #tpu.memory_space<vmem>>, vector<1x1024xf32>
    %add3A_205 = vector.broadcast %get3A_134 : vector<16x1xf32> to vector<16x1024xf32>
    %add3A_206 = vector.broadcast %get3A_204 : vector<1x1024xf32> to vector<16x1024xf32>
    %add3A_207 = arith.addf %add3A_205, %add3A_206 : vector<16x1024xf32>
    %slice3A_208 = vector.extract_strided_slice %dot_general3A_5 {offsets = [16, 5120], sizes = [16, 1024], strides = [1, 1]} : vector<256x8192xf32> to vector<16x1024xf32>
    %sub3A_209 = arith.subf %add3A_207, %slice3A_208 : vector<16x1024xf32>
    %slice3A_210 = vector.extract_strided_slice %get3A_8 {offsets = [0, 5120], sizes = [1, 1024], strides = [1, 1]} : vector<1x8192xf32> to vector<1x1024xf32>
    %lt3A_211 = arith.cmpf olt, %sub3A_209, %min3A_201 : vector<16x1024xf32>
    %broadcast_in_dim3A_212 = vector.shape_cast %slice3A_210 : vector<1x1024xf32> to vector<1x1024xf32>
    %broadcast_in_dim3A_213 = vector.broadcast %broadcast_in_dim3A_212 : vector<1x1024xf32> to vector<16x1024xf32>
    %select_n3A_214 = arith.select %lt3A_211, %broadcast_in_dim3A_213, %select_n3A_200 : vector<16x1024xi1>, vector<16x1024xf32>
    %min3A_215 = arith.minimumf %sub3A_209, %min3A_201 : vector<16x1024xf32>
    %get3A_216 = arith.constant 0 : index
    %get3A_217 = arith.constant 6144 : index
    %get3A_218 = vector.load %arg4[%get3A_216, %get3A_217] : memref<1x8192xf32, #tpu.memory_space<vmem>>, vector<1x1024xf32>
    %add3A_219 = vector.broadcast %get3A_134 : vector<16x1xf32> to vector<16x1024xf32>
    %add3A_220 = vector.broadcast %get3A_218 : vector<1x1024xf32> to vector<16x1024xf32>
    %add3A_221 = arith.addf %add3A_219, %add3A_220 : vector<16x1024xf32>
    %slice3A_222 = vector.extract_strided_slice %dot_general3A_5 {offsets = [16, 6144], sizes = [16, 1024], strides = [1, 1]} : vector<256x8192xf32> to vector<16x1024xf32>
    %sub3A_223 = arith.subf %add3A_221, %slice3A_222 : vector<16x1024xf32>
    %slice3A_224 = vector.extract_strided_slice %get3A_8 {offsets = [0, 6144], sizes = [1, 1024], strides = [1, 1]} : vector<1x8192xf32> to vector<1x1024xf32>
    %lt3A_225 = arith.cmpf olt, %sub3A_223, %min3A_215 : vector<16x1024xf32>
    %broadcast_in_dim3A_226 = vector.shape_cast %slice3A_224 : vector<1x1024xf32> to vector<1x1024xf32>
    %broadcast_in_dim3A_227 = vector.broadcast %broadcast_in_dim3A_226 : vector<1x1024xf32> to vector<16x1024xf32>
    %select_n3A_228 = arith.select %lt3A_225, %broadcast_in_dim3A_227, %select_n3A_214 : vector<16x1024xi1>, vector<16x1024xf32>
    %min3A_229 = arith.minimumf %sub3A_223, %min3A_215 : vector<16x1024xf32>
    %get3A_230 = arith.constant 0 : index
    %get3A_231 = arith.constant 7168 : index
    %get3A_232 = vector.load %arg4[%get3A_230, %get3A_231] : memref<1x8192xf32, #tpu.memory_space<vmem>>, vector<1x1024xf32>
    %add3A_233 = vector.broadcast %get3A_134 : vector<16x1xf32> to vector<16x1024xf32>
    %add3A_234 = vector.broadcast %get3A_232 : vector<1x1024xf32> to vector<16x1024xf32>
    %add3A_235 = arith.addf %add3A_233, %add3A_234 : vector<16x1024xf32>
    %slice3A_236 = vector.extract_strided_slice %dot_general3A_5 {offsets = [16, 7168], sizes = [16, 1024], strides = [1, 1]} : vector<256x8192xf32> to vector<16x1024xf32>
    %sub3A_237 = arith.subf %add3A_235, %slice3A_236 : vector<16x1024xf32>
    %slice3A_238 = vector.extract_strided_slice %get3A_8 {offsets = [0, 7168], sizes = [1, 1024], strides = [1, 1]} : vector<1x8192xf32> to vector<1x1024xf32>
    %lt3A_239 = arith.cmpf olt, %sub3A_237, %min3A_229 : vector<16x1024xf32>
    %broadcast_in_dim3A_240 = vector.shape_cast %slice3A_238 : vector<1x1024xf32> to vector<1x1024xf32>
    %broadcast_in_dim3A_241 = vector.broadcast %broadcast_in_dim3A_240 : vector<1x1024xf32> to vector<16x1024xf32>
    %select_n3A_242 = arith.select %lt3A_239, %broadcast_in_dim3A_241, %select_n3A_228 : vector<16x1024xi1>, vector<16x1024xf32>
    %min3A_243 = arith.minimumf %sub3A_237, %min3A_229 : vector<16x1024xf32>
    %reduce_min3A_244 = arith.constant dense<0x7F800000> : vector<16xf32>
    %reduce_min3A_245 = vector.multi_reduction <minimumf>, %min3A_243, %reduce_min3A_244 [1] : vector<16x1024xf32> to vector<16xf32>
    %broadcast_in_dim3A_246 = vector.shape_cast %reduce_min3A_245 : vector<16xf32> to vector<16x1xf32>
    %eq3A_247 = vector.broadcast %broadcast_in_dim3A_246 : vector<16x1xf32> to vector<16x1024xf32>
    %eq3A_248 = arith.cmpf oeq, %min3A_243, %eq3A_247 : vector<16x1024xf32>
    %jit3A_249 = arith.constant 8.192000e+03 : f32
    %broadcast_in_dim3A_250 = vector.broadcast %jit3A_249 : f32 to vector<16x1024xf32>
    %select_n3A_251 = arith.select %eq3A_248, %select_n3A_242, %broadcast_in_dim3A_250 : vector<16x1024xi1>, vector<16x1024xf32>
    %reduce_min3A_252 = arith.constant dense<0x7F800000> : vector<16xf32>
    %reduce_min3A_253 = vector.multi_reduction <minimumf>, %select_n3A_251, %reduce_min3A_252 [1] : vector<16x1024xf32> to vector<16xf32>
    %add3A_254 = arith.addf %broadcast_in_dim3A_115, %broadcast_in_dim3A_246 : vector<16x1xf32>
    %broadcast_in_dim3A_255 = vector.shape_cast %reduce_min3A_253 : vector<16xf32> to vector<16x1xf32>
    %eq3A_256 = vector.broadcast %get3A_8 : vector<1x8192xf32> to vector<16x8192xf32>
    %eq3A_257 = vector.broadcast %broadcast_in_dim3A_255 : vector<16x1xf32> to vector<16x8192xf32>
    %eq3A_258 = arith.cmpf oeq, %eq3A_256, %eq3A_257 : vector<16x8192xf32>
    %jit3A_259 = arith.constant 1.000000e+00 : f32
    %jit3A_260 = arith.constant 0.000000e+00 : f32
    %broadcast_in_dim3A_261 = vector.broadcast %jit3A_259 : f32 to vector<16x8192xf32>
    %broadcast_in_dim3A_262 = vector.broadcast %jit3A_260 : f32 to vector<16x8192xf32>
    %select_n3A_263 = arith.select %eq3A_258, %broadcast_in_dim3A_261, %broadcast_in_dim3A_262 : vector<16x8192xi1>, vector<16x8192xf32>
    %swap3A_264 = arith.constant 16 : index
    %swap3A_265 = arith.constant 0 : index
    %swap3A_266 = vector.load %arg8[%swap3A_264, %swap3A_265] : memref<256x8192xf32, #tpu.memory_space<vmem>>, vector<16x8192xf32>
    tpu.vector_store %arg8[%swap3A_264, %swap3A_265], %select_n3A_263 {strides = array<i32>} : memref<256x8192xf32, #tpu.memory_space<vmem>>, vector<16x8192xf32>,
    %get3A_267 = arith.constant 32 : index
    %get3A_268 = arith.constant 0 : index
    %get3A_269 = vector.load %arg2[%get3A_267, %get3A_268] : memref<256x1xf32, #tpu.memory_space<vmem>>, vector<16x1xf32>
    %get3A_270 = arith.constant 0 : index
    %get3A_271 = arith.constant 0 : index
    %get3A_272 = vector.load %arg4[%get3A_270, %get3A_271] : memref<1x8192xf32, #tpu.memory_space<vmem>>, vector<1x1024xf32>
    %add3A_273 = vector.broadcast %get3A_269 : vector<16x1xf32> to vector<16x1024xf32>
    %add3A_274 = vector.broadcast %get3A_272 : vector<1x1024xf32> to vector<16x1024xf32>
    %add3A_275 = arith.addf %add3A_273, %add3A_274 : vector<16x1024xf32>
    %slice3A_276 = vector.extract_strided_slice %dot_general3A_5 {offsets = [32, 0], sizes = [16, 1024], strides = [1, 1]} : vector<256x8192xf32> to vector<16x1024xf32>
    %sub3A_277 = arith.subf %add3A_275, %slice3A_276 : vector<16x1024xf32>
    %slice3A_278 = vector.extract_strided_slice %get3A_8 {offsets = [0, 0], sizes = [1, 1024], strides = [1, 1]} : vector<1x8192xf32> to vector<1x1024xf32>
    %broadcast_in_dim3A_279 = vector.shape_cast %slice3A_278 : vector<1x1024xf32> to vector<1x1024xf32>
    %broadcast_in_dim3A_280 = vector.broadcast %broadcast_in_dim3A_279 : vector<1x1024xf32> to vector<16x1024xf32>
    %get3A_281 = arith.constant 0 : index
    %get3A_282 = arith.constant 1024 : index
    %get3A_283 = vector.load %arg4[%get3A_281, %get3A_282] : memref<1x8192xf32, #tpu.memory_space<vmem>>, vector<1x1024xf32>
    %add3A_284 = vector.broadcast %get3A_269 : vector<16x1xf32> to vector<16x1024xf32>
    %add3A_285 = vector.broadcast %get3A_283 : vector<1x1024xf32> to vector<16x1024xf32>
    %add3A_286 = arith.addf %add3A_284, %add3A_285 : vector<16x1024xf32>
    %slice3A_287 = vector.extract_strided_slice %dot_general3A_5 {offsets = [32, 1024], sizes = [16, 1024], strides = [1, 1]} : vector<256x8192xf32> to vector<16x1024xf32>
    %sub3A_288 = arith.subf %add3A_286, %slice3A_287 : vector<16x1024xf32>
    %slice3A_289 = vector.extract_strided_slice %get3A_8 {offsets = [0, 1024], sizes = [1, 1024], strides = [1, 1]} : vector<1x8192xf32> to vector<1x1024xf32>
    %lt3A_290 = arith.cmpf olt, %sub3A_288, %sub3A_277 : vector<16x1024xf32>
    %broadcast_in_dim3A_291 = vector.shape_cast %slice3A_289 : vector<1x1024xf32> to vector<1x1024xf32>
    %broadcast_in_dim3A_292 = vector.broadcast %broadcast_in_dim3A_291 : vector<1x1024xf32> to vector<16x1024xf32>
    %select_n3A_293 = arith.select %lt3A_290, %broadcast_in_dim3A_292, %broadcast_in_dim3A_280 : vector<16x1024xi1>, vector<16x1024xf32>
    %min3A_294 = arith.minimumf %sub3A_288, %sub3A_277 : vector<16x1024xf32>
    %get3A_295 = arith.constant 0 : index
    %get3A_296 = arith.constant 2048 : index
    %get3A_297 = vector.load %arg4[%get3A_295, %get3A_296] : memref<1x8192xf32, #tpu.memory_space<vmem>>, vector<1x1024xf32>
    %add3A_298 = vector.broadcast %get3A_269 : vector<16x1xf32> to vector<16x1024xf32>
    %add3A_299 = vector.broadcast %get3A_297 : vector<1x1024xf32> to vector<16x1024xf32>
    %add3A_300 = arith.addf %add3A_298, %add3A_299 : vector<16x1024xf32>
    %slice3A_301 = vector.extract_strided_slice %dot_general3A_5 {offsets = [32, 2048], sizes = [16, 1024], strides = [1, 1]} : vector<256x8192xf32> to vector<16x1024xf32>
    %sub3A_302 = arith.subf %add3A_300, %slice3A_301 : vector<16x1024xf32>
    %slice3A_303 = vector.extract_strided_slice %get3A_8 {offsets = [0, 2048], sizes = [1, 1024], strides = [1, 1]} : vector<1x8192xf32> to vector<1x1024xf32>
    %lt3A_304 = arith.cmpf olt, %sub3A_302, %min3A_294 : vector<16x1024xf32>
    %broadcast_in_dim3A_305 = vector.shape_cast %slice3A_303 : vector<1x1024xf32> to vector<1x1024xf32>
    %broadcast_in_dim3A_306 = vector.broadcast %broadcast_in_dim3A_305 : vector<1x1024xf32> to vector<16x1024xf32>
    %select_n3A_307 = arith.select %lt3A_304, %broadcast_in_dim3A_306, %select_n3A_293 : vector<16x1024xi1>, vector<16x1024xf32>
    %min3A_308 = arith.minimumf %sub3A_302, %min3A_294 : vector<16x1024xf32>
    %get3A_309 = arith.constant 0 : index
    %get3A_310 = arith.constant 3072 : index
    %get3A_311 = vector.load %arg4[%get3A_309, %get3A_310] : memref<1x8192xf32, #tpu.memory_space<vmem>>, vector<1x1024xf32>
    %add3A_312 = vector.broadcast %get3A_269 : vector<16x1xf32> to vector<16x1024xf32>
    %add3A_313 = vector.broadcast %get3A_311 : vector<1x1024xf32> to vector<16x1024xf32>
    %add3A_314 = arith.addf %add3A_312, %add3A_313 : vector<16x1024xf32>
    %slice3A_315 = vector.extract_strided_slice %dot_general3A_5 {offsets = [32, 3072], sizes = [16, 1024], strides = [1, 1]} : vector<256x8192xf32> to vector<16x1024xf32>
    %sub3A_316 = arith.subf %add3A_314, %slice3A_315 : vector<16x1024xf32>
    %slice3A_317 = vector.extract_strided_slice %get3A_8 {offsets = [0, 3072], sizes = [1, 1024], strides = [1, 1]} : vector<1x8192xf32> to vector<1x1024xf32>
    %lt3A_318 = arith.cmpf olt, %sub3A_316, %min3A_308 : vector<16x1024xf32>
    %broadcast_in_dim3A_319 = vector.shape_cast %slice3A_317 : vector<1x1024xf32> to vector<1x1024xf32>
    %broadcast_in_dim3A_320 = vector.broadcast %broadcast_in_dim3A_319 : vector<1x1024xf32> to vector<16x1024xf32>
    %select_n3A_321 = arith.select %lt3A_318, %broadcast_in_dim3A_320, %select_n3A_307 : vector<16x1024xi1>, vector<16x1024xf32>
    %min3A_322 = arith.minimumf %sub3A_316, %min3A_308 : vector<16x1024xf32>
    %get3A_323 = arith.constant 0 : index
    %get3A_324 = arith.constant 4096 : index
    %get3A_325 = vector.load %arg4[%get3A_323, %get3A_324] : memref<1x8192xf32, #tpu.memory_space<vmem>>, vector<1x1024xf32>
    %add3A_326 = vector.broadcast %get3A_269 : vector<16x1xf32> to vector<16x1024xf32>
    %add3A_327 = vector.broadcast %get3A_325 : vector<1x1024xf32> to vector<16x1024xf32>
    %add3A_328 = arith.addf %add3A_326, %add3A_327 : vector<16x1024xf32>
    %slice3A_329 = vector.extract_strided_slice %dot_general3A_5 {offsets = [32, 4096], sizes = [16, 1024], strides = [1, 1]} : vector<256x8192xf32> to vector<16x1024xf32>
    %sub3A_330 = arith.subf %add3A_328, %slice3A_329 : vector<16x1024xf32>
    %slice3A_331 = vector.extract_strided_slice %get3A_8 {offsets = [0, 4096], sizes = [1, 1024], strides = [1, 1]} : vector<1x8192xf32> to vector<1x1024xf32>
    %lt3A_332 = arith.cmpf olt, %sub3A_330, %min3A_322 : vector<16x1024xf32>
    %broadcast_in_dim3A_333 = vector.shape_cast %slice3A_331 : vector<1x1024xf32> to vector<1x1024xf32>
    %broadcast_in_dim3A_334 = vector.broadcast %broadcast_in_dim3A_333 : vector<1x1024xf32> to vector<16x1024xf32>
    %select_n3A_335 = arith.select %lt3A_332, %broadcast_in_dim3A_334, %select_n3A_321 : vector<16x1024xi1>, vector<16x1024xf32>
    %min3A_336 = arith.minimumf %sub3A_330, %min3A_322 : vector<16x1024xf32>
    %get3A_337 = arith.constant 0 : index
    %get3A_338 = arith.constant 5120 : index
    %get3A_339 = vector.load %arg4[%get3A_337, %get3A_338] : memref<1x8192xf32, #tpu.memory_space<vmem>>, vector<1x1024xf32>
    %add3A_340 = vector.broadcast %get3A_269 : vector<16x1xf32> to vector<16x1024xf32>
    %add3A_341 = vector.broadcast %get3A_339 : vector<1x1024xf32> to vector<16x1024xf32>
    %add3A_342 = arith.addf %add3A_340, %add3A_341 : vector<16x1024xf32>
    %slice3A_343 = vector.extract_strided_slice %dot_general3A_5 {offsets = [32, 5120], sizes = [16, 1024], strides = [1, 1]} : vector<256x8192xf32> to vector<16x1024xf32>
    %sub3A_344 = arith.subf %add3A_342, %slice3A_343 : vector<16x1024xf32>
    %slice3A_345 = vector.extract_strided_slice %get3A_8 {offsets = [0, 5120], sizes = [1, 1024], strides = [1, 1]} : vector<1x8192xf32> to vector<1x1024xf32>
    %lt3A_346 = arith.cmpf olt, %sub3A_344, %min3A_336 : vector<16x1024xf32>
    %broadcast_in_dim3A_347 = vector.shape_cast %slice3A_345 : vector<1x1024xf32> to vector<1x1024xf32>
    %broadcast_in_dim3A_348 = vector.broadcast %broadcast_in_dim3A_347 : vector<1x1024xf32> to vector<16x1024xf32>
    %select_n3A_349 = arith.select %lt3A_346, %broadcast_in_dim3A_348, %select_n3A_335 : vector<16x1024xi1>, vector<16x1024xf32>
    %min3A_350 = arith.minimumf %sub3A_344, %min3A_336 : vector<16x1024xf32>
    %get3A_351 = arith.constant 0 : index
    %get3A_352 = arith.constant 6144 : index
    %get3A_353 = vector.load %arg4[%get3A_351, %get3A_352] : memref<1x8192xf32, #tpu.memory_space<vmem>>, vector<1x1024xf32>
    %add3A_354 = vector.broadcast %get3A_269 : vector<16x1xf32> to vector<16x1024xf32>
    %add3A_355 = vector.broadcast %get3A_353 : vector<1x1024xf32> to vector<16x1024xf32>
    %add3A_356 = arith.addf %add3A_354, %add3A_355 : vector<16x1024xf32>
    %slice3A_357 = vector.extract_strided_slice %dot_general3A_5 {offsets = [32, 6144], sizes = [16, 1024], strides = [1, 1]} : vector<256x8192xf32> to vector<16x1024xf32>
    %sub3A_358 = arith.subf %add3A_356, %slice3A_357 : vector<16x1024xf32>
    %slice3A_359 = vector.extract_strided_slice %get3A_8 {offsets = [0, 6144], sizes = [1, 1024], strides = [1, 1]} : vector<1x8192xf32> to vector<1x1024xf32>
    %lt3A_360 = arith.cmpf olt, %sub3A_358, %min3A_350 : vector<16x1024xf32>
    %broadcast_in_dim3A_361 = vector.shape_cast %slice3A_359 : vector<1x1024xf32> to vector<1x1024xf32>
    %broadcast_in_dim3A_362 = vector.broadcast %broadcast_in_dim3A_361 : vector<1x1024xf32> to vector<16x1024xf32>
    %select_n3A_363 = arith.select %lt3A_360, %broadcast_in_dim3A_362, %select_n3A_349 : vector<16x1024xi1>, vector<16x1024xf32>
    %min3A_364 = arith.minimumf %sub3A_358, %min3A_350 : vector<16x1024xf32>
    %get3A_365 = arith.constant 0 : index
    %get3A_366 = arith.constant 7168 : index
    %get3A_367 = vector.load %arg4[%get3A_365, %get3A_366] : memref<1x8192xf32, #tpu.memory_space<vmem>>, vector<1x1024xf32>
    %add3A_368 = vector.broadcast %get3A_269 : vector<16x1xf32> to vector<16x1024xf32>
    %add3A_369 = vector.broadcast %get3A_367 : vector<1x1024xf32> to vector<16x1024xf32>
    %add3A_370 = arith.addf %add3A_368, %add3A_369 : vector<16x1024xf32>
    %slice3A_371 = vector.extract_strided_slice %dot_general3A_5 {offsets = [32, 7168], sizes = [16, 1024], strides = [1, 1]} : vector<256x8192xf32> to vector<16x1024xf32>
    %sub3A_372 = arith.subf %add3A_370, %slice3A_371 : vector<16x1024xf32>
    %slice3A_373 = vector.extract_strided_slice %get3A_8 {offsets = [0, 7168], sizes = [1, 1024], strides = [1, 1]} : vector<1x8192xf32> to vector<1x1024xf32>
    %lt3A_374 = arith.cmpf olt, %sub3A_372, %min3A_364 : vector<16x1024xf32>
    %broadcast_in_dim3A_375 = vector.shape_cast %slice3A_373 : vector<1x1024xf32> to vector<1x1024xf32>
    %broadcast_in_dim3A_376 = vector.broadcast %broadcast_in_dim3A_375 : vector<1x1024xf32> to vector<16x1024xf32>
    %select_n3A_377 = arith.select %lt3A_374, %broadcast_in_dim3A_376, %select_n3A_363 : vector<16x1024xi1>, vector<16x1024xf32>
    %min3A_378 = arith.minimumf %sub3A_372, %min3A_364 : vector<16x1024xf32>
    %reduce_min3A_379 = arith.constant dense<0x7F800000> : vector<16xf32>
    %reduce_min3A_380 = vector.multi_reduction <minimumf>, %min3A_378, %reduce_min3A_379 [1] : vector<16x1024xf32> to vector<16xf32>
    %broadcast_in_dim3A_381 = vector.shape_cast %reduce_min3A_380 : vector<16xf32> to vector<16x1xf32>
    %eq3A_382 = vector.broadcast %broadcast_in_dim3A_381 : vector<16x1xf32> to vector<16x1024xf32>
    %eq3A_383 = arith.cmpf oeq, %min3A_378, %eq3A_382 : vector<16x1024xf32>
    %jit3A_384 = arith.constant 8.192000e+03 : f32
    %broadcast_in_dim3A_385 = vector.broadcast %jit3A_384 : f32 to vector<16x1024xf32>
    %select_n3A_386 = arith.select %eq3A_383, %select_n3A_377, %broadcast_in_dim3A_385 : vector<16x1024xi1>, vector<16x1024xf32>
    %reduce_min3A_387 = arith.constant dense<0x7F800000> : vector<16xf32>
    %reduce_min3A_388 = vector.multi_reduction <minimumf>, %select_n3A_386, %reduce_min3A_387 [1] : vector<16x1024xf32> to vector<16xf32>
    %add3A_389 = arith.addf %add3A_254, %broadcast_in_dim3A_381 : vector<16x1xf32>
    %broadcast_in_dim3A_390 = vector.shape_cast %reduce_min3A_388 : vector<16xf32> to vector<16x1xf32>
    %eq3A_391 = vector.broadcast %get3A_8 : vector<1x8192xf32> to vector<16x8192xf32>
    %eq3A_392 = vector.broadcast %broadcast_in_dim3A_390 : vector<16x1xf32> to vector<16x8192xf32>
    %eq3A_393 = arith.cmpf oeq, %eq3A_391, %eq3A_392 : vector<16x8192xf32>
    %jit3A_394 = arith.constant 1.000000e+00 : f32
    %jit3A_395 = arith.constant 0.000000e+00 : f32
    %broadcast_in_dim3A_396 = vector.broadcast %jit3A_394 : f32 to vector<16x8192xf32>
    %broadcast_in_dim3A_397 = vector.broadcast %jit3A_395 : f32 to vector<16x8192xf32>
    %select_n3A_398 = arith.select %eq3A_393, %broadcast_in_dim3A_396, %broadcast_in_dim3A_397 : vector<16x8192xi1>, vector<16x8192xf32>
    %swap3A_399 = arith.constant 32 : index
    %swap3A_400 = arith.constant 0 : index
    %swap3A_401 = vector.load %arg8[%swap3A_399, %swap3A_400] : memref<256x8192xf32, #tpu.memory_space<vmem>>, vector<16x8192xf32>
    tpu.vector_store %arg8[%swap3A_399, %swap3A_400], %select_n3A_398 {strides = array<i32>} : memref<256x8192xf32, #tpu.memory_space<vmem>>, vector<16x8192xf32>,
    %get3A_402 = arith.constant 48 : index
    %get3A_403 = arith.constant 0 : index
    %get3A_404 = vector.load %arg2[%get3A_402, %get3A_403] : memref<256x1xf32, #tpu.memory_space<vmem>>, vector<16x1xf32>
    %get3A_405 = arith.constant 0 : index
    %get3A_406 = arith.constant 0 : index
    %get3A_407 = vector.load %arg4[%get3A_405, %get3A_406] : memref<1x8192xf32, #tpu.memory_space<vmem>>, vector<1x1024xf32>
    %add3A_408 = vector.broadcast %get3A_404 : vector<16x1xf32> to vector<16x1024xf32>
    %add3A_409 = vector.broadcast %get3A_407 : vector<1x1024xf32> to vector<16x1024xf32>
    %add3A_410 = arith.addf %add3A_408, %add3A_409 : vector<16x1024xf32>
    %slice3A_411 = vector.extract_strided_slice %dot_general3A_5 {offsets = [48, 0], sizes = [16, 1024], strides = [1, 1]} : vector<256x8192xf32> to vector<16x1024xf32>
    %sub3A_412 = arith.subf %add3A_410, %slice3A_411 : vector<16x1024xf32>
    %slice3A_413 = vector.extract_strided_slice %get3A_8 {offsets = [0, 0], sizes = [1, 1024], strides = [1, 1]} : vector<1x8192xf32> to vector<1x1024xf32>
    %broadcast_in_dim3A_414 = vector.shape_cast %slice3A_413 : vector<1x1024xf32> to vector<1x1024xf32>
    %broadcast_in_dim3A_415 = vector.broadcast %broadcast_in_dim3A_414 : vector<1x1024xf32> to vector<16x1024xf32>
    %get3A_416 = arith.constant 0 : index
    %get3A_417 = arith.constant 1024 : index
    %get3A_418 = vector.load %arg4[%get3A_416, %get3A_417] : memref<1x8192xf32, #tpu.memory_space<vmem>>, vector<1x1024xf32>
    %add3A_419 = vector.broadcast %get3A_404 : vector<16x1xf32> to vector<16x1024xf32>
    %add3A_420 = vector.broadcast %get3A_418 : vector<1x1024xf32> to vector<16x1024xf32>
    %add3A_421 = arith.addf %add3A_419, %add3A_420 : vector<16x1024xf32>
    %slice3A_422 = vector.extract_strided_slice %dot_general3A_5 {offsets = [48, 1024], sizes = [16, 1024], strides = [1, 1]} : vector<256x8192xf32> to vector<16x1024xf32>
    %sub3A_423 = arith.subf %add3A_421, %slice3A_422 : vector<16x1024xf32>
    %slice3A_424 = vector.extract_strided_slice %get3A_8 {offsets = [0, 1024], sizes = [1, 1024], strides = [1, 1]} : vector<1x8192xf32> to vector<1x1024xf32>
    %lt3A_425 = arith.cmpf olt, %sub3A_423, %sub3A_412 : vector<16x1024xf32>
    %broadcast_in_dim3A_426 = vector.shape_cast %slice3A_424 : vector<1x1024xf32> to vector<1x1024xf32>
    %broadcast_in_dim3A_427 = vector.broadcast %broadcast_in_dim3A_426 : vector<1x1024xf32> to vector<16x1024xf32>
    %select_n3A_428 = arith.select %lt3A_425, %broadcast_in_dim3A_427, %broadcast_in_dim3A_415 : vector<16x1024xi1>, vector<16x1024xf32>
    %min3A_429 = arith.minimumf %sub3A_423, %sub3A_412 : vector<16x1024xf32>
    %get3A_430 = arith.constant 0 : index
    %get3A_431 = arith.constant 2048 : index
    %get3A_432 = vector.load %arg4[%get3A_430, %get3A_431] : memref<1x8192xf32, #tpu.memory_space<vmem>>, vector<1x1024xf32>
    %add3A_433 = vector.broadcast %get3A_404 : vector<16x1xf32> to vector<16x1024xf32>
    %add3A_434 = vector.broadcast %get3A_432 : vector<1x1024xf32> to vector<16x1024xf32>
    %add3A_435 = arith.addf %add3A_433, %add3A_434 : vector<16x1024xf32>
    %slice3A_436 = vector.extract_strided_slice %dot_general3A_5 {offsets = [48, 2048], sizes = [16, 1024], strides = [1, 1]} : vector<256x8192xf32> to vector<16x1024xf32>
    %sub3A_437 = arith.subf %add3A_435, %slice3A_436 : vector<16x1024xf32>
    %slice3A_438 = vector.extract_strided_slice %get3A_8 {offsets = [0, 2048], sizes = [1, 1024], strides = [1, 1]} : vector<1x8192xf32> to vector<1x1024xf32>
    %lt3A_439 = arith.cmpf olt, %sub3A_437, %min3A_429 : vector<16x1024xf32>
    %broadcast_in_dim3A_440 = vector.shape_cast %slice3A_438 : vector<1x1024xf32> to vector<1x1024xf32>
    %broadcast_in_dim3A_441 = vector.broadcast %broadcast_in_dim3A_440 : vector<1x1024xf32> to vector<16x1024xf32>
    %select_n3A_442 = arith.select %lt3A_439, %broadcast_in_dim3A_441, %select_n3A_428 : vector<16x1024xi1>, vector<16x1024xf32>
    %min3A_443 = arith.minimumf %sub3A_437, %min3A_429 : vector<16x1024xf32>
    %get3A_444 = arith.constant 0 : index
    %get3A_445 = arith.constant 3072 : index
    %get3A_446 = vector.load %arg4[%get3A_444, %get3A_445] : memref<1x8192xf32, #tpu.memory_space<vmem>>, vector<1x1024xf32>
    %add3A_447 = vector.broadcast %get3A_404 : vector<16x1xf32> to vector<16x1024xf32>
    %add3A_448 = vector.broadcast %get3A_446 : vector<1x1024xf32> to vector<16x1024xf32>
    %add3A_449 = arith.addf %add3A_447, %add3A_448 : vector<16x1024xf32>
    %slice3A_450 = vector.extract_strided_slice %dot_general3A_5 {offsets = [48, 3072], sizes = [16, 1024], strides = [1, 1]} : vector<256x8192xf32> to vector<16x1024xf32>
    %sub3A_451 = arith.subf %add3A_449, %slice3A_450 : vector<16x1024xf32>
    %slice3A_452 = vector.extract_strided_slice %get3A_8 {offsets = [0, 3072], sizes = [1, 1024], strides = [1, 1]} : vector<1x8192xf32> to vector<1x1024xf32>
    %lt3A_453 = arith.cmpf olt, %sub3A_451, %min3A_443 : vector<16x1024xf32>
    %broadcast_in_dim3A_454 = vector.shape_cast %slice3A_452 : vector<1x1024xf32> to vector<1x1024xf32>
    %broadcast_in_dim3A_455 = vector.broadcast %broadcast_in_dim3A_454 : vector<1x1024xf32> to vector<16x1024xf32>
    %select_n3A_456 = arith.select %lt3A_453, %broadcast_in_dim3A_455, %select_n3A_442 : vector<16x1024xi1>, vector<16x1024xf32>
    %min3A_457 = arith.minimumf %sub3A_451, %min3A_443 : vector<16x1024xf32>
    %get3A_458 = arith.constant 0 : index
    %get3A_459 = arith.constant 4096 : index
    %get3A_460 = vector.load %arg4[%get3A_458, %get3A_459] : memref<1x8192xf32, #tpu.memory_space<vmem>>, vector<1x1024xf32>
    %add3A_461 = vector.broadcast %get3A_404 : vector<16x1xf32> to vector<16x1024xf32>
    %add3A_462 = vector.broadcast %get3A_460 : vector<1x1024xf32> to vector<16x1024xf32>
    %add3A_463 = arith.addf %add3A_461, %add3A_462 : vector<16x1024xf32>
    %slice3A_464 = vector.extract_strided_slice %dot_general3A_5 {offsets = [48, 4096], sizes = [16, 1024], strides = [1, 1]} : vector<256x8192xf32> to vector<16x1024xf32>
    %sub3A_465 = arith.subf %add3A_463, %slice3A_464 : vector<16x1024xf32>
    %slice3A_466 = vector.extract_strided_slice %get3A_8 {offsets = [0, 4096], sizes = [1, 1024], strides = [1, 1]} : vector<1x8192xf32> to vector<1x1024xf32>
    %lt3A_467 = arith.cmpf olt, %sub3A_465, %min3A_457 : vector<16x1024xf32>
    %broadcast_in_dim3A_468 = vector.shape_cast %slice3A_466 : vector<1x1024xf32> to vector<1x1024xf32>
    %broadcast_in_dim3A_469 = vector.broadcast %broadcast_in_dim3A_468 : vector<1x1024xf32> to vector<16x1024xf32>
    %select_n3A_470 = arith.select %lt3A_467, %broadcast_in_dim3A_469, %select_n3A_456 : vector<16x1024xi1>, vector<16x1024xf32>
    %min3A_471 = arith.minimumf %sub3A_465, %min3A_457 : vector<16x1024xf32>
    %get3A_472 = arith.constant 0 : index
    %get3A_473 = arith.constant 5120 : index
    %get3A_474 = vector.load %arg4[%get3A_472, %get3A_473] : memref<1x8192xf32, #tpu.memory_space<vmem>>, vector<1x1024xf32>
    %add3A_475 = vector.broadcast %get3A_404 : vector<16x1xf32> to vector<16x1024xf32>
    %add3A_476 = vector.broadcast %get3A_474 : vector<1x1024xf32> to vector<16x1024xf32>
    %add3A_477 = arith.addf %add3A_475, %add3A_476 : vector<16x1024xf32>
    %slice3A_478 = vector.extract_strided_slice %dot_general3A_5 {offsets = [48, 5120], sizes = [16, 1024], strides = [1, 1]} : vector<256x8192xf32> to vector<16x1024xf32>
    %sub3A_479 = arith.subf %add3A_477, %slice3A_478 : vector<16x1024xf32>
    %slice3A_480 = vector.extract_strided_slice %get3A_8 {offsets = [0, 5120], sizes = [1, 1024], strides = [1, 1]} : vector<1x8192xf32> to vector<1x1024xf32>
    %lt3A_481 = arith.cmpf olt, %sub3A_479, %min3A_471 : vector<16x1024xf32>
    %broadcast_in_dim3A_482 = vector.shape_cast %slice3A_480 : vector<1x1024xf32> to vector<1x1024xf32>
    %broadcast_in_dim3A_483 = vector.broadcast %broadcast_in_dim3A_482 : vector<1x1024xf32> to vector<16x1024xf32>
    %select_n3A_484 = arith.select %lt3A_481, %broadcast_in_dim3A_483, %select_n3A_470 : vector<16x1024xi1>, vector<16x1024xf32>
    %min3A_485 = arith.minimumf %sub3A_479, %min3A_471 : vector<16x1024xf32>
    %get3A_486 = arith.constant 0 : index
    %get3A_487 = arith.constant 6144 : index
    %get3A_488 = vector.load %arg4[%get3A_486, %get3A_487] : memref<1x8192xf32, #tpu.memory_space<vmem>>, vector<1x1024xf32>
    %add3A_489 = vector.broadcast %get3A_404 : vector<16x1xf32> to vector<16x1024xf32>
    %add3A_490 = vector.broadcast %get3A_488 : vector<1x1024xf32> to vector<16x1024xf32>
    %add3A_491 = arith.addf %add3A_489, %add3A_490 : vector<16x1024xf32>
    %slice3A_492 = vector.extract_strided_slice %dot_general3A_5 {offsets = [48, 6144], sizes = [16, 1024], strides = [1, 1]} : vector<256x8192xf32> to vector<16x1024xf32>
    %sub3A_493 = arith.subf %add3A_491, %slice3A_492 : vector<16x1024xf32>
    %slice3A_494 = vector.extract_strided_slice %get3A_8 {offsets = [0, 6144], sizes = [1, 1024], strides = [1, 1]} : vector<1x8192xf32> to vector<1x1024xf32>
    %lt3A_495 = arith.cmpf olt, %sub3A_493, %min3A_485 : vector<16x1024xf32>
    %broadcast_in_dim3A_496 = vector.shape_cast %slice3A_494 : vector<1x1024xf32> to vector<1x1024xf32>
    %broadcast_in_dim3A_497 = vector.broadcast %broadcast_in_dim3A_496 : vector<1x1024xf32> to vector<16x1024xf32>
    %select_n3A_498 = arith.select %lt3A_495, %broadcast_in_dim3A_497, %select_n3A_484 : vector<16x1024xi1>, vector<16x1024xf32>
    %min3A_499 = arith.minimumf %sub3A_493, %min3A_485 : vector<16x1024xf32>
    %get3A_500 = arith.constant 0 : index
    %get3A_501 = arith.constant 7168 : index
    %get3A_502 = vector.load %arg4[%get3A_500, %get3A_501] : memref<1x8192xf32, #tpu.memory_space<vmem>>, vector<1x1024xf32>
    %add3A_503 = vector.broadcast %get3A_404 : vector<16x1xf32> to vector<16x1024xf32>
    %add3A_504 = vector.broadcast %get3A_502 : vector<1x1024xf32> to vector<16x1024xf32>
    %add3A_505 = arith.addf %add3A_503, %add3A_504 : vector<16x1024xf32>
    %slice3A_506 = vector.extract_strided_slice %dot_general3A_5 {offsets = [48, 7168], sizes = [16, 1024], strides = [1, 1]} : vector<256x8192xf32> to vector<16x1024xf32>
    %sub3A_507 = arith.subf %add3A_505, %slice3A_506 : vector<16x1024xf32>
    %slice3A_508 = vector.extract_strided_slice %get3A_8 {offsets = [0, 7168], sizes = [1, 1024], strides = [1, 1]} : vector<1x8192xf32> to vector<1x1024xf32>
    %lt3A_509 = arith.cmpf olt, %sub3A_507, %min3A_499 : vector<16x1024xf32>
    %broadcast_in_dim3A_510 = vector.shape_cast %slice3A_508 : vector<1x1024xf32> to vector<1x1024xf32>
    %broadcast_in_dim3A_511 = vector.broadcast %broadcast_in_dim3A_510 : vector<1x1024xf32> to vector<16x1024xf32>
    %select_n3A_512 = arith.select %lt3A_509, %broadcast_in_dim3A_511, %select_n3A_498 : vector<16x1024xi1>, vector<16x1024xf32>
    %min3A_513 = arith.minimumf %sub3A_507, %min3A_499 : vector<16x1024xf32>
    %reduce_min3A_514 = arith.constant dense<0x7F800000> : vector<16xf32>
    %reduce_min3A_515 = vector.multi_reduction <minimumf>, %min3A_513, %reduce_min3A_514 [1] : vector<16x1024xf32> to vector<16xf32>
    %broadcast_in_dim3A_516 = vector.shape_cast %reduce_min3A_515 : vector<16xf32> to vector<16x1xf32>
    %eq3A_517 = vector.broadcast %broadcast_in_dim3A_516 : vector<16x1xf32> to vector<16x1024xf32>
    %eq3A_518 = arith.cmpf oeq, %min3A_513, %eq3A_517 : vector<16x1024xf32>
    %jit3A_519 = arith.constant 8.192000e+03 : f32
    %broadcast_in_dim3A_520 = vector.broadcast %jit3A_519 : f32 to vector<16x1024xf32>
    %select_n3A_521 = arith.select %eq3A_518, %select_n3A_512, %broadcast_in_dim3A_520 : vector<16x1024xi1>, vector<16x1024xf32>
    %reduce_min3A_522 = arith.constant dense<0x7F800000> : vector<16xf32>
    %reduce_min3A_523 = vector.multi_reduction <minimumf>, %select_n3A_521, %reduce_min3A_522 [1] : vector<16x1024xf32> to vector<16xf32>
    %add3A_524 = arith.addf %add3A_389, %broadcast_in_dim3A_516 : vector<16x1xf32>
    %broadcast_in_dim3A_525 = vector.shape_cast %reduce_min3A_523 : vector<16xf32> to vector<16x1xf32>
    %eq3A_526 = vector.broadcast %get3A_8 : vector<1x8192xf32> to vector<16x8192xf32>
    %eq3A_527 = vector.broadcast %broadcast_in_dim3A_525 : vector<16x1xf32> to vector<16x8192xf32>
    %eq3A_528 = arith.cmpf oeq, %eq3A_526, %eq3A_527 : vector<16x8192xf32>
    %jit3A_529 = arith.constant 1.000000e+00 : f32
    %jit3A_530 = arith.constant 0.000000e+00 : f32
    %broadcast_in_dim3A_531 = vector.broadcast %jit3A_529 : f32 to vector<16x8192xf32>
    %broadcast_in_dim3A_532 = vector.broadcast %jit3A_530 : f32 to vector<16x8192xf32>
    %select_n3A_533 = arith.select %eq3A_528, %broadcast_in_dim3A_531, %broadcast_in_dim3A_532 : vector<16x8192xi1>, vector<16x8192xf32>
    %swap3A_534 = arith.constant 48 : index
    %swap3A_535 = arith.constant 0 : index
    %swap3A_536 = vector.load %arg8[%swap3A_534, %swap3A_535] : memref<256x8192xf32, #tpu.memory_space<vmem>>, vector<16x8192xf32>
    tpu.vector_store %arg8[%swap3A_534, %swap3A_535], %select_n3A_533 {strides = array<i32>} : memref<256x8192xf32, #tpu.memory_space<vmem>>, vector<16x8192xf32>,
    %get3A_537 = arith.constant 64 : index
    %get3A_538 = arith.constant 0 : index
    %get3A_539 = vector.load %arg2[%get3A_537, %get3A_538] : memref<256x1xf32, #tpu.memory_space<vmem>>, vector<16x1xf32>
    %get3A_540 = arith.constant 0 : index
    %get3A_541 = arith.constant 0 : index
    %get3A_542 = vector.load %arg4[%get3A_540, %get3A_541] : memref<1x8192xf32, #tpu.memory_space<vmem>>, vector<1x1024xf32>
    %add3A_543 = vector.broadcast %get3A_539 : vector<16x1xf32> to vector<16x1024xf32>
    %add3A_544 = vector.broadcast %get3A_542 : vector<1x1024xf32> to vector<16x1024xf32>
    %add3A_545 = arith.addf %add3A_543, %add3A_544 : vector<16x1024xf32>
    %slice3A_546 = vector.extract_strided_slice %dot_general3A_5 {offsets = [64, 0], sizes = [16, 1024], strides = [1, 1]} : vector<256x8192xf32> to vector<16x1024xf32>
    %sub3A_547 = arith.subf %add3A_545, %slice3A_546 : vector<16x1024xf32>
    %slice3A_548 = vector.extract_strided_slice %get3A_8 {offsets = [0, 0], sizes = [1, 1024], strides = [1, 1]} : vector<1x8192xf32> to vector<1x1024xf32>
    %broadcast_in_dim3A_549 = vector.shape_cast %slice3A_548 : vector<1x1024xf32> to vector<1x1024xf32>
    %broadcast_in_dim3A_550 = vector.broadcast %broadcast_in_dim3A_549 : vector<1x1024xf32> to vector<16x1024xf32>
    %get3A_551 = arith.constant 0 : index
    %get3A_552 = arith.constant 1024 : index
    %get3A_553 = vector.load %arg4[%get3A_551, %get3A_552] : memref<1x8192xf32, #tpu.memory_space<vmem>>, vector<1x1024xf32>
    %add3A_554 = vector.broadcast %get3A_539 : vector<16x1xf32> to vector<16x1024xf32>
    %add3A_555 = vector.broadcast %get3A_553 : vector<1x1024xf32> to vector<16x1024xf32>
    %add3A_556 = arith.addf %add3A_554, %add3A_555 : vector<16x1024xf32>
    %slice3A_557 = vector.extract_strided_slice %dot_general3A_5 {offsets = [64, 1024], sizes = [16, 1024], strides = [1, 1]} : vector<256x8192xf32> to vector<16x1024xf32>
    %sub3A_558 = arith.subf %add3A_556, %slice3A_557 : vector<16x1024xf32>
    %slice3A_559 = vector.extract_strided_slice %get3A_8 {offsets = [0, 1024], sizes = [1, 1024], strides = [1, 1]} : vector<1x8192xf32> to vector<1x1024xf32>
    %lt3A_560 = arith.cmpf olt, %sub3A_558, %sub3A_547 : vector<16x1024xf32>
    %broadcast_in_dim3A_561 = vector.shape_cast %slice3A_559 : vector<1x1024xf32> to vector<1x1024xf32>
    %broadcast_in_dim3A_562 = vector.broadcast %broadcast_in_dim3A_561 : vector<1x1024xf32> to vector<16x1024xf32>
    %select_n3A_563 = arith.select %lt3A_560, %broadcast_in_dim3A_562, %broadcast_in_dim3A_550 : vector<16x1024xi1>, vector<16x1024xf32>
    %min3A_564 = arith.minimumf %sub3A_558, %sub3A_547 : vector<16x1024xf32>
    %get3A_565 = arith.constant 0 : index
    %get3A_566 = arith.constant 2048 : index
    %get3A_567 = vector.load %arg4[%get3A_565, %get3A_566] : memref<1x8192xf32, #tpu.memory_space<vmem>>, vector<1x1024xf32>
    %add3A_568 = vector.broadcast %get3A_539 : vector<16x1xf32> to vector<16x1024xf32>
    %add3A_569 = vector.broadcast %get3A_567 : vector<1x1024xf32> to vector<16x1024xf32>
    %add3A_570 = arith.addf %add3A_568, %add3A_569 : vector<16x1024xf32>
    %slice3A_571 = vector.extract_strided_slice %dot_general3A_5 {offsets = [64, 2048], sizes = [16, 1024], strides = [1, 1]} : vector<256x8192xf32> to vector<16x1024xf32>
    %sub3A_572 = arith.subf %add3A_570, %slice3A_571 : vector<16x1024xf32>
    %slice3A_573 = vector.extract_strided_slice %get3A_8 {offsets = [0, 2048], sizes = [1, 1024], strides = [1, 1]} : vector<1x8192xf32> to vector<1x1024xf32>
    %lt3A_574 = arith.cmpf olt, %sub3A_572, %min3A_564 : vector<16x1024xf32>
    %broadcast_in_dim3A_575 = vector.shape_cast %slice3A_573 : vector<1x1024xf32> to vector<1x1024xf32>
    %broadcast_in_dim3A_576 = vector.broadcast %broadcast_in_dim3A_575 : vector<1x1024xf32> to vector<16x1024xf32>
    %select_n3A_577 = arith.select %lt3A_574, %broadcast_in_dim3A_576, %select_n3A_563 : vector<16x1024xi1>, vector<16x1024xf32>
    %min3A_578 = arith.minimumf %sub3A_572, %min3A_564 : vector<16x1024xf32>
    %get3A_579 = arith.constant 0 : index
    %get3A_580 = arith.constant 3072 : index
    %get3A_581 = vector.load %arg4[%get3A_579, %get3A_580] : memref<1x8192xf32, #tpu.memory_space<vmem>>, vector<1x1024xf32>
    %add3A_582 = vector.broadcast %get3A_539 : vector<16x1xf32> to vector<16x1024xf32>
    %add3A_583 = vector.broadcast %get3A_581 : vector<1x1024xf32> to vector<16x1024xf32>
    %add3A_584 = arith.addf %add3A_582, %add3A_583 : vector<16x1024xf32>
    %slice3A_585 = vector.extract_strided_slice %dot_general3A_5 {offsets = [64, 3072], sizes = [16, 1024], strides = [1, 1]} : vector<256x8192xf32> to vector<16x1024xf32>
    %sub3A_586 = arith.subf %add3A_584, %slice3A_585 : vector<16x1024xf32>
    %slice3A_587 = vector.extract_strided_slice %get3A_8 {offsets = [0, 3072], sizes = [1, 1024], strides = [1, 1]} : vector<1x8192xf32> to vector<1x1024xf32>
    %lt3A_588 = arith.cmpf olt, %sub3A_586, %min3A_578 : vector<16x1024xf32>
    %broadcast_in_dim3A_589 = vector.shape_cast %slice3A_587 : vector<1x1024xf32> to vector<1x1024xf32>
    %broadcast_in_dim3A_590 = vector.broadcast %broadcast_in_dim3A_589 : vector<1x1024xf32> to vector<16x1024xf32>
    %select_n3A_591 = arith.select %lt3A_588, %broadcast_in_dim3A_590, %select_n3A_577 : vector<16x1024xi1>, vector<16x1024xf32>
    %min3A_592 = arith.minimumf %sub3A_586, %min3A_578 : vector<16x1024xf32>
    %get3A_593 = arith.constant 0 : index
    %get3A_594 = arith.constant 4096 : index
    %get3A_595 = vector.load %arg4[%get3A_593, %get3A_594] : memref<1x8192xf32, #tpu.memory_space<vmem>>, vector<1x1024xf32>
    %add3A_596 = vector.broadcast %get3A_539 : vector<16x1xf32> to vector<16x1024xf32>
    %add3A_597 = vector.broadcast %get3A_595 : vector<1x1024xf32> to vector<16x1024xf32>
    %add3A_598 = arith.addf %add3A_596, %add3A_597 : vector<16x1024xf32>
    %slice3A_599 = vector.extract_strided_slice %dot_general3A_5 {offsets = [64, 4096], sizes = [16, 1024], strides = [1, 1]} : vector<256x8192xf32> to vector<16x1024xf32>
    %sub3A_600 = arith.subf %add3A_598, %slice3A_599 : vector<16x1024xf32>
    %slice3A_601 = vector.extract_strided_slice %get3A_8 {offsets = [0, 4096], sizes = [1, 1024], strides = [1, 1]} : vector<1x8192xf32> to vector<1x1024xf32>
    %lt3A_602 = arith.cmpf olt, %sub3A_600, %min3A_592 : vector<16x1024xf32>
    %broadcast_in_dim3A_603 = vector.shape_cast %slice3A_601 : vector<1x1024xf32> to vector<1x1024xf32>
    %broadcast_in_dim3A_604 = vector.broadcast %broadcast_in_dim3A_603 : vector<1x1024xf32> to vector<16x1024xf32>
    %select_n3A_605 = arith.select %lt3A_602, %broadcast_in_dim3A_604, %select_n3A_591 : vector<16x1024xi1>, vector<16x1024xf32>
    %min3A_606 = arith.minimumf %sub3A_600, %min3A_592 : vector<16x1024xf32>
    %get3A_607 = arith.constant 0 : index
    %get3A_608 = arith.constant 5120 : index
    %get3A_609 = vector.load %arg4[%get3A_607, %get3A_608] : memref<1x8192xf32, #tpu.memory_space<vmem>>, vector<1x1024xf32>
    %add3A_610 = vector.broadcast %get3A_539 : vector<16x1xf32> to vector<16x1024xf32>
    %add3A_611 = vector.broadcast %get3A_609 : vector<1x1024xf32> to vector<16x1024xf32>
    %add3A_612 = arith.addf %add3A_610, %add3A_611 : vector<16x1024xf32>
    %slice3A_613 = vector.extract_strided_slice %dot_general3A_5 {offsets = [64, 5120], sizes = [16, 1024], strides = [1, 1]} : vector<256x8192xf32> to vector<16x1024xf32>
    %sub3A_614 = arith.subf %add3A_612, %slice3A_613 : vector<16x1024xf32>
    %slice3A_615 = vector.extract_strided_slice %get3A_8 {offsets = [0, 5120], sizes = [1, 1024], strides = [1, 1]} : vector<1x8192xf32> to vector<1x1024xf32>
    %lt3A_616 = arith.cmpf olt, %sub3A_614, %min3A_606 : vector<16x1024xf32>
    %broadcast_in_dim3A_617 = vector.shape_cast %slice3A_615 : vector<1x1024xf32> to vector<1x1024xf32>
    %broadcast_in_dim3A_618 = vector.broadcast %broadcast_in_dim3A_617 : vector<1x1024xf32> to vector<16x1024xf32>
    %select_n3A_619 = arith.select %lt3A_616, %broadcast_in_dim3A_618, %select_n3A_605 : vector<16x1024xi1>, vector<16x1024xf32>
    %min3A_620 = arith.minimumf %sub3A_614, %min3A_606 : vector<16x1024xf32>
    %get3A_621 = arith.constant 0 : index
    %get3A_622 = arith.constant 6144 : index
    %get3A_623 = vector.load %arg4[%get3A_621, %get3A_622] : memref<1x8192xf32, #tpu.memory_space<vmem>>, vector<1x1024xf32>
    %add3A_624 = vector.broadcast %get3A_539 : vector<16x1xf32> to vector<16x1024xf32>
    %add3A_625 = vector.broadcast %get3A_623 : vector<1x1024xf32> to vector<16x1024xf32>
    %add3A_626 = arith.addf %add3A_624, %add3A_625 : vector<16x1024xf32>
    %slice3A_627 = vector.extract_strided_slice %dot_general3A_5 {offsets = [64, 6144], sizes = [16, 1024], strides = [1, 1]} : vector<256x8192xf32> to vector<16x1024xf32>
    %sub3A_628 = arith.subf %add3A_626, %slice3A_627 : vector<16x1024xf32>
    %slice3A_629 = vector.extract_strided_slice %get3A_8 {offsets = [0, 6144], sizes = [1, 1024], strides = [1, 1]} : vector<1x8192xf32> to vector<1x1024xf32>
    %lt3A_630 = arith.cmpf olt, %sub3A_628, %min3A_620 : vector<16x1024xf32>
    %broadcast_in_dim3A_631 = vector.shape_cast %slice3A_629 : vector<1x1024xf32> to vector<1x1024xf32>
    %broadcast_in_dim3A_632 = vector.broadcast %broadcast_in_dim3A_631 : vector<1x1024xf32> to vector<16x1024xf32>
    %select_n3A_633 = arith.select %lt3A_630, %broadcast_in_dim3A_632, %select_n3A_619 : vector<16x1024xi1>, vector<16x1024xf32>
    %min3A_634 = arith.minimumf %sub3A_628, %min3A_620 : vector<16x1024xf32>
    %get3A_635 = arith.constant 0 : index
    %get3A_636 = arith.constant 7168 : index
    %get3A_637 = vector.load %arg4[%get3A_635, %get3A_636] : memref<1x8192xf32, #tpu.memory_space<vmem>>, vector<1x1024xf32>
    %add3A_638 = vector.broadcast %get3A_539 : vector<16x1xf32> to vector<16x1024xf32>
    %add3A_639 = vector.broadcast %get3A_637 : vector<1x1024xf32> to vector<16x1024xf32>
    %add3A_640 = arith.addf %add3A_638, %add3A_639 : vector<16x1024xf32>
    %slice3A_641 = vector.extract_strided_slice %dot_general3A_5 {offsets = [64, 7168], sizes = [16, 1024], strides = [1, 1]} : vector<256x8192xf32> to vector<16x1024xf32>
    %sub3A_642 = arith.subf %add3A_640, %slice3A_641 : vector<16x1024xf32>
    %slice3A_643 = vector.extract_strided_slice %get3A_8 {offsets = [0, 7168], sizes = [1, 1024], strides = [1, 1]} : vector<1x8192xf32> to vector<1x1024xf32>
    %lt3A_644 = arith.cmpf olt, %sub3A_642, %min3A_634 : vector<16x1024xf32>
    %broadcast_in_dim3A_645 = vector.shape_cast %slice3A_643 : vector<1x1024xf32> to vector<1x1024xf32>
    %broadcast_in_dim3A_646 = vector.broadcast %broadcast_in_dim3A_645 : vector<1x1024xf32> to vector<16x1024xf32>
    %select_n3A_647 = arith.select %lt3A_644, %broadcast_in_dim3A_646, %select_n3A_633 : vector<16x1024xi1>, vector<16x1024xf32>
    %min3A_648 = arith.minimumf %sub3A_642, %min3A_634 : vector<16x1024xf32>
    %reduce_min3A_649 = arith.constant dense<0x7F800000> : vector<16xf32>
    %reduce_min3A_650 = vector.multi_reduction <minimumf>, %min3A_648, %reduce_min3A_649 [1] : vector<16x1024xf32> to vector<16xf32>
    %broadcast_in_dim3A_651 = vector.shape_cast %reduce_min3A_650 : vector<16xf32> to vector<16x1xf32>
    %eq3A_652 = vector.broadcast %broadcast_in_dim3A_651 : vector<16x1xf32> to vector<16x1024xf32>
    %eq3A_653 = arith.cmpf oeq, %min3A_648, %eq3A_652 : vector<16x1024xf32>
    %jit3A_654 = arith.constant 8.192000e+03 : f32
    %broadcast_in_dim3A_655 = vector.broadcast %jit3A_654 : f32 to vector<16x1024xf32>
    %select_n3A_656 = arith.select %eq3A_653, %select_n3A_647, %broadcast_in_dim3A_655 : vector<16x1024xi1>, vector<16x1024xf32>
    %reduce_min3A_657 = arith.constant dense<0x7F800000> : vector<16xf32>
    %reduce_min3A_658 = vector.multi_reduction <minimumf>, %select_n3A_656, %reduce_min3A_657 [1] : vector<16x1024xf32> to vector<16xf32>
    %add3A_659 = arith.addf %add3A_524, %broadcast_in_dim3A_651 : vector<16x1xf32>
    %broadcast_in_dim3A_660 = vector.shape_cast %reduce_min3A_658 : vector<16xf32> to vector<16x1xf32>
    %eq3A_661 = vector.broadcast %get3A_8 : vector<1x8192xf32> to vector<16x8192xf32>
    %eq3A_662 = vector.broadcast %broadcast_in_dim3A_660 : vector<16x1xf32> to vector<16x8192xf32>
    %eq3A_663 = arith.cmpf oeq, %eq3A_661, %eq3A_662 : vector<16x8192xf32>
    %jit3A_664 = arith.constant 1.000000e+00 : f32
    %jit3A_665 = arith.constant 0.000000e+00 : f32
    %broadcast_in_dim3A_666 = vector.broadcast %jit3A_664 : f32 to vector<16x8192xf32>
    %broadcast_in_dim3A_667 = vector.broadcast %jit3A_665 : f32 to vector<16x8192xf32>
    %select_n3A_668 = arith.select %eq3A_663, %broadcast_in_dim3A_666, %broadcast_in_dim3A_667 : vector<16x8192xi1>, vector<16x8192xf32>
    %swap3A_669 = arith.constant 64 : index
    %swap3A_670 = arith.constant 0 : index
    %swap3A_671 = vector.load %arg8[%swap3A_669, %swap3A_670] : memref<256x8192xf32, #tpu.memory_space<vmem>>, vector<16x8192xf32>
    tpu.vector_store %arg8[%swap3A_669, %swap3A_670], %select_n3A_668 {strides = array<i32>} : memref<256x8192xf32, #tpu.memory_space<vmem>>, vector<16x8192xf32>,
    %get3A_672 = arith.constant 80 : index
    %get3A_673 = arith.constant 0 : index
    %get3A_674 = vector.load %arg2[%get3A_672, %get3A_673] : memref<256x1xf32, #tpu.memory_space<vmem>>, vector<16x1xf32>
    %get3A_675 = arith.constant 0 : index
    %get3A_676 = arith.constant 0 : index
    %get3A_677 = vector.load %arg4[%get3A_675, %get3A_676] : memref<1x8192xf32, #tpu.memory_space<vmem>>, vector<1x1024xf32>
    %add3A_678 = vector.broadcast %get3A_674 : vector<16x1xf32> to vector<16x1024xf32>
    %add3A_679 = vector.broadcast %get3A_677 : vector<1x1024xf32> to vector<16x1024xf32>
    %add3A_680 = arith.addf %add3A_678, %add3A_679 : vector<16x1024xf32>
    %slice3A_681 = vector.extract_strided_slice %dot_general3A_5 {offsets = [80, 0], sizes = [16, 1024], strides = [1, 1]} : vector<256x8192xf32> to vector<16x1024xf32>
    %sub3A_682 = arith.subf %add3A_680, %slice3A_681 : vector<16x1024xf32>
    %slice3A_683 = vector.extract_strided_slice %get3A_8 {offsets = [0, 0], sizes = [1, 1024], strides = [1, 1]} : vector<1x8192xf32> to vector<1x1024xf32>
    %broadcast_in_dim3A_684 = vector.shape_cast %slice3A_683 : vector<1x1024xf32> to vector<1x1024xf32>
    %broadcast_in_dim3A_685 = vector.broadcast %broadcast_in_dim3A_684 : vector<1x1024xf32> to vector<16x1024xf32>
    %get3A_686 = arith.constant 0 : index
    %get3A_687 = arith.constant 1024 : index
    %get3A_688 = vector.load %arg4[%get3A_686, %get3A_687] : memref<1x8192xf32, #tpu.memory_space<vmem>>, vector<1x1024xf32>
    %add3A_689 = vector.broadcast %get3A_674 : vector<16x1xf32> to vector<16x1024xf32>
    %add3A_690 = vector.broadcast %get3A_688 : vector<1x1024xf32> to vector<16x1024xf32>
    %add3A_691 = arith.addf %add3A_689, %add3A_690 : vector<16x1024xf32>
    %slice3A_692 = vector.extract_strided_slice %dot_general3A_5 {offsets = [80, 1024], sizes = [16, 1024], strides = [1, 1]} : vector<256x8192xf32> to vector<16x1024xf32>
    %sub3A_693 = arith.subf %add3A_691, %slice3A_692 : vector<16x1024xf32>
    %slice3A_694 = vector.extract_strided_slice %get3A_8 {offsets = [0, 1024], sizes = [1, 1024], strides = [1, 1]} : vector<1x8192xf32> to vector<1x1024xf32>
    %lt3A_695 = arith.cmpf olt, %sub3A_693, %sub3A_682 : vector<16x1024xf32>
    %broadcast_in_dim3A_696 = vector.shape_cast %slice3A_694 : vector<1x1024xf32> to vector<1x1024xf32>
    %broadcast_in_dim3A_697 = vector.broadcast %broadcast_in_dim3A_696 : vector<1x1024xf32> to vector<16x1024xf32>
    %select_n3A_698 = arith.select %lt3A_695, %broadcast_in_dim3A_697, %broadcast_in_dim3A_685 : vector<16x1024xi1>, vector<16x1024xf32>
    %min3A_699 = arith.minimumf %sub3A_693, %sub3A_682 : vector<16x1024xf32>
    %get3A_700 = arith.constant 0 : index
    %get3A_701 = arith.constant 2048 : index
    %get3A_702 = vector.load %arg4[%get3A_700, %get3A_701] : memref<1x8192xf32, #tpu.memory_space<vmem>>, vector<1x1024xf32>
    %add3A_703 = vector.broadcast %get3A_674 : vector<16x1xf32> to vector<16x1024xf32>
    %add3A_704 = vector.broadcast %get3A_702 : vector<1x1024xf32> to vector<16x1024xf32>
    %add3A_705 = arith.addf %add3A_703, %add3A_704 : vector<16x1024xf32>
    %slice3A_706 = vector.extract_strided_slice %dot_general3A_5 {offsets = [80, 2048], sizes = [16, 1024], strides = [1, 1]} : vector<256x8192xf32> to vector<16x1024xf32>
    %sub3A_707 = arith.subf %add3A_705, %slice3A_706 : vector<16x1024xf32>
    %slice3A_708 = vector.extract_strided_slice %get3A_8 {offsets = [0, 2048], sizes = [1, 1024], strides = [1, 1]} : vector<1x8192xf32> to vector<1x1024xf32>
    %lt3A_709 = arith.cmpf olt, %sub3A_707, %min3A_699 : vector<16x1024xf32>
    %broadcast_in_dim3A_710 = vector.shape_cast %slice3A_708 : vector<1x1024xf32> to vector<1x1024xf32>
    %broadcast_in_dim3A_711 = vector.broadcast %broadcast_in_dim3A_710 : vector<1x1024xf32> to vector<16x1024xf32>
    %select_n3A_712 = arith.select %lt3A_709, %broadcast_in_dim3A_711, %select_n3A_698 : vector<16x1024xi1>, vector<16x1024xf32>
    %min3A_713 = arith.minimumf %sub3A_707, %min3A_699 : vector<16x1024xf32>
    %get3A_714 = arith.constant 0 : index
    %get3A_715 = arith.constant 3072 : index
    %get3A_716 = vector.load %arg4[%get3A_714, %get3A_715] : memref<1x8192xf32, #tpu.memory_space<vmem>>, vector<1x1024xf32>
    %add3A_717 = vector.broadcast %get3A_674 : vector<16x1xf32> to vector<16x1024xf32>
    %add3A_718 = vector.broadcast %get3A_716 : vector<1x1024xf32> to vector<16x1024xf32>
    %add3A_719 = arith.addf %add3A_717, %add3A_718 : vector<16x1024xf32>
    %slice3A_720 = vector.extract_strided_slice %dot_general3A_5 {offsets = [80, 3072], sizes = [16, 1024], strides = [1, 1]} : vector<256x8192xf32> to vector<16x1024xf32>
    %sub3A_721 = arith.subf %add3A_719, %slice3A_720 : vector<16x1024xf32>
    %slice3A_722 = vector.extract_strided_slice %get3A_8 {offsets = [0, 3072], sizes = [1, 1024], strides = [1, 1]} : vector<1x8192xf32> to vector<1x1024xf32>
    %lt3A_723 = arith.cmpf olt, %sub3A_721, %min3A_713 : vector<16x1024xf32>
    %broadcast_in_dim3A_724 = vector.shape_cast %slice3A_722 : vector<1x1024xf32> to vector<1x1024xf32>
    %broadcast_in_dim3A_725 = vector.broadcast %broadcast_in_dim3A_724 : vector<1x1024xf32> to vector<16x1024xf32>
    %select_n3A_726 = arith.select %lt3A_723, %broadcast_in_dim3A_725, %select_n3A_712 : vector<16x1024xi1>, vector<16x1024xf32>
    %min3A_727 = arith.minimumf %sub3A_721, %min3A_713 : vector<16x1024xf32>
    %get3A_728 = arith.constant 0 : index
    %get3A_729 = arith.constant 4096 : index
    %get3A_730 = vector.load %arg4[%get3A_728, %get3A_729] : memref<1x8192xf32, #tpu.memory_space<vmem>>, vector<1x1024xf32>
    %add3A_731 = vector.broadcast %get3A_674 : vector<16x1xf32> to vector<16x1024xf32>
    %add3A_732 = vector.broadcast %get3A_730 : vector<1x1024xf32> to vector<16x1024xf32>
    %add3A_733 = arith.addf %add3A_731, %add3A_732 : vector<16x1024xf32>
    %slice3A_734 = vector.extract_strided_slice %dot_general3A_5 {offsets = [80, 4096], sizes = [16, 1024], strides = [1, 1]} : vector<256x8192xf32> to vector<16x1024xf32>
    %sub3A_735 = arith.subf %add3A_733, %slice3A_734 : vector<16x1024xf32>
    %slice3A_736 = vector.extract_strided_slice %get3A_8 {offsets = [0, 4096], sizes = [1, 1024], strides = [1, 1]} : vector<1x8192xf32> to vector<1x1024xf32>
    %lt3A_737 = arith.cmpf olt, %sub3A_735, %min3A_727 : vector<16x1024xf32>
    %broadcast_in_dim3A_738 = vector.shape_cast %slice3A_736 : vector<1x1024xf32> to vector<1x1024xf32>
    %broadcast_in_dim3A_739 = vector.broadcast %broadcast_in_dim3A_738 : vector<1x1024xf32> to vector<16x1024xf32>
    %select_n3A_740 = arith.select %lt3A_737, %broadcast_in_dim3A_739, %select_n3A_726 : vector<16x1024xi1>, vector<16x1024xf32>
    %min3A_741 = arith.minimumf %sub3A_735, %min3A_727 : vector<16x1024xf32>
    %get3A_742 = arith.constant 0 : index
    %get3A_743 = arith.constant 5120 : index
    %get3A_744 = vector.load %arg4[%get3A_742, %get3A_743] : memref<1x8192xf32, #tpu.memory_space<vmem>>, vector<1x1024xf32>
    %add3A_745 = vector.broadcast %get3A_674 : vector<16x1xf32> to vector<16x1024xf32>
    %add3A_746 = vector.broadcast %get3A_744 : vector<1x1024xf32> to vector<16x1024xf32>
    %add3A_747 = arith.addf %add3A_745, %add3A_746 : vector<16x1024xf32>
    %slice3A_748 = vector.extract_strided_slice %dot_general3A_5 {offsets = [80, 5120], sizes = [16, 1024], strides = [1, 1]} : vector<256x8192xf32> to vector<16x1024xf32>
    %sub3A_749 = arith.subf %add3A_747, %slice3A_748 : vector<16x1024xf32>
    %slice3A_750 = vector.extract_strided_slice %get3A_8 {offsets = [0, 5120], sizes = [1, 1024], strides = [1, 1]} : vector<1x8192xf32> to vector<1x1024xf32>
    %lt3A_751 = arith.cmpf olt, %sub3A_749, %min3A_741 : vector<16x1024xf32>
    %broadcast_in_dim3A_752 = vector.shape_cast %slice3A_750 : vector<1x1024xf32> to vector<1x1024xf32>
    %broadcast_in_dim3A_753 = vector.broadcast %broadcast_in_dim3A_752 : vector<1x1024xf32> to vector<16x1024xf32>
    %select_n3A_754 = arith.select %lt3A_751, %broadcast_in_dim3A_753, %select_n3A_740 : vector<16x1024xi1>, vector<16x1024xf32>
    %min3A_755 = arith.minimumf %sub3A_749, %min3A_741 : vector<16x1024xf32>
    %get3A_756 = arith.constant 0 : index
    %get3A_757 = arith.constant 6144 : index
    %get3A_758 = vector.load %arg4[%get3A_756, %get3A_757] : memref<1x8192xf32, #tpu.memory_space<vmem>>, vector<1x1024xf32>
    %add3A_759 = vector.broadcast %get3A_674 : vector<16x1xf32> to vector<16x1024xf32>
    %add3A_760 = vector.broadcast %get3A_758 : vector<1x1024xf32> to vector<16x1024xf32>
    %add3A_761 = arith.addf %add3A_759, %add3A_760 : vector<16x1024xf32>
    %slice3A_762 = vector.extract_strided_slice %dot_general3A_5 {offsets = [80, 6144], sizes = [16, 1024], strides = [1, 1]} : vector<256x8192xf32> to vector<16x1024xf32>
    %sub3A_763 = arith.subf %add3A_761, %slice3A_762 : vector<16x1024xf32>
    %slice3A_764 = vector.extract_strided_slice %get3A_8 {offsets = [0, 6144], sizes = [1, 1024], strides = [1, 1]} : vector<1x8192xf32> to vector<1x1024xf32>
    %lt3A_765 = arith.cmpf olt, %sub3A_763, %min3A_755 : vector<16x1024xf32>
    %broadcast_in_dim3A_766 = vector.shape_cast %slice3A_764 : vector<1x1024xf32> to vector<1x1024xf32>
    %broadcast_in_dim3A_767 = vector.broadcast %broadcast_in_dim3A_766 : vector<1x1024xf32> to vector<16x1024xf32>
    %select_n3A_768 = arith.select %lt3A_765, %broadcast_in_dim3A_767, %select_n3A_754 : vector<16x1024xi1>, vector<16x1024xf32>
    %min3A_769 = arith.minimumf %sub3A_763, %min3A_755 : vector<16x1024xf32>
    %get3A_770 = arith.constant 0 : index
    %get3A_771 = arith.constant 7168 : index
    %get3A_772 = vector.load %arg4[%get3A_770, %get3A_771] : memref<1x8192xf32, #tpu.memory_space<vmem>>, vector<1x1024xf32>
    %add3A_773 = vector.broadcast %get3A_674 : vector<16x1xf32> to vector<16x1024xf32>
    %add3A_774 = vector.broadcast %get3A_772 : vector<1x1024xf32> to vector<16x1024xf32>
    %add3A_775 = arith.addf %add3A_773, %add3A_774 : vector<16x1024xf32>
    %slice3A_776 = vector.extract_strided_slice %dot_general3A_5 {offsets = [80, 7168], sizes = [16, 1024], strides = [1, 1]} : vector<256x8192xf32> to vector<16x1024xf32>
    %sub3A_777 = arith.subf %add3A_775, %slice3A_776 : vector<16x1024xf32>
    %slice3A_778 = vector.extract_strided_slice %get3A_8 {offsets = [0, 7168], sizes = [1, 1024], strides = [1, 1]} : vector<1x8192xf32> to vector<1x1024xf32>
    %lt3A_779 = arith.cmpf olt, %sub3A_777, %min3A_769 : vector<16x1024xf32>
    %broadcast_in_dim3A_780 = vector.shape_cast %slice3A_778 : vector<1x1024xf32> to vector<1x1024xf32>
    %broadcast_in_dim3A_781 = vector.broadcast %broadcast_in_dim3A_780 : vector<1x1024xf32> to vector<16x1024xf32>
    %select_n3A_782 = arith.select %lt3A_779, %broadcast_in_dim3A_781, %select_n3A_768 : vector<16x1024xi1>, vector<16x1024xf32>
    %min3A_783 = arith.minimumf %sub3A_777, %min3A_769 : vector<16x1024xf32>
    %reduce_min3A_784 = arith.constant dense<0x7F800000> : vector<16xf32>
    %reduce_min3A_785 = vector.multi_reduction <minimumf>, %min3A_783, %reduce_min3A_784 [1] : vector<16x1024xf32> to vector<16xf32>
    %broadcast_in_dim3A_786 = vector.shape_cast %reduce_min3A_785 : vector<16xf32> to vector<16x1xf32>
    %eq3A_787 = vector.broadcast %broadcast_in_dim3A_786 : vector<16x1xf32> to vector<16x1024xf32>
    %eq3A_788 = arith.cmpf oeq, %min3A_783, %eq3A_787 : vector<16x1024xf32>
    %jit3A_789 = arith.constant 8.192000e+03 : f32
    %broadcast_in_dim3A_790 = vector.broadcast %jit3A_789 : f32 to vector<16x1024xf32>
    %select_n3A_791 = arith.select %eq3A_788, %select_n3A_782, %broadcast_in_dim3A_790 : vector<16x1024xi1>, vector<16x1024xf32>
    %reduce_min3A_792 = arith.constant dense<0x7F800000> : vector<16xf32>
    %reduce_min3A_793 = vector.multi_reduction <minimumf>, %select_n3A_791, %reduce_min3A_792 [1] : vector<16x1024xf32> to vector<16xf32>
    %add3A_794 = arith.addf %add3A_659, %broadcast_in_dim3A_786 : vector<16x1xf32>
    %broadcast_in_dim3A_795 = vector.shape_cast %reduce_min3A_793 : vector<16xf32> to vector<16x1xf32>
    %eq3A_796 = vector.broadcast %get3A_8 : vector<1x8192xf32> to vector<16x8192xf32>
    %eq3A_797 = vector.broadcast %broadcast_in_dim3A_795 : vector<16x1xf32> to vector<16x8192xf32>
    %eq3A_798 = arith.cmpf oeq, %eq3A_796, %eq3A_797 : vector<16x8192xf32>
    %jit3A_799 = arith.constant 1.000000e+00 : f32
    %jit3A_800 = arith.constant 0.000000e+00 : f32
    %broadcast_in_dim3A_801 = vector.broadcast %jit3A_799 : f32 to vector<16x8192xf32>
    %broadcast_in_dim3A_802 = vector.broadcast %jit3A_800 : f32 to vector<16x8192xf32>
    %select_n3A_803 = arith.select %eq3A_798, %broadcast_in_dim3A_801, %broadcast_in_dim3A_802 : vector<16x8192xi1>, vector<16x8192xf32>
    %swap3A_804 = arith.constant 80 : index
    %swap3A_805 = arith.constant 0 : index
    %swap3A_806 = vector.load %arg8[%swap3A_804, %swap3A_805] : memref<256x8192xf32, #tpu.memory_space<vmem>>, vector<16x8192xf32>
    tpu.vector_store %arg8[%swap3A_804, %swap3A_805], %select_n3A_803 {strides = array<i32>} : memref<256x8192xf32, #tpu.memory_space<vmem>>, vector<16x8192xf32>,
    %get3A_807 = arith.constant 96 : index
    %get3A_808 = arith.constant 0 : index
    %get3A_809 = vector.load %arg2[%get3A_807, %get3A_808] : memref<256x1xf32, #tpu.memory_space<vmem>>, vector<16x1xf32>
    %get3A_810 = arith.constant 0 : index
    %get3A_811 = arith.constant 0 : index
    %get3A_812 = vector.load %arg4[%get3A_810, %get3A_811] : memref<1x8192xf32, #tpu.memory_space<vmem>>, vector<1x1024xf32>
    %add3A_813 = vector.broadcast %get3A_809 : vector<16x1xf32> to vector<16x1024xf32>
    %add3A_814 = vector.broadcast %get3A_812 : vector<1x1024xf32> to vector<16x1024xf32>
    %add3A_815 = arith.addf %add3A_813, %add3A_814 : vector<16x1024xf32>
    %slice3A_816 = vector.extract_strided_slice %dot_general3A_5 {offsets = [96, 0], sizes = [16, 1024], strides = [1, 1]} : vector<256x8192xf32> to vector<16x1024xf32>
    %sub3A_817 = arith.subf %add3A_815, %slice3A_816 : vector<16x1024xf32>
    %slice3A_818 = vector.extract_strided_slice %get3A_8 {offsets = [0, 0], sizes = [1, 1024], strides = [1, 1]} : vector<1x8192xf32> to vector<1x1024xf32>
    %broadcast_in_dim3A_819 = vector.shape_cast %slice3A_818 : vector<1x1024xf32> to vector<1x1024xf32>
    %broadcast_in_dim3A_820 = vector.broadcast %broadcast_in_dim3A_819 : vector<1x1024xf32> to vector<16x1024xf32>
    %get3A_821 = arith.constant 0 : index
    %get3A_822 = arith.constant 1024 : index
    %get3A_823 = vector.load %arg4[%get3A_821, %get3A_822] : memref<1x8192xf32, #tpu.memory_space<vmem>>, vector<1x1024xf32>
    %add3A_824 = vector.broadcast %get3A_809 : vector<16x1xf32> to vector<16x1024xf32>
    %add3A_825 = vector.broadcast %get3A_823 : vector<1x1024xf32> to vector<16x1024xf32>
    %add3A_826 = arith.addf %add3A_824, %add3A_825 : vector<16x1024xf32>
    %slice3A_827 = vector.extract_strided_slice %dot_general3A_5 {offsets = [96, 1024], sizes = [16, 1024], strides = [1, 1]} : vector<256x8192xf32> to vector<16x1024xf32>
    %sub3A_828 = arith.subf %add3A_826, %slice3A_827 : vector<16x1024xf32>
    %slice3A_829 = vector.extract_strided_slice %get3A_8 {offsets = [0, 1024], sizes = [1, 1024], strides = [1, 1]} : vector<1x8192xf32> to vector<1x1024xf32>
    %lt3A_830 = arith.cmpf olt, %sub3A_828, %sub3A_817 : vector<16x1024xf32>
    %broadcast_in_dim3A_831 = vector.shape_cast %slice3A_829 : vector<1x1024xf32> to vector<1x1024xf32>
    %broadcast_in_dim3A_832 = vector.broadcast %broadcast_in_dim3A_831 : vector<1x1024xf32> to vector<16x1024xf32>
    %select_n3A_833 = arith.select %lt3A_830, %broadcast_in_dim3A_832, %broadcast_in_dim3A_820 : vector<16x1024xi1>, vector<16x1024xf32>
    %min3A_834 = arith.minimumf %sub3A_828, %sub3A_817 : vector<16x1024xf32>
    %get3A_835 = arith.constant 0 : index
    %get3A_836 = arith.constant 2048 : index
    %get3A_837 = vector.load %arg4[%get3A_835, %get3A_836] : memref<1x8192xf32, #tpu.memory_space<vmem>>, vector<1x1024xf32>
    %add3A_838 = vector.broadcast %get3A_809 : vector<16x1xf32> to vector<16x1024xf32>
    %add3A_839 = vector.broadcast %get3A_837 : vector<1x1024xf32> to vector<16x1024xf32>
    %add3A_840 = arith.addf %add3A_838, %add3A_839 : vector<16x1024xf32>
    %slice3A_841 = vector.extract_strided_slice %dot_general3A_5 {offsets = [96, 2048], sizes = [16, 1024], strides = [1, 1]} : vector<256x8192xf32> to vector<16x1024xf32>
    %sub3A_842 = arith.subf %add3A_840, %slice3A_841 : vector<16x1024xf32>
    %slice3A_843 = vector.extract_strided_slice %get3A_8 {offsets = [0, 2048], sizes = [1, 1024], strides = [1, 1]} : vector<1x8192xf32> to vector<1x1024xf32>
    %lt3A_844 = arith.cmpf olt, %sub3A_842, %min3A_834 : vector<16x1024xf32>
    %broadcast_in_dim3A_845 = vector.shape_cast %slice3A_843 : vector<1x1024xf32> to vector<1x1024xf32>
    %broadcast_in_dim3A_846 = vector.broadcast %broadcast_in_dim3A_845 : vector<1x1024xf32> to vector<16x1024xf32>
    %select_n3A_847 = arith.select %lt3A_844, %broadcast_in_dim3A_846, %select_n3A_833 : vector<16x1024xi1>, vector<16x1024xf32>
    %min3A_848 = arith.minimumf %sub3A_842, %min3A_834 : vector<16x1024xf32>
    %get3A_849 = arith.constant 0 : index
    %get3A_850 = arith.constant 3072 : index
    %get3A_851 = vector.load %arg4[%get3A_849, %get3A_850] : memref<1x8192xf32, #tpu.memory_space<vmem>>, vector<1x1024xf32>
    %add3A_852 = vector.broadcast %get3A_809 : vector<16x1xf32> to vector<16x1024xf32>
    %add3A_853 = vector.broadcast %get3A_851 : vector<1x1024xf32> to vector<16x1024xf32>
    %add3A_854 = arith.addf %add3A_852, %add3A_853 : vector<16x1024xf32>
    %slice3A_855 = vector.extract_strided_slice %dot_general3A_5 {offsets = [96, 3072], sizes = [16, 1024], strides = [1, 1]} : vector<256x8192xf32> to vector<16x1024xf32>
    %sub3A_856 = arith.subf %add3A_854, %slice3A_855 : vector<16x1024xf32>
    %slice3A_857 = vector.extract_strided_slice %get3A_8 {offsets = [0, 3072], sizes = [1, 1024], strides = [1, 1]} : vector<1x8192xf32> to vector<1x1024xf32>
    %lt3A_858 = arith.cmpf olt, %sub3A_856, %min3A_848 : vector<16x1024xf32>
    %broadcast_in_dim3A_859 = vector.shape_cast %slice3A_857 : vector<1x1024xf32> to vector<1x1024xf32>
    %broadcast_in_dim3A_860 = vector.broadcast %broadcast_in_dim3A_859 : vector<1x1024xf32> to vector<16x1024xf32>
    %select_n3A_861 = arith.select %lt3A_858, %broadcast_in_dim3A_860, %select_n3A_847 : vector<16x1024xi1>, vector<16x1024xf32>
    %min3A_862 = arith.minimumf %sub3A_856, %min3A_848 : vector<16x1024xf32>
    %get3A_863 = arith.constant 0 : index
    %get3A_864 = arith.constant 4096 : index
    %get3A_865 = vector.load %arg4[%get3A_863, %get3A_864] : memref<1x8192xf32, #tpu.memory_space<vmem>>, vector<1x1024xf32>
    %add3A_866 = vector.broadcast %get3A_809 : vector<16x1xf32> to vector<16x1024xf32>
    %add3A_867 = vector.broadcast %get3A_865 : vector<1x1024xf32> to vector<16x1024xf32>
    %add3A_868 = arith.addf %add3A_866, %add3A_867 : vector<16x1024xf32>
    %slice3A_869 = vector.extract_strided_slice %dot_general3A_5 {offsets = [96, 4096], sizes = [16, 1024], strides = [1, 1]} : vector<256x8192xf32> to vector<16x1024xf32>
    %sub3A_870 = arith.subf %add3A_868, %slice3A_869 : vector<16x1024xf32>
    %slice3A_871 = vector.extract_strided_slice %get3A_8 {offsets = [0, 4096], sizes = [1, 1024], strides = [1, 1]} : vector<1x8192xf32> to vector<1x1024xf32>
    %lt3A_872 = arith.cmpf olt, %sub3A_870, %min3A_862 : vector<16x1024xf32>
    %broadcast_in_dim3A_873 = vector.shape_cast %slice3A_871 : vector<1x1024xf32> to vector<1x1024xf32>
    %broadcast_in_dim3A_874 = vector.broadcast %broadcast_in_dim3A_873 : vector<1x1024xf32> to vector<16x1024xf32>
    %select_n3A_875 = arith.select %lt3A_872, %broadcast_in_dim3A_874, %select_n3A_861 : vector<16x1024xi1>, vector<16x1024xf32>
    %min3A_876 = arith.minimumf %sub3A_870, %min3A_862 : vector<16x1024xf32>
    %get3A_877 = arith.constant 0 : index
    %get3A_878 = arith.constant 5120 : index
    %get3A_879 = vector.load %arg4[%get3A_877, %get3A_878] : memref<1x8192xf32, #tpu.memory_space<vmem>>, vector<1x1024xf32>
    %add3A_880 = vector.broadcast %get3A_809 : vector<16x1xf32> to vector<16x1024xf32>
    %add3A_881 = vector.broadcast %get3A_879 : vector<1x1024xf32> to vector<16x1024xf32>
    %add3A_882 = arith.addf %add3A_880, %add3A_881 : vector<16x1024xf32>
    %slice3A_883 = vector.extract_strided_slice %dot_general3A_5 {offsets = [96, 5120], sizes = [16, 1024], strides = [1, 1]} : vector<256x8192xf32> to vector<16x1024xf32>
    %sub3A_884 = arith.subf %add3A_882, %slice3A_883 : vector<16x1024xf32>
    %slice3A_885 = vector.extract_strided_slice %get3A_8 {offsets = [0, 5120], sizes = [1, 1024], strides = [1, 1]} : vector<1x8192xf32> to vector<1x1024xf32>
    %lt3A_886 = arith.cmpf olt, %sub3A_884, %min3A_876 : vector<16x1024xf32>
    %broadcast_in_dim3A_887 = vector.shape_cast %slice3A_885 : vector<1x1024xf32> to vector<1x1024xf32>
    %broadcast_in_dim3A_888 = vector.broadcast %broadcast_in_dim3A_887 : vector<1x1024xf32> to vector<16x1024xf32>
    %select_n3A_889 = arith.select %lt3A_886, %broadcast_in_dim3A_888, %select_n3A_875 : vector<16x1024xi1>, vector<16x1024xf32>
    %min3A_890 = arith.minimumf %sub3A_884, %min3A_876 : vector<16x1024xf32>
    %get3A_891 = arith.constant 0 : index
    %get3A_892 = arith.constant 6144 : index
    %get3A_893 = vector.load %arg4[%get3A_891, %get3A_892] : memref<1x8192xf32, #tpu.memory_space<vmem>>, vector<1x1024xf32>
    %add3A_894 = vector.broadcast %get3A_809 : vector<16x1xf32> to vector<16x1024xf32>
    %add3A_895 = vector.broadcast %get3A_893 : vector<1x1024xf32> to vector<16x1024xf32>
    %add3A_896 = arith.addf %add3A_894, %add3A_895 : vector<16x1024xf32>
    %slice3A_897 = vector.extract_strided_slice %dot_general3A_5 {offsets = [96, 6144], sizes = [16, 1024], strides = [1, 1]} : vector<256x8192xf32> to vector<16x1024xf32>
    %sub3A_898 = arith.subf %add3A_896, %slice3A_897 : vector<16x1024xf32>
    %slice3A_899 = vector.extract_strided_slice %get3A_8 {offsets = [0, 6144], sizes = [1, 1024], strides = [1, 1]} : vector<1x8192xf32> to vector<1x1024xf32>
    %lt3A_900 = arith.cmpf olt, %sub3A_898, %min3A_890 : vector<16x1024xf32>
    %broadcast_in_dim3A_901 = vector.shape_cast %slice3A_899 : vector<1x1024xf32> to vector<1x1024xf32>
    %broadcast_in_dim3A_902 = vector.broadcast %broadcast_in_dim3A_901 : vector<1x1024xf32> to vector<16x1024xf32>
    %select_n3A_903 = arith.select %lt3A_900, %broadcast_in_dim3A_902, %select_n3A_889 : vector<16x1024xi1>, vector<16x1024xf32>
    %min3A_904 = arith.minimumf %sub3A_898, %min3A_890 : vector<16x1024xf32>
    %get3A_905 = arith.constant 0 : index
    %get3A_906 = arith.constant 7168 : index
    %get3A_907 = vector.load %arg4[%get3A_905, %get3A_906] : memref<1x8192xf32, #tpu.memory_space<vmem>>, vector<1x1024xf32>
    %add3A_908 = vector.broadcast %get3A_809 : vector<16x1xf32> to vector<16x1024xf32>
    %add3A_909 = vector.broadcast %get3A_907 : vector<1x1024xf32> to vector<16x1024xf32>
    %add3A_910 = arith.addf %add3A_908, %add3A_909 : vector<16x1024xf32>
    %slice3A_911 = vector.extract_strided_slice %dot_general3A_5 {offsets = [96, 7168], sizes = [16, 1024], strides = [1, 1]} : vector<256x8192xf32> to vector<16x1024xf32>
    %sub3A_912 = arith.subf %add3A_910, %slice3A_911 : vector<16x1024xf32>
    %slice3A_913 = vector.extract_strided_slice %get3A_8 {offsets = [0, 7168], sizes = [1, 1024], strides = [1, 1]} : vector<1x8192xf32> to vector<1x1024xf32>
    %lt3A_914 = arith.cmpf olt, %sub3A_912, %min3A_904 : vector<16x1024xf32>
    %broadcast_in_dim3A_915 = vector.shape_cast %slice3A_913 : vector<1x1024xf32> to vector<1x1024xf32>
    %broadcast_in_dim3A_916 = vector.broadcast %broadcast_in_dim3A_915 : vector<1x1024xf32> to vector<16x1024xf32>
    %select_n3A_917 = arith.select %lt3A_914, %broadcast_in_dim3A_916, %select_n3A_903 : vector<16x1024xi1>, vector<16x1024xf32>
    %min3A_918 = arith.minimumf %sub3A_912, %min3A_904 : vector<16x1024xf32>
    %reduce_min3A_919 = arith.constant dense<0x7F800000> : vector<16xf32>
    %reduce_min3A_920 = vector.multi_reduction <minimumf>, %min3A_918, %reduce_min3A_919 [1] : vector<16x1024xf32> to vector<16xf32>
    %broadcast_in_dim3A_921 = vector.shape_cast %reduce_min3A_920 : vector<16xf32> to vector<16x1xf32>
    %eq3A_922 = vector.broadcast %broadcast_in_dim3A_921 : vector<16x1xf32> to vector<16x1024xf32>
    %eq3A_923 = arith.cmpf oeq, %min3A_918, %eq3A_922 : vector<16x1024xf32>
    %jit3A_924 = arith.constant 8.192000e+03 : f32
    %broadcast_in_dim3A_925 = vector.broadcast %jit3A_924 : f32 to vector<16x1024xf32>
    %select_n3A_926 = arith.select %eq3A_923, %select_n3A_917, %broadcast_in_dim3A_925 : vector<16x1024xi1>, vector<16x1024xf32>
    %reduce_min3A_927 = arith.constant dense<0x7F800000> : vector<16xf32>
    %reduce_min3A_928 = vector.multi_reduction <minimumf>, %select_n3A_926, %reduce_min3A_927 [1] : vector<16x1024xf32> to vector<16xf32>
    %add3A_929 = arith.addf %add3A_794, %broadcast_in_dim3A_921 : vector<16x1xf32>
    %broadcast_in_dim3A_930 = vector.shape_cast %reduce_min3A_928 : vector<16xf32> to vector<16x1xf32>
    %eq3A_931 = vector.broadcast %get3A_8 : vector<1x8192xf32> to vector<16x8192xf32>
    %eq3A_932 = vector.broadcast %broadcast_in_dim3A_930 : vector<16x1xf32> to vector<16x8192xf32>
    %eq3A_933 = arith.cmpf oeq, %eq3A_931, %eq3A_932 : vector<16x8192xf32>
    %jit3A_934 = arith.constant 1.000000e+00 : f32
    %jit3A_935 = arith.constant 0.000000e+00 : f32
    %broadcast_in_dim3A_936 = vector.broadcast %jit3A_934 : f32 to vector<16x8192xf32>
    %broadcast_in_dim3A_937 = vector.broadcast %jit3A_935 : f32 to vector<16x8192xf32>
    %select_n3A_938 = arith.select %eq3A_933, %broadcast_in_dim3A_936, %broadcast_in_dim3A_937 : vector<16x8192xi1>, vector<16x8192xf32>
    %swap3A_939 = arith.constant 96 : index
    %swap3A_940 = arith.constant 0 : index
    %swap3A_941 = vector.load %arg8[%swap3A_939, %swap3A_940] : memref<256x8192xf32, #tpu.memory_space<vmem>>, vector<16x8192xf32>
    tpu.vector_store %arg8[%swap3A_939, %swap3A_940], %select_n3A_938 {strides = array<i32>} : memref<256x8192xf32, #tpu.memory_space<vmem>>, vector<16x8192xf32>,
    %get3A_942 = arith.constant 112 : index
    %get3A_943 = arith.constant 0 : index
    %get3A_944 = vector.load %arg2[%get3A_942, %get3A_943] : memref<256x1xf32, #tpu.memory_space<vmem>>, vector<16x1xf32>
    %get3A_945 = arith.constant 0 : index
    %get3A_946 = arith.constant 0 : index
    %get3A_947 = vector.load %arg4[%get3A_945, %get3A_946] : memref<1x8192xf32, #tpu.memory_space<vmem>>, vector<1x1024xf32>
    %add3A_948 = vector.broadcast %get3A_944 : vector<16x1xf32> to vector<16x1024xf32>
    %add3A_949 = vector.broadcast %get3A_947 : vector<1x1024xf32> to vector<16x1024xf32>
    %add3A_950 = arith.addf %add3A_948, %add3A_949 : vector<16x1024xf32>
    %slice3A_951 = vector.extract_strided_slice %dot_general3A_5 {offsets = [112, 0], sizes = [16, 1024], strides = [1, 1]} : vector<256x8192xf32> to vector<16x1024xf32>
    %sub3A_952 = arith.subf %add3A_950, %slice3A_951 : vector<16x1024xf32>
    %slice3A_953 = vector.extract_strided_slice %get3A_8 {offsets = [0, 0], sizes = [1, 1024], strides = [1, 1]} : vector<1x8192xf32> to vector<1x1024xf32>
    %broadcast_in_dim3A_954 = vector.shape_cast %slice3A_953 : vector<1x1024xf32> to vector<1x1024xf32>
    %broadcast_in_dim3A_955 = vector.broadcast %broadcast_in_dim3A_954 : vector<1x1024xf32> to vector<16x1024xf32>
    %get3A_956 = arith.constant 0 : index
    %get3A_957 = arith.constant 1024 : index
    %get3A_958 = vector.load %arg4[%get3A_956, %get3A_957] : memref<1x8192xf32, #tpu.memory_space<vmem>>, vector<1x1024xf32>
    %add3A_959 = vector.broadcast %get3A_944 : vector<16x1xf32> to vector<16x1024xf32>
    %add3A_960 = vector.broadcast %get3A_958 : vector<1x1024xf32> to vector<16x1024xf32>
    %add3A_961 = arith.addf %add3A_959, %add3A_960 : vector<16x1024xf32>
    %slice3A_962 = vector.extract_strided_slice %dot_general3A_5 {offsets = [112, 1024], sizes = [16, 1024], strides = [1, 1]} : vector<256x8192xf32> to vector<16x1024xf32>
    %sub3A_963 = arith.subf %add3A_961, %slice3A_962 : vector<16x1024xf32>
    %slice3A_964 = vector.extract_strided_slice %get3A_8 {offsets = [0, 1024], sizes = [1, 1024], strides = [1, 1]} : vector<1x8192xf32> to vector<1x1024xf32>
    %lt3A_965 = arith.cmpf olt, %sub3A_963, %sub3A_952 : vector<16x1024xf32>
    %broadcast_in_dim3A_966 = vector.shape_cast %slice3A_964 : vector<1x1024xf32> to vector<1x1024xf32>
    %broadcast_in_dim3A_967 = vector.broadcast %broadcast_in_dim3A_966 : vector<1x1024xf32> to vector<16x1024xf32>
    %select_n3A_968 = arith.select %lt3A_965, %broadcast_in_dim3A_967, %broadcast_in_dim3A_955 : vector<16x1024xi1>, vector<16x1024xf32>
    %min3A_969 = arith.minimumf %sub3A_963, %sub3A_952 : vector<16x1024xf32>
    %get3A_970 = arith.constant 0 : index
    %get3A_971 = arith.constant 2048 : index
    %get3A_972 = vector.load %arg4[%get3A_970, %get3A_971] : memref<1x8192xf32, #tpu.memory_space<vmem>>, vector<1x1024xf32>
    %add3A_973 = vector.broadcast %get3A_944 : vector<16x1xf32> to vector<16x1024xf32>
    %add3A_974 = vector.broadcast %get3A_972 : vector<1x1024xf32> to vector<16x1024xf32>
    %add3A_975 = arith.addf %add3A_973, %add3A_974 : vector<16x1024xf32>
    %slice3A_976 = vector.extract_strided_slice %dot_general3A_5 {offsets = [112, 2048], sizes = [16, 1024], strides = [1, 1]} : vector<256x8192xf32> to vector<16x1024xf32>
    %sub3A_977 = arith.subf %add3A_975, %slice3A_976 : vector<16x1024xf32>
    %slice3A_978 = vector.extract_strided_slice %get3A_8 {offsets = [0, 2048], sizes = [1, 1024], strides = [1, 1]} : vector<1x8192xf32> to vector<1x1024xf32>
    %lt3A_979 = arith.cmpf olt, %sub3A_977, %min3A_969 : vector<16x1024xf32>
    %broadcast_in_dim3A_980 = vector.shape_cast %slice3A_978 : vector<1x1024xf32> to vector<1x1024xf32>
    %broadcast_in_dim3A_981 = vector.broadcast %broadcast_in_dim3A_980 : vector<1x1024xf32> to vector<16x1024xf32>
    %select_n3A_982 = arith.select %lt3A_979, %broadcast_in_dim3A_981, %select_n3A_968 : vector<16x1024xi1>, vector<16x1024xf32>
    %min3A_983 = arith.minimumf %sub3A_977, %min3A_969 : vector<16x1024xf32>
    %get3A_984 = arith.constant 0 : index
    %get3A_985 = arith.constant 3072 : index
    %get3A_986 = vector.load %arg4[%get3A_984, %get3A_985] : memref<1x8192xf32, #tpu.memory_space<vmem>>, vector<1x1024xf32>
    %add3A_987 = vector.broadcast %get3A_944 : vector<16x1xf32> to vector<16x1024xf32>
    %add3A_988 = vector.broadcast %get3A_986 : vector<1x1024xf32> to vector<16x1024xf32>
    %add3A_989 = arith.addf %add3A_987, %add3A_988 : vector<16x1024xf32>
    %slice3A_990 = vector.extract_strided_slice %dot_general3A_5 {offsets = [112, 3072], sizes = [16, 1024], strides = [1, 1]} : vector<256x8192xf32> to vector<16x1024xf32>
    %sub3A_991 = arith.subf %add3A_989, %slice3A_990 : vector<16x1024xf32>
    %slice3A_992 = vector.extract_strided_slice %get3A_8 {offsets = [0, 3072], sizes = [1, 1024], strides = [1, 1]} : vector<1x8192xf32> to vector<1x1024xf32>
    %lt3A_993 = arith.cmpf olt, %sub3A_991, %min3A_983 : vector<16x1024xf32>
    %broadcast_in_dim3A_994 = vector.shape_cast %slice3A_992 : vector<1x1024xf32> to vector<1x1024xf32>
    %broadcast_in_dim3A_995 = vector.broadcast %broadcast_in_dim3A_994 : vector<1x1024xf32> to vector<16x1024xf32>
    %select_n3A_996 = arith.select %lt3A_993, %broadcast_in_dim3A_995, %select_n3A_982 : vector<16x1024xi1>, vector<16x1024xf32>
    %min3A_997 = arith.minimumf %sub3A_991, %min3A_983 : vector<16x1024xf32>
    %get3A_998 = arith.constant 0 : index
    %get3A_999 = arith.constant 4096 : index
    %get3A_1000 = vector.load %arg4[%get3A_998, %get3A_999] : memref<1x8192xf32, #tpu.memory_space<vmem>>, vector<1x1024xf32>
    %add3A_1001 = vector.broadcast %get3A_944 : vector<16x1xf32> to vector<16x1024xf32>
    %add3A_1002 = vector.broadcast %get3A_1000 : vector<1x1024xf32> to vector<16x1024xf32>
    %add3A_1003 = arith.addf %add3A_1001, %add3A_1002 : vector<16x1024xf32>
    %slice3A_1004 = vector.extract_strided_slice %dot_general3A_5 {offsets = [112, 4096], sizes = [16, 1024], strides = [1, 1]} : vector<256x8192xf32> to vector<16x1024xf32>
    %sub3A_1005 = arith.subf %add3A_1003, %slice3A_1004 : vector<16x1024xf32>
    %slice3A_1006 = vector.extract_strided_slice %get3A_8 {offsets = [0, 4096], sizes = [1, 1024], strides = [1, 1]} : vector<1x8192xf32> to vector<1x1024xf32>
    %lt3A_1007 = arith.cmpf olt, %sub3A_1005, %min3A_997 : vector<16x1024xf32>
    %broadcast_in_dim3A_1008 = vector.shape_cast %slice3A_1006 : vector<1x1024xf32> to vector<1x1024xf32>
    %broadcast_in_dim3A_1009 = vector.broadcast %broadcast_in_dim3A_1008 : vector<1x1024xf32> to vector<16x1024xf32>
    %select_n3A_1010 = arith.select %lt3A_1007, %broadcast_in_dim3A_1009, %select_n3A_996 : vector<16x1024xi1>, vector<16x1024xf32>
    %min3A_1011 = arith.minimumf %sub3A_1005, %min3A_997 : vector<16x1024xf32>
    %get3A_1012 = arith.constant 0 : index
    %get3A_1013 = arith.constant 5120 : index
    %get3A_1014 = vector.load %arg4[%get3A_1012, %get3A_1013] : memref<1x8192xf32, #tpu.memory_space<vmem>>, vector<1x1024xf32>
    %add3A_1015 = vector.broadcast %get3A_944 : vector<16x1xf32> to vector<16x1024xf32>
    %add3A_1016 = vector.broadcast %get3A_1014 : vector<1x1024xf32> to vector<16x1024xf32>
    %add3A_1017 = arith.addf %add3A_1015, %add3A_1016 : vector<16x1024xf32>
    %slice3A_1018 = vector.extract_strided_slice %dot_general3A_5 {offsets = [112, 5120], sizes = [16, 1024], strides = [1, 1]} : vector<256x8192xf32> to vector<16x1024xf32>
    %sub3A_1019 = arith.subf %add3A_1017, %slice3A_1018 : vector<16x1024xf32>
    %slice3A_1020 = vector.extract_strided_slice %get3A_8 {offsets = [0, 5120], sizes = [1, 1024], strides = [1, 1]} : vector<1x8192xf32> to vector<1x1024xf32>
    %lt3A_1021 = arith.cmpf olt, %sub3A_1019, %min3A_1011 : vector<16x1024xf32>
    %broadcast_in_dim3A_1022 = vector.shape_cast %slice3A_1020 : vector<1x1024xf32> to vector<1x1024xf32>
    %broadcast_in_dim3A_1023 = vector.broadcast %broadcast_in_dim3A_1022 : vector<1x1024xf32> to vector<16x1024xf32>
    %select_n3A_1024 = arith.select %lt3A_1021, %broadcast_in_dim3A_1023, %select_n3A_1010 : vector<16x1024xi1>, vector<16x1024xf32>
    %min3A_1025 = arith.minimumf %sub3A_1019, %min3A_1011 : vector<16x1024xf32>
    %get3A_1026 = arith.constant 0 : index
    %get3A_1027 = arith.constant 6144 : index
    %get3A_1028 = vector.load %arg4[%get3A_1026, %get3A_1027] : memref<1x8192xf32, #tpu.memory_space<vmem>>, vector<1x1024xf32>
    %add3A_1029 = vector.broadcast %get3A_944 : vector<16x1xf32> to vector<16x1024xf32>
    %add3A_1030 = vector.broadcast %get3A_1028 : vector<1x1024xf32> to vector<16x1024xf32>
    %add3A_1031 = arith.addf %add3A_1029, %add3A_1030 : vector<16x1024xf32>
    %slice3A_1032 = vector.extract_strided_slice %dot_general3A_5 {offsets = [112, 6144], sizes = [16, 1024], strides = [1, 1]} : vector<256x8192xf32> to vector<16x1024xf32>
    %sub3A_1033 = arith.subf %add3A_1031, %slice3A_1032 : vector<16x1024xf32>
    %slice3A_1034 = vector.extract_strided_slice %get3A_8 {offsets = [0, 6144], sizes = [1, 1024], strides = [1, 1]} : vector<1x8192xf32> to vector<1x1024xf32>
    %lt3A_1035 = arith.cmpf olt, %sub3A_1033, %min3A_1025 : vector<16x1024xf32>
    %broadcast_in_dim3A_1036 = vector.shape_cast %slice3A_1034 : vector<1x1024xf32> to vector<1x1024xf32>
    %broadcast_in_dim3A_1037 = vector.broadcast %broadcast_in_dim3A_1036 : vector<1x1024xf32> to vector<16x1024xf32>
    %select_n3A_1038 = arith.select %lt3A_1035, %broadcast_in_dim3A_1037, %select_n3A_1024 : vector<16x1024xi1>, vector<16x1024xf32>
    %min3A_1039 = arith.minimumf %sub3A_1033, %min3A_1025 : vector<16x1024xf32>
    %get3A_1040 = arith.constant 0 : index
    %get3A_1041 = arith.constant 7168 : index
    %get3A_1042 = vector.load %arg4[%get3A_1040, %get3A_1041] : memref<1x8192xf32, #tpu.memory_space<vmem>>, vector<1x1024xf32>
    %add3A_1043 = vector.broadcast %get3A_944 : vector<16x1xf32> to vector<16x1024xf32>
    %add3A_1044 = vector.broadcast %get3A_1042 : vector<1x1024xf32> to vector<16x1024xf32>
    %add3A_1045 = arith.addf %add3A_1043, %add3A_1044 : vector<16x1024xf32>
    %slice3A_1046 = vector.extract_strided_slice %dot_general3A_5 {offsets = [112, 7168], sizes = [16, 1024], strides = [1, 1]} : vector<256x8192xf32> to vector<16x1024xf32>
    %sub3A_1047 = arith.subf %add3A_1045, %slice3A_1046 : vector<16x1024xf32>
    %slice3A_1048 = vector.extract_strided_slice %get3A_8 {offsets = [0, 7168], sizes = [1, 1024], strides = [1, 1]} : vector<1x8192xf32> to vector<1x1024xf32>
    %lt3A_1049 = arith.cmpf olt, %sub3A_1047, %min3A_1039 : vector<16x1024xf32>
    %broadcast_in_dim3A_1050 = vector.shape_cast %slice3A_1048 : vector<1x1024xf32> to vector<1x1024xf32>
    %broadcast_in_dim3A_1051 = vector.broadcast %broadcast_in_dim3A_1050 : vector<1x1024xf32> to vector<16x1024xf32>
    %select_n3A_1052 = arith.select %lt3A_1049, %broadcast_in_dim3A_1051, %select_n3A_1038 : vector<16x1024xi1>, vector<16x1024xf32>
    %min3A_1053 = arith.minimumf %sub3A_1047, %min3A_1039 : vector<16x1024xf32>
    %reduce_min3A_1054 = arith.constant dense<0x7F800000> : vector<16xf32>
    %reduce_min3A_1055 = vector.multi_reduction <minimumf>, %min3A_1053, %reduce_min3A_1054 [1] : vector<16x1024xf32> to vector<16xf32>
    %broadcast_in_dim3A_1056 = vector.shape_cast %reduce_min3A_1055 : vector<16xf32> to vector<16x1xf32>
    %eq3A_1057 = vector.broadcast %broadcast_in_dim3A_1056 : vector<16x1xf32> to vector<16x1024xf32>
    %eq3A_1058 = arith.cmpf oeq, %min3A_1053, %eq3A_1057 : vector<16x1024xf32>
    %jit3A_1059 = arith.constant 8.192000e+03 : f32
    %broadcast_in_dim3A_1060 = vector.broadcast %jit3A_1059 : f32 to vector<16x1024xf32>
    %select_n3A_1061 = arith.select %eq3A_1058, %select_n3A_1052, %broadcast_in_dim3A_1060 : vector<16x1024xi1>, vector<16x1024xf32>
    %reduce_min3A_1062 = arith.constant dense<0x7F800000> : vector<16xf32>
    %reduce_min3A_1063 = vector.multi_reduction <minimumf>, %select_n3A_1061, %reduce_min3A_1062 [1] : vector<16x1024xf32> to vector<16xf32>
    %add3A_1064 = arith.addf %add3A_929, %broadcast_in_dim3A_1056 : vector<16x1xf32>
    %broadcast_in_dim3A_1065 = vector.shape_cast %reduce_min3A_1063 : vector<16xf32> to vector<16x1xf32>
    %eq3A_1066 = vector.broadcast %get3A_8 : vector<1x8192xf32> to vector<16x8192xf32>
    %eq3A_1067 = vector.broadcast %broadcast_in_dim3A_1065 : vector<16x1xf32> to vector<16x8192xf32>
    %eq3A_1068 = arith.cmpf oeq, %eq3A_1066, %eq3A_1067 : vector<16x8192xf32>
    %jit3A_1069 = arith.constant 1.000000e+00 : f32
    %jit3A_1070 = arith.constant 0.000000e+00 : f32
    %broadcast_in_dim3A_1071 = vector.broadcast %jit3A_1069 : f32 to vector<16x8192xf32>
    %broadcast_in_dim3A_1072 = vector.broadcast %jit3A_1070 : f32 to vector<16x8192xf32>
    %select_n3A_1073 = arith.select %eq3A_1068, %broadcast_in_dim3A_1071, %broadcast_in_dim3A_1072 : vector<16x8192xi1>, vector<16x8192xf32>
    %swap3A_1074 = arith.constant 112 : index
    %swap3A_1075 = arith.constant 0 : index
    %swap3A_1076 = vector.load %arg8[%swap3A_1074, %swap3A_1075] : memref<256x8192xf32, #tpu.memory_space<vmem>>, vector<16x8192xf32>
    tpu.vector_store %arg8[%swap3A_1074, %swap3A_1075], %select_n3A_1073 {strides = array<i32>} : memref<256x8192xf32, #tpu.memory_space<vmem>>, vector<16x8192xf32>,
    %get3A_1077 = arith.constant 128 : index
    %get3A_1078 = arith.constant 0 : index
    %get3A_1079 = vector.load %arg2[%get3A_1077, %get3A_1078] : memref<256x1xf32, #tpu.memory_space<vmem>>, vector<16x1xf32>
    %get3A_1080 = arith.constant 0 : index
    %get3A_1081 = arith.constant 0 : index
    %get3A_1082 = vector.load %arg4[%get3A_1080, %get3A_1081] : memref<1x8192xf32, #tpu.memory_space<vmem>>, vector<1x1024xf32>
    %add3A_1083 = vector.broadcast %get3A_1079 : vector<16x1xf32> to vector<16x1024xf32>
    %add3A_1084 = vector.broadcast %get3A_1082 : vector<1x1024xf32> to vector<16x1024xf32>
    %add3A_1085 = arith.addf %add3A_1083, %add3A_1084 : vector<16x1024xf32>
    %slice3A_1086 = vector.extract_strided_slice %dot_general3A_5 {offsets = [128, 0], sizes = [16, 1024], strides = [1, 1]} : vector<256x8192xf32> to vector<16x1024xf32>
    %sub3A_1087 = arith.subf %add3A_1085, %slice3A_1086 : vector<16x1024xf32>
    %slice3A_1088 = vector.extract_strided_slice %get3A_8 {offsets = [0, 0], sizes = [1, 1024], strides = [1, 1]} : vector<1x8192xf32> to vector<1x1024xf32>
    %broadcast_in_dim3A_1089 = vector.shape_cast %slice3A_1088 : vector<1x1024xf32> to vector<1x1024xf32>
    %broadcast_in_dim3A_1090 = vector.broadcast %broadcast_in_dim3A_1089 : vector<1x1024xf32> to vector<16x1024xf32>
    %get3A_1091 = arith.constant 0 : index
    %get3A_1092 = arith.constant 1024 : index
    %get3A_1093 = vector.load %arg4[%get3A_1091, %get3A_1092] : memref<1x8192xf32, #tpu.memory_space<vmem>>, vector<1x1024xf32>
    %add3A_1094 = vector.broadcast %get3A_1079 : vector<16x1xf32> to vector<16x1024xf32>
    %add3A_1095 = vector.broadcast %get3A_1093 : vector<1x1024xf32> to vector<16x1024xf32>
    %add3A_1096 = arith.addf %add3A_1094, %add3A_1095 : vector<16x1024xf32>
    %slice3A_1097 = vector.extract_strided_slice %dot_general3A_5 {offsets = [128, 1024], sizes = [16, 1024], strides = [1, 1]} : vector<256x8192xf32> to vector<16x1024xf32>
    %sub3A_1098 = arith.subf %add3A_1096, %slice3A_1097 : vector<16x1024xf32>
    %slice3A_1099 = vector.extract_strided_slice %get3A_8 {offsets = [0, 1024], sizes = [1, 1024], strides = [1, 1]} : vector<1x8192xf32> to vector<1x1024xf32>
    %lt3A_1100 = arith.cmpf olt, %sub3A_1098, %sub3A_1087 : vector<16x1024xf32>
    %broadcast_in_dim3A_1101 = vector.shape_cast %slice3A_1099 : vector<1x1024xf32> to vector<1x1024xf32>
    %broadcast_in_dim3A_1102 = vector.broadcast %broadcast_in_dim3A_1101 : vector<1x1024xf32> to vector<16x1024xf32>
    %select_n3A_1103 = arith.select %lt3A_1100, %broadcast_in_dim3A_1102, %broadcast_in_dim3A_1090 : vector<16x1024xi1>, vector<16x1024xf32>
    %min3A_1104 = arith.minimumf %sub3A_1098, %sub3A_1087 : vector<16x1024xf32>
    %get3A_1105 = arith.constant 0 : index
    %get3A_1106 = arith.constant 2048 : index
    %get3A_1107 = vector.load %arg4[%get3A_1105, %get3A_1106] : memref<1x8192xf32, #tpu.memory_space<vmem>>, vector<1x1024xf32>
    %add3A_1108 = vector.broadcast %get3A_1079 : vector<16x1xf32> to vector<16x1024xf32>
    %add3A_1109 = vector.broadcast %get3A_1107 : vector<1x1024xf32> to vector<16x1024xf32>
    %add3A_1110 = arith.addf %add3A_1108, %add3A_1109 : vector<16x1024xf32>
    %slice3A_1111 = vector.extract_strided_slice %dot_general3A_5 {offsets = [128, 2048], sizes = [16, 1024], strides = [1, 1]} : vector<256x8192xf32> to vector<16x1024xf32>
    %sub3A_1112 = arith.subf %add3A_1110, %slice3A_1111 : vector<16x1024xf32>
    %slice3A_1113 = vector.extract_strided_slice %get3A_8 {offsets = [0, 2048], sizes = [1, 1024], strides = [1, 1]} : vector<1x8192xf32> to vector<1x1024xf32>
    %lt3A_1114 = arith.cmpf olt, %sub3A_1112, %min3A_1104 : vector<16x1024xf32>
    %broadcast_in_dim3A_1115 = vector.shape_cast %slice3A_1113 : vector<1x1024xf32> to vector<1x1024xf32>
    %broadcast_in_dim3A_1116 = vector.broadcast %broadcast_in_dim3A_1115 : vector<1x1024xf32> to vector<16x1024xf32>
    %select_n3A_1117 = arith.select %lt3A_1114, %broadcast_in_dim3A_1116, %select_n3A_1103 : vector<16x1024xi1>, vector<16x1024xf32>
    %min3A_1118 = arith.minimumf %sub3A_1112, %min3A_1104 : vector<16x1024xf32>
    %get3A_1119 = arith.constant 0 : index
    %get3A_1120 = arith.constant 3072 : index
    %get3A_1121 = vector.load %arg4[%get3A_1119, %get3A_1120] : memref<1x8192xf32, #tpu.memory_space<vmem>>, vector<1x1024xf32>
    %add3A_1122 = vector.broadcast %get3A_1079 : vector<16x1xf32> to vector<16x1024xf32>
    %add3A_1123 = vector.broadcast %get3A_1121 : vector<1x1024xf32> to vector<16x1024xf32>
    %add3A_1124 = arith.addf %add3A_1122, %add3A_1123 : vector<16x1024xf32>
    %slice3A_1125 = vector.extract_strided_slice %dot_general3A_5 {offsets = [128, 3072], sizes = [16, 1024], strides = [1, 1]} : vector<256x8192xf32> to vector<16x1024xf32>
    %sub3A_1126 = arith.subf %add3A_1124, %slice3A_1125 : vector<16x1024xf32>
    %slice3A_1127 = vector.extract_strided_slice %get3A_8 {offsets = [0, 3072], sizes = [1, 1024], strides = [1, 1]} : vector<1x8192xf32> to vector<1x1024xf32>
    %lt3A_1128 = arith.cmpf olt, %sub3A_1126, %min3A_1118 : vector<16x1024xf32>
    %broadcast_in_dim3A_1129 = vector.shape_cast %slice3A_1127 : vector<1x1024xf32> to vector<1x1024xf32>
    %broadcast_in_dim3A_1130 = vector.broadcast %broadcast_in_dim3A_1129 : vector<1x1024xf32> to vector<16x1024xf32>
    %select_n3A_1131 = arith.select %lt3A_1128, %broadcast_in_dim3A_1130, %select_n3A_1117 : vector<16x1024xi1>, vector<16x1024xf32>
    %min3A_1132 = arith.minimumf %sub3A_1126, %min3A_1118 : vector<16x1024xf32>
    %get3A_1133 = arith.constant 0 : index
    %get3A_1134 = arith.constant 4096 : index
    %get3A_1135 = vector.load %arg4[%get3A_1133, %get3A_1134] : memref<1x8192xf32, #tpu.memory_space<vmem>>, vector<1x1024xf32>
    %add3A_1136 = vector.broadcast %get3A_1079 : vector<16x1xf32> to vector<16x1024xf32>
    %add3A_1137 = vector.broadcast %get3A_1135 : vector<1x1024xf32> to vector<16x1024xf32>
    %add3A_1138 = arith.addf %add3A_1136, %add3A_1137 : vector<16x1024xf32>
    %slice3A_1139 = vector.extract_strided_slice %dot_general3A_5 {offsets = [128, 4096], sizes = [16, 1024], strides = [1, 1]} : vector<256x8192xf32> to vector<16x1024xf32>
    %sub3A_1140 = arith.subf %add3A_1138, %slice3A_1139 : vector<16x1024xf32>
    %slice3A_1141 = vector.extract_strided_slice %get3A_8 {offsets = [0, 4096], sizes = [1, 1024], strides = [1, 1]} : vector<1x8192xf32> to vector<1x1024xf32>
    %lt3A_1142 = arith.cmpf olt, %sub3A_1140, %min3A_1132 : vector<16x1024xf32>
    %broadcast_in_dim3A_1143 = vector.shape_cast %slice3A_1141 : vector<1x1024xf32> to vector<1x1024xf32>
    %broadcast_in_dim3A_1144 = vector.broadcast %broadcast_in_dim3A_1143 : vector<1x1024xf32> to vector<16x1024xf32>
    %select_n3A_1145 = arith.select %lt3A_1142, %broadcast_in_dim3A_1144, %select_n3A_1131 : vector<16x1024xi1>, vector<16x1024xf32>
    %min3A_1146 = arith.minimumf %sub3A_1140, %min3A_1132 : vector<16x1024xf32>
    %get3A_1147 = arith.constant 0 : index
    %get3A_1148 = arith.constant 5120 : index
    %get3A_1149 = vector.load %arg4[%get3A_1147, %get3A_1148] : memref<1x8192xf32, #tpu.memory_space<vmem>>, vector<1x1024xf32>
    %add3A_1150 = vector.broadcast %get3A_1079 : vector<16x1xf32> to vector<16x1024xf32>
    %add3A_1151 = vector.broadcast %get3A_1149 : vector<1x1024xf32> to vector<16x1024xf32>
    %add3A_1152 = arith.addf %add3A_1150, %add3A_1151 : vector<16x1024xf32>
    %slice3A_1153 = vector.extract_strided_slice %dot_general3A_5 {offsets = [128, 5120], sizes = [16, 1024], strides = [1, 1]} : vector<256x8192xf32> to vector<16x1024xf32>
    %sub3A_1154 = arith.subf %add3A_1152, %slice3A_1153 : vector<16x1024xf32>
    %slice3A_1155 = vector.extract_strided_slice %get3A_8 {offsets = [0, 5120], sizes = [1, 1024], strides = [1, 1]} : vector<1x8192xf32> to vector<1x1024xf32>
    %lt3A_1156 = arith.cmpf olt, %sub3A_1154, %min3A_1146 : vector<16x1024xf32>
    %broadcast_in_dim3A_1157 = vector.shape_cast %slice3A_1155 : vector<1x1024xf32> to vector<1x1024xf32>
    %broadcast_in_dim3A_1158 = vector.broadcast %broadcast_in_dim3A_1157 : vector<1x1024xf32> to vector<16x1024xf32>
    %select_n3A_1159 = arith.select %lt3A_1156, %broadcast_in_dim3A_1158, %select_n3A_1145 : vector<16x1024xi1>, vector<16x1024xf32>
    %min3A_1160 = arith.minimumf %sub3A_1154, %min3A_1146 : vector<16x1024xf32>
    %get3A_1161 = arith.constant 0 : index
    %get3A_1162 = arith.constant 6144 : index
    %get3A_1163 = vector.load %arg4[%get3A_1161, %get3A_1162] : memref<1x8192xf32, #tpu.memory_space<vmem>>, vector<1x1024xf32>
    %add3A_1164 = vector.broadcast %get3A_1079 : vector<16x1xf32> to vector<16x1024xf32>
    %add3A_1165 = vector.broadcast %get3A_1163 : vector<1x1024xf32> to vector<16x1024xf32>
    %add3A_1166 = arith.addf %add3A_1164, %add3A_1165 : vector<16x1024xf32>
    %slice3A_1167 = vector.extract_strided_slice %dot_general3A_5 {offsets = [128, 6144], sizes = [16, 1024], strides = [1, 1]} : vector<256x8192xf32> to vector<16x1024xf32>
    %sub3A_1168 = arith.subf %add3A_1166, %slice3A_1167 : vector<16x1024xf32>
    %slice3A_1169 = vector.extract_strided_slice %get3A_8 {offsets = [0, 6144], sizes = [1, 1024], strides = [1, 1]} : vector<1x8192xf32> to vector<1x1024xf32>
    %lt3A_1170 = arith.cmpf olt, %sub3A_1168, %min3A_1160 : vector<16x1024xf32>
    %broadcast_in_dim3A_1171 = vector.shape_cast %slice3A_1169 : vector<1x1024xf32> to vector<1x1024xf32>
    %broadcast_in_dim3A_1172 = vector.broadcast %broadcast_in_dim3A_1171 : vector<1x1024xf32> to vector<16x1024xf32>
    %select_n3A_1173 = arith.select %lt3A_1170, %broadcast_in_dim3A_1172, %select_n3A_1159 : vector<16x1024xi1>, vector<16x1024xf32>
    %min3A_1174 = arith.minimumf %sub3A_1168, %min3A_1160 : vector<16x1024xf32>
    %get3A_1175 = arith.constant 0 : index
    %get3A_1176 = arith.constant 7168 : index
    %get3A_1177 = vector.load %arg4[%get3A_1175, %get3A_1176] : memref<1x8192xf32, #tpu.memory_space<vmem>>, vector<1x1024xf32>
    %add3A_1178 = vector.broadcast %get3A_1079 : vector<16x1xf32> to vector<16x1024xf32>
    %add3A_1179 = vector.broadcast %get3A_1177 : vector<1x1024xf32> to vector<16x1024xf32>
    %add3A_1180 = arith.addf %add3A_1178, %add3A_1179 : vector<16x1024xf32>
    %slice3A_1181 = vector.extract_strided_slice %dot_general3A_5 {offsets = [128, 7168], sizes = [16, 1024], strides = [1, 1]} : vector<256x8192xf32> to vector<16x1024xf32>
    %sub3A_1182 = arith.subf %add3A_1180, %slice3A_1181 : vector<16x1024xf32>
    %slice3A_1183 = vector.extract_strided_slice %get3A_8 {offsets = [0, 7168], sizes = [1, 1024], strides = [1, 1]} : vector<1x8192xf32> to vector<1x1024xf32>
    %lt3A_1184 = arith.cmpf olt, %sub3A_1182, %min3A_1174 : vector<16x1024xf32>
    %broadcast_in_dim3A_1185 = vector.shape_cast %slice3A_1183 : vector<1x1024xf32> to vector<1x1024xf32>
    %broadcast_in_dim3A_1186 = vector.broadcast %broadcast_in_dim3A_1185 : vector<1x1024xf32> to vector<16x1024xf32>
    %select_n3A_1187 = arith.select %lt3A_1184, %broadcast_in_dim3A_1186, %select_n3A_1173 : vector<16x1024xi1>, vector<16x1024xf32>
    %min3A_1188 = arith.minimumf %sub3A_1182, %min3A_1174 : vector<16x1024xf32>
    %reduce_min3A_1189 = arith.constant dense<0x7F800000> : vector<16xf32>
    %reduce_min3A_1190 = vector.multi_reduction <minimumf>, %min3A_1188, %reduce_min3A_1189 [1] : vector<16x1024xf32> to vector<16xf32>
    %broadcast_in_dim3A_1191 = vector.shape_cast %reduce_min3A_1190 : vector<16xf32> to vector<16x1xf32>
    %eq3A_1192 = vector.broadcast %broadcast_in_dim3A_1191 : vector<16x1xf32> to vector<16x1024xf32>
    %eq3A_1193 = arith.cmpf oeq, %min3A_1188, %eq3A_1192 : vector<16x1024xf32>
    %jit3A_1194 = arith.constant 8.192000e+03 : f32
    %broadcast_in_dim3A_1195 = vector.broadcast %jit3A_1194 : f32 to vector<16x1024xf32>
    %select_n3A_1196 = arith.select %eq3A_1193, %select_n3A_1187, %broadcast_in_dim3A_1195 : vector<16x1024xi1>, vector<16x1024xf32>
    %reduce_min3A_1197 = arith.constant dense<0x7F800000> : vector<16xf32>
    %reduce_min3A_1198 = vector.multi_reduction <minimumf>, %select_n3A_1196, %reduce_min3A_1197 [1] : vector<16x1024xf32> to vector<16xf32>
    %add3A_1199 = arith.addf %add3A_1064, %broadcast_in_dim3A_1191 : vector<16x1xf32>
    %broadcast_in_dim3A_1200 = vector.shape_cast %reduce_min3A_1198 : vector<16xf32> to vector<16x1xf32>
    %eq3A_1201 = vector.broadcast %get3A_8 : vector<1x8192xf32> to vector<16x8192xf32>
    %eq3A_1202 = vector.broadcast %broadcast_in_dim3A_1200 : vector<16x1xf32> to vector<16x8192xf32>
    %eq3A_1203 = arith.cmpf oeq, %eq3A_1201, %eq3A_1202 : vector<16x8192xf32>
    %jit3A_1204 = arith.constant 1.000000e+00 : f32
    %jit3A_1205 = arith.constant 0.000000e+00 : f32
    %broadcast_in_dim3A_1206 = vector.broadcast %jit3A_1204 : f32 to vector<16x8192xf32>
    %broadcast_in_dim3A_1207 = vector.broadcast %jit3A_1205 : f32 to vector<16x8192xf32>
    %select_n3A_1208 = arith.select %eq3A_1203, %broadcast_in_dim3A_1206, %broadcast_in_dim3A_1207 : vector<16x8192xi1>, vector<16x8192xf32>
    %swap3A_1209 = arith.constant 128 : index
    %swap3A_1210 = arith.constant 0 : index
    %swap3A_1211 = vector.load %arg8[%swap3A_1209, %swap3A_1210] : memref<256x8192xf32, #tpu.memory_space<vmem>>, vector<16x8192xf32>
    tpu.vector_store %arg8[%swap3A_1209, %swap3A_1210], %select_n3A_1208 {strides = array<i32>} : memref<256x8192xf32, #tpu.memory_space<vmem>>, vector<16x8192xf32>,
    %get3A_1212 = arith.constant 144 : index
    %get3A_1213 = arith.constant 0 : index
    %get3A_1214 = vector.load %arg2[%get3A_1212, %get3A_1213] : memref<256x1xf32, #tpu.memory_space<vmem>>, vector<16x1xf32>
    %get3A_1215 = arith.constant 0 : index
    %get3A_1216 = arith.constant 0 : index
    %get3A_1217 = vector.load %arg4[%get3A_1215, %get3A_1216] : memref<1x8192xf32, #tpu.memory_space<vmem>>, vector<1x1024xf32>
    %add3A_1218 = vector.broadcast %get3A_1214 : vector<16x1xf32> to vector<16x1024xf32>
    %add3A_1219 = vector.broadcast %get3A_1217 : vector<1x1024xf32> to vector<16x1024xf32>
    %add3A_1220 = arith.addf %add3A_1218, %add3A_1219 : vector<16x1024xf32>
    %slice3A_1221 = vector.extract_strided_slice %dot_general3A_5 {offsets = [144, 0], sizes = [16, 1024], strides = [1, 1]} : vector<256x8192xf32> to vector<16x1024xf32>
    %sub3A_1222 = arith.subf %add3A_1220, %slice3A_1221 : vector<16x1024xf32>
    %slice3A_1223 = vector.extract_strided_slice %get3A_8 {offsets = [0, 0], sizes = [1, 1024], strides = [1, 1]} : vector<1x8192xf32> to vector<1x1024xf32>
    %broadcast_in_dim3A_1224 = vector.shape_cast %slice3A_1223 : vector<1x1024xf32> to vector<1x1024xf32>
    %broadcast_in_dim3A_1225 = vector.broadcast %broadcast_in_dim3A_1224 : vector<1x1024xf32> to vector<16x1024xf32>
    %get3A_1226 = arith.constant 0 : index
    %get3A_1227 = arith.constant 1024 : index
    %get3A_1228 = vector.load %arg4[%get3A_1226, %get3A_1227] : memref<1x8192xf32, #tpu.memory_space<vmem>>, vector<1x1024xf32>
    %add3A_1229 = vector.broadcast %get3A_1214 : vector<16x1xf32> to vector<16x1024xf32>
    %add3A_1230 = vector.broadcast %get3A_1228 : vector<1x1024xf32> to vector<16x1024xf32>
    %add3A_1231 = arith.addf %add3A_1229, %add3A_1230 : vector<16x1024xf32>
    %slice3A_1232 = vector.extract_strided_slice %dot_general3A_5 {offsets = [144, 1024], sizes = [16, 1024], strides = [1, 1]} : vector<256x8192xf32> to vector<16x1024xf32>
    %sub3A_1233 = arith.subf %add3A_1231, %slice3A_1232 : vector<16x1024xf32>
    %slice3A_1234 = vector.extract_strided_slice %get3A_8 {offsets = [0, 1024], sizes = [1, 1024], strides = [1, 1]} : vector<1x8192xf32> to vector<1x1024xf32>
    %lt3A_1235 = arith.cmpf olt, %sub3A_1233, %sub3A_1222 : vector<16x1024xf32>
    %broadcast_in_dim3A_1236 = vector.shape_cast %slice3A_1234 : vector<1x1024xf32> to vector<1x1024xf32>
    %broadcast_in_dim3A_1237 = vector.broadcast %broadcast_in_dim3A_1236 : vector<1x1024xf32> to vector<16x1024xf32>
    %select_n3A_1238 = arith.select %lt3A_1235, %broadcast_in_dim3A_1237, %broadcast_in_dim3A_1225 : vector<16x1024xi1>, vector<16x1024xf32>
    %min3A_1239 = arith.minimumf %sub3A_1233, %sub3A_1222 : vector<16x1024xf32>
    %get3A_1240 = arith.constant 0 : index
    %get3A_1241 = arith.constant 2048 : index
    %get3A_1242 = vector.load %arg4[%get3A_1240, %get3A_1241] : memref<1x8192xf32, #tpu.memory_space<vmem>>, vector<1x1024xf32>
    %add3A_1243 = vector.broadcast %get3A_1214 : vector<16x1xf32> to vector<16x1024xf32>
    %add3A_1244 = vector.broadcast %get3A_1242 : vector<1x1024xf32> to vector<16x1024xf32>
    %add3A_1245 = arith.addf %add3A_1243, %add3A_1244 : vector<16x1024xf32>
    %slice3A_1246 = vector.extract_strided_slice %dot_general3A_5 {offsets = [144, 2048], sizes = [16, 1024], strides = [1, 1]} : vector<256x8192xf32> to vector<16x1024xf32>
    %sub3A_1247 = arith.subf %add3A_1245, %slice3A_1246 : vector<16x1024xf32>
    %slice3A_1248 = vector.extract_strided_slice %get3A_8 {offsets = [0, 2048], sizes = [1, 1024], strides = [1, 1]} : vector<1x8192xf32> to vector<1x1024xf32>
    %lt3A_1249 = arith.cmpf olt, %sub3A_1247, %min3A_1239 : vector<16x1024xf32>
    %broadcast_in_dim3A_1250 = vector.shape_cast %slice3A_1248 : vector<1x1024xf32> to vector<1x1024xf32>
    %broadcast_in_dim3A_1251 = vector.broadcast %broadcast_in_dim3A_1250 : vector<1x1024xf32> to vector<16x1024xf32>
    %select_n3A_1252 = arith.select %lt3A_1249, %broadcast_in_dim3A_1251, %select_n3A_1238 : vector<16x1024xi1>, vector<16x1024xf32>
    %min3A_1253 = arith.minimumf %sub3A_1247, %min3A_1239 : vector<16x1024xf32>
    %get3A_1254 = arith.constant 0 : index
    %get3A_1255 = arith.constant 3072 : index
    %get3A_1256 = vector.load %arg4[%get3A_1254, %get3A_1255] : memref<1x8192xf32, #tpu.memory_space<vmem>>, vector<1x1024xf32>
    %add3A_1257 = vector.broadcast %get3A_1214 : vector<16x1xf32> to vector<16x1024xf32>
    %add3A_1258 = vector.broadcast %get3A_1256 : vector<1x1024xf32> to vector<16x1024xf32>
    %add3A_1259 = arith.addf %add3A_1257, %add3A_1258 : vector<16x1024xf32>
    %slice3A_1260 = vector.extract_strided_slice %dot_general3A_5 {offsets = [144, 3072], sizes = [16, 1024], strides = [1, 1]} : vector<256x8192xf32> to vector<16x1024xf32>
    %sub3A_1261 = arith.subf %add3A_1259, %slice3A_1260 : vector<16x1024xf32>
    %slice3A_1262 = vector.extract_strided_slice %get3A_8 {offsets = [0, 3072], sizes = [1, 1024], strides = [1, 1]} : vector<1x8192xf32> to vector<1x1024xf32>
    %lt3A_1263 = arith.cmpf olt, %sub3A_1261, %min3A_1253 : vector<16x1024xf32>
    %broadcast_in_dim3A_1264 = vector.shape_cast %slice3A_1262 : vector<1x1024xf32> to vector<1x1024xf32>
    %broadcast_in_dim3A_1265 = vector.broadcast %broadcast_in_dim3A_1264 : vector<1x1024xf32> to vector<16x1024xf32>
    %select_n3A_1266 = arith.select %lt3A_1263, %broadcast_in_dim3A_1265, %select_n3A_1252 : vector<16x1024xi1>, vector<16x1024xf32>
    %min3A_1267 = arith.minimumf %sub3A_1261, %min3A_1253 : vector<16x1024xf32>
    %get3A_1268 = arith.constant 0 : index
    %get3A_1269 = arith.constant 4096 : index
    %get3A_1270 = vector.load %arg4[%get3A_1268, %get3A_1269] : memref<1x8192xf32, #tpu.memory_space<vmem>>, vector<1x1024xf32>
    %add3A_1271 = vector.broadcast %get3A_1214 : vector<16x1xf32> to vector<16x1024xf32>
    %add3A_1272 = vector.broadcast %get3A_1270 : vector<1x1024xf32> to vector<16x1024xf32>
    %add3A_1273 = arith.addf %add3A_1271, %add3A_1272 : vector<16x1024xf32>
    %slice3A_1274 = vector.extract_strided_slice %dot_general3A_5 {offsets = [144, 4096], sizes = [16, 1024], strides = [1, 1]} : vector<256x8192xf32> to vector<16x1024xf32>
    %sub3A_1275 = arith.subf %add3A_1273, %slice3A_1274 : vector<16x1024xf32>
    %slice3A_1276 = vector.extract_strided_slice %get3A_8 {offsets = [0, 4096], sizes = [1, 1024], strides = [1, 1]} : vector<1x8192xf32> to vector<1x1024xf32>
    %lt3A_1277 = arith.cmpf olt, %sub3A_1275, %min3A_1267 : vector<16x1024xf32>
    %broadcast_in_dim3A_1278 = vector.shape_cast %slice3A_1276 : vector<1x1024xf32> to vector<1x1024xf32>
    %broadcast_in_dim3A_1279 = vector.broadcast %broadcast_in_dim3A_1278 : vector<1x1024xf32> to vector<16x1024xf32>
    %select_n3A_1280 = arith.select %lt3A_1277, %broadcast_in_dim3A_1279, %select_n3A_1266 : vector<16x1024xi1>, vector<16x1024xf32>
    %min3A_1281 = arith.minimumf %sub3A_1275, %min3A_1267 : vector<16x1024xf32>
    %get3A_1282 = arith.constant 0 : index
    %get3A_1283 = arith.constant 5120 : index
    %get3A_1284 = vector.load %arg4[%get3A_1282, %get3A_1283] : memref<1x8192xf32, #tpu.memory_space<vmem>>, vector<1x1024xf32>
    %add3A_1285 = vector.broadcast %get3A_1214 : vector<16x1xf32> to vector<16x1024xf32>
    %add3A_1286 = vector.broadcast %get3A_1284 : vector<1x1024xf32> to vector<16x1024xf32>
    %add3A_1287 = arith.addf %add3A_1285, %add3A_1286 : vector<16x1024xf32>
    %slice3A_1288 = vector.extract_strided_slice %dot_general3A_5 {offsets = [144, 5120], sizes = [16, 1024], strides = [1, 1]} : vector<256x8192xf32> to vector<16x1024xf32>
    %sub3A_1289 = arith.subf %add3A_1287, %slice3A_1288 : vector<16x1024xf32>
    %slice3A_1290 = vector.extract_strided_slice %get3A_8 {offsets = [0, 5120], sizes = [1, 1024], strides = [1, 1]} : vector<1x8192xf32> to vector<1x1024xf32>
    %lt3A_1291 = arith.cmpf olt, %sub3A_1289, %min3A_1281 : vector<16x1024xf32>
    %broadcast_in_dim3A_1292 = vector.shape_cast %slice3A_1290 : vector<1x1024xf32> to vector<1x1024xf32>
    %broadcast_in_dim3A_1293 = vector.broadcast %broadcast_in_dim3A_1292 : vector<1x1024xf32> to vector<16x1024xf32>
    %select_n3A_1294 = arith.select %lt3A_1291, %broadcast_in_dim3A_1293, %select_n3A_1280 : vector<16x1024xi1>, vector<16x1024xf32>
    %min3A_1295 = arith.minimumf %sub3A_1289, %min3A_1281 : vector<16x1024xf32>
    %get3A_1296 = arith.constant 0 : index
    %get3A_1297 = arith.constant 6144 : index
    %get3A_1298 = vector.load %arg4[%get3A_1296, %get3A_1297] : memref<1x8192xf32, #tpu.memory_space<vmem>>, vector<1x1024xf32>
    %add3A_1299 = vector.broadcast %get3A_1214 : vector<16x1xf32> to vector<16x1024xf32>
    %add3A_1300 = vector.broadcast %get3A_1298 : vector<1x1024xf32> to vector<16x1024xf32>
    %add3A_1301 = arith.addf %add3A_1299, %add3A_1300 : vector<16x1024xf32>
    %slice3A_1302 = vector.extract_strided_slice %dot_general3A_5 {offsets = [144, 6144], sizes = [16, 1024], strides = [1, 1]} : vector<256x8192xf32> to vector<16x1024xf32>
    %sub3A_1303 = arith.subf %add3A_1301, %slice3A_1302 : vector<16x1024xf32>
    %slice3A_1304 = vector.extract_strided_slice %get3A_8 {offsets = [0, 6144], sizes = [1, 1024], strides = [1, 1]} : vector<1x8192xf32> to vector<1x1024xf32>
    %lt3A_1305 = arith.cmpf olt, %sub3A_1303, %min3A_1295 : vector<16x1024xf32>
    %broadcast_in_dim3A_1306 = vector.shape_cast %slice3A_1304 : vector<1x1024xf32> to vector<1x1024xf32>
    %broadcast_in_dim3A_1307 = vector.broadcast %broadcast_in_dim3A_1306 : vector<1x1024xf32> to vector<16x1024xf32>
    %select_n3A_1308 = arith.select %lt3A_1305, %broadcast_in_dim3A_1307, %select_n3A_1294 : vector<16x1024xi1>, vector<16x1024xf32>
    %min3A_1309 = arith.minimumf %sub3A_1303, %min3A_1295 : vector<16x1024xf32>
    %get3A_1310 = arith.constant 0 : index
    %get3A_1311 = arith.constant 7168 : index
    %get3A_1312 = vector.load %arg4[%get3A_1310, %get3A_1311] : memref<1x8192xf32, #tpu.memory_space<vmem>>, vector<1x1024xf32>
    %add3A_1313 = vector.broadcast %get3A_1214 : vector<16x1xf32> to vector<16x1024xf32>
    %add3A_1314 = vector.broadcast %get3A_1312 : vector<1x1024xf32> to vector<16x1024xf32>
    %add3A_1315 = arith.addf %add3A_1313, %add3A_1314 : vector<16x1024xf32>
    %slice3A_1316 = vector.extract_strided_slice %dot_general3A_5 {offsets = [144, 7168], sizes = [16, 1024], strides = [1, 1]} : vector<256x8192xf32> to vector<16x1024xf32>
    %sub3A_1317 = arith.subf %add3A_1315, %slice3A_1316 : vector<16x1024xf32>
    %slice3A_1318 = vector.extract_strided_slice %get3A_8 {offsets = [0, 7168], sizes = [1, 1024], strides = [1, 1]} : vector<1x8192xf32> to vector<1x1024xf32>
    %lt3A_1319 = arith.cmpf olt, %sub3A_1317, %min3A_1309 : vector<16x1024xf32>
    %broadcast_in_dim3A_1320 = vector.shape_cast %slice3A_1318 : vector<1x1024xf32> to vector<1x1024xf32>
    %broadcast_in_dim3A_1321 = vector.broadcast %broadcast_in_dim3A_1320 : vector<1x1024xf32> to vector<16x1024xf32>
    %select_n3A_1322 = arith.select %lt3A_1319, %broadcast_in_dim3A_1321, %select_n3A_1308 : vector<16x1024xi1>, vector<16x1024xf32>
    %min3A_1323 = arith.minimumf %sub3A_1317, %min3A_1309 : vector<16x1024xf32>
    %reduce_min3A_1324 = arith.constant dense<0x7F800000> : vector<16xf32>
    %reduce_min3A_1325 = vector.multi_reduction <minimumf>, %min3A_1323, %reduce_min3A_1324 [1] : vector<16x1024xf32> to vector<16xf32>
    %broadcast_in_dim3A_1326 = vector.shape_cast %reduce_min3A_1325 : vector<16xf32> to vector<16x1xf32>
    %eq3A_1327 = vector.broadcast %broadcast_in_dim3A_1326 : vector<16x1xf32> to vector<16x1024xf32>
    %eq3A_1328 = arith.cmpf oeq, %min3A_1323, %eq3A_1327 : vector<16x1024xf32>
    %jit3A_1329 = arith.constant 8.192000e+03 : f32
    %broadcast_in_dim3A_1330 = vector.broadcast %jit3A_1329 : f32 to vector<16x1024xf32>
    %select_n3A_1331 = arith.select %eq3A_1328, %select_n3A_1322, %broadcast_in_dim3A_1330 : vector<16x1024xi1>, vector<16x1024xf32>
    %reduce_min3A_1332 = arith.constant dense<0x7F800000> : vector<16xf32>
    %reduce_min3A_1333 = vector.multi_reduction <minimumf>, %select_n3A_1331, %reduce_min3A_1332 [1] : vector<16x1024xf32> to vector<16xf32>
    %add3A_1334 = arith.addf %add3A_1199, %broadcast_in_dim3A_1326 : vector<16x1xf32>
    %broadcast_in_dim3A_1335 = vector.shape_cast %reduce_min3A_1333 : vector<16xf32> to vector<16x1xf32>
    %eq3A_1336 = vector.broadcast %get3A_8 : vector<1x8192xf32> to vector<16x8192xf32>
    %eq3A_1337 = vector.broadcast %broadcast_in_dim3A_1335 : vector<16x1xf32> to vector<16x8192xf32>
    %eq3A_1338 = arith.cmpf oeq, %eq3A_1336, %eq3A_1337 : vector<16x8192xf32>
    %jit3A_1339 = arith.constant 1.000000e+00 : f32
    %jit3A_1340 = arith.constant 0.000000e+00 : f32
    %broadcast_in_dim3A_1341 = vector.broadcast %jit3A_1339 : f32 to vector<16x8192xf32>
    %broadcast_in_dim3A_1342 = vector.broadcast %jit3A_1340 : f32 to vector<16x8192xf32>
    %select_n3A_1343 = arith.select %eq3A_1338, %broadcast_in_dim3A_1341, %broadcast_in_dim3A_1342 : vector<16x8192xi1>, vector<16x8192xf32>
    %swap3A_1344 = arith.constant 144 : index
    %swap3A_1345 = arith.constant 0 : index
    %swap3A_1346 = vector.load %arg8[%swap3A_1344, %swap3A_1345] : memref<256x8192xf32, #tpu.memory_space<vmem>>, vector<16x8192xf32>
    tpu.vector_store %arg8[%swap3A_1344, %swap3A_1345], %select_n3A_1343 {strides = array<i32>} : memref<256x8192xf32, #tpu.memory_space<vmem>>, vector<16x8192xf32>,
    %get3A_1347 = arith.constant 160 : index
    %get3A_1348 = arith.constant 0 : index
    %get3A_1349 = vector.load %arg2[%get3A_1347, %get3A_1348] : memref<256x1xf32, #tpu.memory_space<vmem>>, vector<16x1xf32>
    %get3A_1350 = arith.constant 0 : index
    %get3A_1351 = arith.constant 0 : index
    %get3A_1352 = vector.load %arg4[%get3A_1350, %get3A_1351] : memref<1x8192xf32, #tpu.memory_space<vmem>>, vector<1x1024xf32>
    %add3A_1353 = vector.broadcast %get3A_1349 : vector<16x1xf32> to vector<16x1024xf32>
    %add3A_1354 = vector.broadcast %get3A_1352 : vector<1x1024xf32> to vector<16x1024xf32>
    %add3A_1355 = arith.addf %add3A_1353, %add3A_1354 : vector<16x1024xf32>
    %slice3A_1356 = vector.extract_strided_slice %dot_general3A_5 {offsets = [160, 0], sizes = [16, 1024], strides = [1, 1]} : vector<256x8192xf32> to vector<16x1024xf32>
    %sub3A_1357 = arith.subf %add3A_1355, %slice3A_1356 : vector<16x1024xf32>
    %slice3A_1358 = vector.extract_strided_slice %get3A_8 {offsets = [0, 0], sizes = [1, 1024], strides = [1, 1]} : vector<1x8192xf32> to vector<1x1024xf32>
    %broadcast_in_dim3A_1359 = vector.shape_cast %slice3A_1358 : vector<1x1024xf32> to vector<1x1024xf32>
    %broadcast_in_dim3A_1360 = vector.broadcast %broadcast_in_dim3A_1359 : vector<1x1024xf32> to vector<16x1024xf32>
    %get3A_1361 = arith.constant 0 : index
    %get3A_1362 = arith.constant 1024 : index
    %get3A_1363 = vector.load %arg4[%get3A_1361, %get3A_1362] : memref<1x8192xf32, #tpu.memory_space<vmem>>, vector<1x1024xf32>
    %add3A_1364 = vector.broadcast %get3A_1349 : vector<16x1xf32> to vector<16x1024xf32>
    %add3A_1365 = vector.broadcast %get3A_1363 : vector<1x1024xf32> to vector<16x1024xf32>
    %add3A_1366 = arith.addf %add3A_1364, %add3A_1365 : vector<16x1024xf32>
    %slice3A_1367 = vector.extract_strided_slice %dot_general3A_5 {offsets = [160, 1024], sizes = [16, 1024], strides = [1, 1]} : vector<256x8192xf32> to vector<16x1024xf32>
    %sub3A_1368 = arith.subf %add3A_1366, %slice3A_1367 : vector<16x1024xf32>
    %slice3A_1369 = vector.extract_strided_slice %get3A_8 {offsets = [0, 1024], sizes = [1, 1024], strides = [1, 1]} : vector<1x8192xf32> to vector<1x1024xf32>
    %lt3A_1370 = arith.cmpf olt, %sub3A_1368, %sub3A_1357 : vector<16x1024xf32>
    %broadcast_in_dim3A_1371 = vector.shape_cast %slice3A_1369 : vector<1x1024xf32> to vector<1x1024xf32>
    %broadcast_in_dim3A_1372 = vector.broadcast %broadcast_in_dim3A_1371 : vector<1x1024xf32> to vector<16x1024xf32>
    %select_n3A_1373 = arith.select %lt3A_1370, %broadcast_in_dim3A_1372, %broadcast_in_dim3A_1360 : vector<16x1024xi1>, vector<16x1024xf32>
    %min3A_1374 = arith.minimumf %sub3A_1368, %sub3A_1357 : vector<16x1024xf32>
    %get3A_1375 = arith.constant 0 : index
    %get3A_1376 = arith.constant 2048 : index
    %get3A_1377 = vector.load %arg4[%get3A_1375, %get3A_1376] : memref<1x8192xf32, #tpu.memory_space<vmem>>, vector<1x1024xf32>
    %add3A_1378 = vector.broadcast %get3A_1349 : vector<16x1xf32> to vector<16x1024xf32>
    %add3A_1379 = vector.broadcast %get3A_1377 : vector<1x1024xf32> to vector<16x1024xf32>
    %add3A_1380 = arith.addf %add3A_1378, %add3A_1379 : vector<16x1024xf32>
    %slice3A_1381 = vector.extract_strided_slice %dot_general3A_5 {offsets = [160, 2048], sizes = [16, 1024], strides = [1, 1]} : vector<256x8192xf32> to vector<16x1024xf32>
    %sub3A_1382 = arith.subf %add3A_1380, %slice3A_1381 : vector<16x1024xf32>
    %slice3A_1383 = vector.extract_strided_slice %get3A_8 {offsets = [0, 2048], sizes = [1, 1024], strides = [1, 1]} : vector<1x8192xf32> to vector<1x1024xf32>
    %lt3A_1384 = arith.cmpf olt, %sub3A_1382, %min3A_1374 : vector<16x1024xf32>
    %broadcast_in_dim3A_1385 = vector.shape_cast %slice3A_1383 : vector<1x1024xf32> to vector<1x1024xf32>
    %broadcast_in_dim3A_1386 = vector.broadcast %broadcast_in_dim3A_1385 : vector<1x1024xf32> to vector<16x1024xf32>
    %select_n3A_1387 = arith.select %lt3A_1384, %broadcast_in_dim3A_1386, %select_n3A_1373 : vector<16x1024xi1>, vector<16x1024xf32>
    %min3A_1388 = arith.minimumf %sub3A_1382, %min3A_1374 : vector<16x1024xf32>
    %get3A_1389 = arith.constant 0 : index
    %get3A_1390 = arith.constant 3072 : index
    %get3A_1391 = vector.load %arg4[%get3A_1389, %get3A_1390] : memref<1x8192xf32, #tpu.memory_space<vmem>>, vector<1x1024xf32>
    %add3A_1392 = vector.broadcast %get3A_1349 : vector<16x1xf32> to vector<16x1024xf32>
    %add3A_1393 = vector.broadcast %get3A_1391 : vector<1x1024xf32> to vector<16x1024xf32>
    %add3A_1394 = arith.addf %add3A_1392, %add3A_1393 : vector<16x1024xf32>
    %slice3A_1395 = vector.extract_strided_slice %dot_general3A_5 {offsets = [160, 3072], sizes = [16, 1024], strides = [1, 1]} : vector<256x8192xf32> to vector<16x1024xf32>
    %sub3A_1396 = arith.subf %add3A_1394, %slice3A_1395 : vector<16x1024xf32>
    %slice3A_1397 = vector.extract_strided_slice %get3A_8 {offsets = [0, 3072], sizes = [1, 1024], strides = [1, 1]} : vector<1x8192xf32> to vector<1x1024xf32>
    %lt3A_1398 = arith.cmpf olt, %sub3A_1396, %min3A_1388 : vector<16x1024xf32>
    %broadcast_in_dim3A_1399 = vector.shape_cast %slice3A_1397 : vector<1x1024xf32> to vector<1x1024xf32>
    %broadcast_in_dim3A_1400 = vector.broadcast %broadcast_in_dim3A_1399 : vector<1x1024xf32> to vector<16x1024xf32>
    %select_n3A_1401 = arith.select %lt3A_1398, %broadcast_in_dim3A_1400, %select_n3A_1387 : vector<16x1024xi1>, vector<16x1024xf32>
    %min3A_1402 = arith.minimumf %sub3A_1396, %min3A_1388 : vector<16x1024xf32>
    %get3A_1403 = arith.constant 0 : index
    %get3A_1404 = arith.constant 4096 : index
    %get3A_1405 = vector.load %arg4[%get3A_1403, %get3A_1404] : memref<1x8192xf32, #tpu.memory_space<vmem>>, vector<1x1024xf32>
    %add3A_1406 = vector.broadcast %get3A_1349 : vector<16x1xf32> to vector<16x1024xf32>
    %add3A_1407 = vector.broadcast %get3A_1405 : vector<1x1024xf32> to vector<16x1024xf32>
    %add3A_1408 = arith.addf %add3A_1406, %add3A_1407 : vector<16x1024xf32>
    %slice3A_1409 = vector.extract_strided_slice %dot_general3A_5 {offsets = [160, 4096], sizes = [16, 1024], strides = [1, 1]} : vector<256x8192xf32> to vector<16x1024xf32>
    %sub3A_1410 = arith.subf %add3A_1408, %slice3A_1409 : vector<16x1024xf32>
    %slice3A_1411 = vector.extract_strided_slice %get3A_8 {offsets = [0, 4096], sizes = [1, 1024], strides = [1, 1]} : vector<1x8192xf32> to vector<1x1024xf32>
    %lt3A_1412 = arith.cmpf olt, %sub3A_1410, %min3A_1402 : vector<16x1024xf32>
    %broadcast_in_dim3A_1413 = vector.shape_cast %slice3A_1411 : vector<1x1024xf32> to vector<1x1024xf32>
    %broadcast_in_dim3A_1414 = vector.broadcast %broadcast_in_dim3A_1413 : vector<1x1024xf32> to vector<16x1024xf32>
    %select_n3A_1415 = arith.select %lt3A_1412, %broadcast_in_dim3A_1414, %select_n3A_1401 : vector<16x1024xi1>, vector<16x1024xf32>
    %min3A_1416 = arith.minimumf %sub3A_1410, %min3A_1402 : vector<16x1024xf32>
    %get3A_1417 = arith.constant 0 : index
    %get3A_1418 = arith.constant 5120 : index
    %get3A_1419 = vector.load %arg4[%get3A_1417, %get3A_1418] : memref<1x8192xf32, #tpu.memory_space<vmem>>, vector<1x1024xf32>
    %add3A_1420 = vector.broadcast %get3A_1349 : vector<16x1xf32> to vector<16x1024xf32>
    %add3A_1421 = vector.broadcast %get3A_1419 : vector<1x1024xf32> to vector<16x1024xf32>
    %add3A_1422 = arith.addf %add3A_1420, %add3A_1421 : vector<16x1024xf32>
    %slice3A_1423 = vector.extract_strided_slice %dot_general3A_5 {offsets = [160, 5120], sizes = [16, 1024], strides = [1, 1]} : vector<256x8192xf32> to vector<16x1024xf32>
    %sub3A_1424 = arith.subf %add3A_1422, %slice3A_1423 : vector<16x1024xf32>
    %slice3A_1425 = vector.extract_strided_slice %get3A_8 {offsets = [0, 5120], sizes = [1, 1024], strides = [1, 1]} : vector<1x8192xf32> to vector<1x1024xf32>
    %lt3A_1426 = arith.cmpf olt, %sub3A_1424, %min3A_1416 : vector<16x1024xf32>
    %broadcast_in_dim3A_1427 = vector.shape_cast %slice3A_1425 : vector<1x1024xf32> to vector<1x1024xf32>
    %broadcast_in_dim3A_1428 = vector.broadcast %broadcast_in_dim3A_1427 : vector<1x1024xf32> to vector<16x1024xf32>
    %select_n3A_1429 = arith.select %lt3A_1426, %broadcast_in_dim3A_1428, %select_n3A_1415 : vector<16x1024xi1>, vector<16x1024xf32>
    %min3A_1430 = arith.minimumf %sub3A_1424, %min3A_1416 : vector<16x1024xf32>
    %get3A_1431 = arith.constant 0 : index
    %get3A_1432 = arith.constant 6144 : index
    %get3A_1433 = vector.load %arg4[%get3A_1431, %get3A_1432] : memref<1x8192xf32, #tpu.memory_space<vmem>>, vector<1x1024xf32>
    %add3A_1434 = vector.broadcast %get3A_1349 : vector<16x1xf32> to vector<16x1024xf32>
    %add3A_1435 = vector.broadcast %get3A_1433 : vector<1x1024xf32> to vector<16x1024xf32>
    %add3A_1436 = arith.addf %add3A_1434, %add3A_1435 : vector<16x1024xf32>
    %slice3A_1437 = vector.extract_strided_slice %dot_general3A_5 {offsets = [160, 6144], sizes = [16, 1024], strides = [1, 1]} : vector<256x8192xf32> to vector<16x1024xf32>
    %sub3A_1438 = arith.subf %add3A_1436, %slice3A_1437 : vector<16x1024xf32>
    %slice3A_1439 = vector.extract_strided_slice %get3A_8 {offsets = [0, 6144], sizes = [1, 1024], strides = [1, 1]} : vector<1x8192xf32> to vector<1x1024xf32>
    %lt3A_1440 = arith.cmpf olt, %sub3A_1438, %min3A_1430 : vector<16x1024xf32>
    %broadcast_in_dim3A_1441 = vector.shape_cast %slice3A_1439 : vector<1x1024xf32> to vector<1x1024xf32>
    %broadcast_in_dim3A_1442 = vector.broadcast %broadcast_in_dim3A_1441 : vector<1x1024xf32> to vector<16x1024xf32>
    %select_n3A_1443 = arith.select %lt3A_1440, %broadcast_in_dim3A_1442, %select_n3A_1429 : vector<16x1024xi1>, vector<16x1024xf32>
    %min3A_1444 = arith.minimumf %sub3A_1438, %min3A_1430 : vector<16x1024xf32>
    %get3A_1445 = arith.constant 0 : index
    %get3A_1446 = arith.constant 7168 : index
    %get3A_1447 = vector.load %arg4[%get3A_1445, %get3A_1446] : memref<1x8192xf32, #tpu.memory_space<vmem>>, vector<1x1024xf32>
    %add3A_1448 = vector.broadcast %get3A_1349 : vector<16x1xf32> to vector<16x1024xf32>
    %add3A_1449 = vector.broadcast %get3A_1447 : vector<1x1024xf32> to vector<16x1024xf32>
    %add3A_1450 = arith.addf %add3A_1448, %add3A_1449 : vector<16x1024xf32>
    %slice3A_1451 = vector.extract_strided_slice %dot_general3A_5 {offsets = [160, 7168], sizes = [16, 1024], strides = [1, 1]} : vector<256x8192xf32> to vector<16x1024xf32>
    %sub3A_1452 = arith.subf %add3A_1450, %slice3A_1451 : vector<16x1024xf32>
    %slice3A_1453 = vector.extract_strided_slice %get3A_8 {offsets = [0, 7168], sizes = [1, 1024], strides = [1, 1]} : vector<1x8192xf32> to vector<1x1024xf32>
    %lt3A_1454 = arith.cmpf olt, %sub3A_1452, %min3A_1444 : vector<16x1024xf32>
    %broadcast_in_dim3A_1455 = vector.shape_cast %slice3A_1453 : vector<1x1024xf32> to vector<1x1024xf32>
    %broadcast_in_dim3A_1456 = vector.broadcast %broadcast_in_dim3A_1455 : vector<1x1024xf32> to vector<16x1024xf32>
    %select_n3A_1457 = arith.select %lt3A_1454, %broadcast_in_dim3A_1456, %select_n3A_1443 : vector<16x1024xi1>, vector<16x1024xf32>
    %min3A_1458 = arith.minimumf %sub3A_1452, %min3A_1444 : vector<16x1024xf32>
    %reduce_min3A_1459 = arith.constant dense<0x7F800000> : vector<16xf32>
    %reduce_min3A_1460 = vector.multi_reduction <minimumf>, %min3A_1458, %reduce_min3A_1459 [1] : vector<16x1024xf32> to vector<16xf32>
    %broadcast_in_dim3A_1461 = vector.shape_cast %reduce_min3A_1460 : vector<16xf32> to vector<16x1xf32>
    %eq3A_1462 = vector.broadcast %broadcast_in_dim3A_1461 : vector<16x1xf32> to vector<16x1024xf32>
    %eq3A_1463 = arith.cmpf oeq, %min3A_1458, %eq3A_1462 : vector<16x1024xf32>
    %jit3A_1464 = arith.constant 8.192000e+03 : f32
    %broadcast_in_dim3A_1465 = vector.broadcast %jit3A_1464 : f32 to vector<16x1024xf32>
    %select_n3A_1466 = arith.select %eq3A_1463, %select_n3A_1457, %broadcast_in_dim3A_1465 : vector<16x1024xi1>, vector<16x1024xf32>
    %reduce_min3A_1467 = arith.constant dense<0x7F800000> : vector<16xf32>
    %reduce_min3A_1468 = vector.multi_reduction <minimumf>, %select_n3A_1466, %reduce_min3A_1467 [1] : vector<16x1024xf32> to vector<16xf32>
    %add3A_1469 = arith.addf %add3A_1334, %broadcast_in_dim3A_1461 : vector<16x1xf32>
    %broadcast_in_dim3A_1470 = vector.shape_cast %reduce_min3A_1468 : vector<16xf32> to vector<16x1xf32>
    %eq3A_1471 = vector.broadcast %get3A_8 : vector<1x8192xf32> to vector<16x8192xf32>
    %eq3A_1472 = vector.broadcast %broadcast_in_dim3A_1470 : vector<16x1xf32> to vector<16x8192xf32>
    %eq3A_1473 = arith.cmpf oeq, %eq3A_1471, %eq3A_1472 : vector<16x8192xf32>
    %jit3A_1474 = arith.constant 1.000000e+00 : f32
    %jit3A_1475 = arith.constant 0.000000e+00 : f32
    %broadcast_in_dim3A_1476 = vector.broadcast %jit3A_1474 : f32 to vector<16x8192xf32>
    %broadcast_in_dim3A_1477 = vector.broadcast %jit3A_1475 : f32 to vector<16x8192xf32>
    %select_n3A_1478 = arith.select %eq3A_1473, %broadcast_in_dim3A_1476, %broadcast_in_dim3A_1477 : vector<16x8192xi1>, vector<16x8192xf32>
    %swap3A_1479 = arith.constant 160 : index
    %swap3A_1480 = arith.constant 0 : index
    %swap3A_1481 = vector.load %arg8[%swap3A_1479, %swap3A_1480] : memref<256x8192xf32, #tpu.memory_space<vmem>>, vector<16x8192xf32>
    tpu.vector_store %arg8[%swap3A_1479, %swap3A_1480], %select_n3A_1478 {strides = array<i32>} : memref<256x8192xf32, #tpu.memory_space<vmem>>, vector<16x8192xf32>,
    %get3A_1482 = arith.constant 176 : index
    %get3A_1483 = arith.constant 0 : index
    %get3A_1484 = vector.load %arg2[%get3A_1482, %get3A_1483] : memref<256x1xf32, #tpu.memory_space<vmem>>, vector<16x1xf32>
    %get3A_1485 = arith.constant 0 : index
    %get3A_1486 = arith.constant 0 : index
    %get3A_1487 = vector.load %arg4[%get3A_1485, %get3A_1486] : memref<1x8192xf32, #tpu.memory_space<vmem>>, vector<1x1024xf32>
    %add3A_1488 = vector.broadcast %get3A_1484 : vector<16x1xf32> to vector<16x1024xf32>
    %add3A_1489 = vector.broadcast %get3A_1487 : vector<1x1024xf32> to vector<16x1024xf32>
    %add3A_1490 = arith.addf %add3A_1488, %add3A_1489 : vector<16x1024xf32>
    %slice3A_1491 = vector.extract_strided_slice %dot_general3A_5 {offsets = [176, 0], sizes = [16, 1024], strides = [1, 1]} : vector<256x8192xf32> to vector<16x1024xf32>
    %sub3A_1492 = arith.subf %add3A_1490, %slice3A_1491 : vector<16x1024xf32>
    %slice3A_1493 = vector.extract_strided_slice %get3A_8 {offsets = [0, 0], sizes = [1, 1024], strides = [1, 1]} : vector<1x8192xf32> to vector<1x1024xf32>
    %broadcast_in_dim3A_1494 = vector.shape_cast %slice3A_1493 : vector<1x1024xf32> to vector<1x1024xf32>
    %broadcast_in_dim3A_1495 = vector.broadcast %broadcast_in_dim3A_1494 : vector<1x1024xf32> to vector<16x1024xf32>
    %get3A_1496 = arith.constant 0 : index
    %get3A_1497 = arith.constant 1024 : index
    %get3A_1498 = vector.load %arg4[%get3A_1496, %get3A_1497] : memref<1x8192xf32, #tpu.memory_space<vmem>>, vector<1x1024xf32>
    %add3A_1499 = vector.broadcast %get3A_1484 : vector<16x1xf32> to vector<16x1024xf32>
    %add3A_1500 = vector.broadcast %get3A_1498 : vector<1x1024xf32> to vector<16x1024xf32>
    %add3A_1501 = arith.addf %add3A_1499, %add3A_1500 : vector<16x1024xf32>
    %slice3A_1502 = vector.extract_strided_slice %dot_general3A_5 {offsets = [176, 1024], sizes = [16, 1024], strides = [1, 1]} : vector<256x8192xf32> to vector<16x1024xf32>
    %sub3A_1503 = arith.subf %add3A_1501, %slice3A_1502 : vector<16x1024xf32>
    %slice3A_1504 = vector.extract_strided_slice %get3A_8 {offsets = [0, 1024], sizes = [1, 1024], strides = [1, 1]} : vector<1x8192xf32> to vector<1x1024xf32>
    %lt3A_1505 = arith.cmpf olt, %sub3A_1503, %sub3A_1492 : vector<16x1024xf32>
    %broadcast_in_dim3A_1506 = vector.shape_cast %slice3A_1504 : vector<1x1024xf32> to vector<1x1024xf32>
    %broadcast_in_dim3A_1507 = vector.broadcast %broadcast_in_dim3A_1506 : vector<1x1024xf32> to vector<16x1024xf32>
    %select_n3A_1508 = arith.select %lt3A_1505, %broadcast_in_dim3A_1507, %broadcast_in_dim3A_1495 : vector<16x1024xi1>, vector<16x1024xf32>
    %min3A_1509 = arith.minimumf %sub3A_1503, %sub3A_1492 : vector<16x1024xf32>
    %get3A_1510 = arith.constant 0 : index
    %get3A_1511 = arith.constant 2048 : index
    %get3A_1512 = vector.load %arg4[%get3A_1510, %get3A_1511] : memref<1x8192xf32, #tpu.memory_space<vmem>>, vector<1x1024xf32>
    %add3A_1513 = vector.broadcast %get3A_1484 : vector<16x1xf32> to vector<16x1024xf32>
    %add3A_1514 = vector.broadcast %get3A_1512 : vector<1x1024xf32> to vector<16x1024xf32>
    %add3A_1515 = arith.addf %add3A_1513, %add3A_1514 : vector<16x1024xf32>
    %slice3A_1516 = vector.extract_strided_slice %dot_general3A_5 {offsets = [176, 2048], sizes = [16, 1024], strides = [1, 1]} : vector<256x8192xf32> to vector<16x1024xf32>
    %sub3A_1517 = arith.subf %add3A_1515, %slice3A_1516 : vector<16x1024xf32>
    %slice3A_1518 = vector.extract_strided_slice %get3A_8 {offsets = [0, 2048], sizes = [1, 1024], strides = [1, 1]} : vector<1x8192xf32> to vector<1x1024xf32>
    %lt3A_1519 = arith.cmpf olt, %sub3A_1517, %min3A_1509 : vector<16x1024xf32>
    %broadcast_in_dim3A_1520 = vector.shape_cast %slice3A_1518 : vector<1x1024xf32> to vector<1x1024xf32>
    %broadcast_in_dim3A_1521 = vector.broadcast %broadcast_in_dim3A_1520 : vector<1x1024xf32> to vector<16x1024xf32>
    %select_n3A_1522 = arith.select %lt3A_1519, %broadcast_in_dim3A_1521, %select_n3A_1508 : vector<16x1024xi1>, vector<16x1024xf32>
    %min3A_1523 = arith.minimumf %sub3A_1517, %min3A_1509 : vector<16x1024xf32>
    %get3A_1524 = arith.constant 0 : index
    %get3A_1525 = arith.constant 3072 : index
    %get3A_1526 = vector.load %arg4[%get3A_1524, %get3A_1525] : memref<1x8192xf32, #tpu.memory_space<vmem>>, vector<1x1024xf32>
    %add3A_1527 = vector.broadcast %get3A_1484 : vector<16x1xf32> to vector<16x1024xf32>
    %add3A_1528 = vector.broadcast %get3A_1526 : vector<1x1024xf32> to vector<16x1024xf32>
    %add3A_1529 = arith.addf %add3A_1527, %add3A_1528 : vector<16x1024xf32>
    %slice3A_1530 = vector.extract_strided_slice %dot_general3A_5 {offsets = [176, 3072], sizes = [16, 1024], strides = [1, 1]} : vector<256x8192xf32> to vector<16x1024xf32>
    %sub3A_1531 = arith.subf %add3A_1529, %slice3A_1530 : vector<16x1024xf32>
    %slice3A_1532 = vector.extract_strided_slice %get3A_8 {offsets = [0, 3072], sizes = [1, 1024], strides = [1, 1]} : vector<1x8192xf32> to vector<1x1024xf32>
    %lt3A_1533 = arith.cmpf olt, %sub3A_1531, %min3A_1523 : vector<16x1024xf32>
    %broadcast_in_dim3A_1534 = vector.shape_cast %slice3A_1532 : vector<1x1024xf32> to vector<1x1024xf32>
    %broadcast_in_dim3A_1535 = vector.broadcast %broadcast_in_dim3A_1534 : vector<1x1024xf32> to vector<16x1024xf32>
    %select_n3A_1536 = arith.select %lt3A_1533, %broadcast_in_dim3A_1535, %select_n3A_1522 : vector<16x1024xi1>, vector<16x1024xf32>
    %min3A_1537 = arith.minimumf %sub3A_1531, %min3A_1523 : vector<16x1024xf32>
    %get3A_1538 = arith.constant 0 : index
    %get3A_1539 = arith.constant 4096 : index
    %get3A_1540 = vector.load %arg4[%get3A_1538, %get3A_1539] : memref<1x8192xf32, #tpu.memory_space<vmem>>, vector<1x1024xf32>
    %add3A_1541 = vector.broadcast %get3A_1484 : vector<16x1xf32> to vector<16x1024xf32>
    %add3A_1542 = vector.broadcast %get3A_1540 : vector<1x1024xf32> to vector<16x1024xf32>
    %add3A_1543 = arith.addf %add3A_1541, %add3A_1542 : vector<16x1024xf32>
    %slice3A_1544 = vector.extract_strided_slice %dot_general3A_5 {offsets = [176, 4096], sizes = [16, 1024], strides = [1, 1]} : vector<256x8192xf32> to vector<16x1024xf32>
    %sub3A_1545 = arith.subf %add3A_1543, %slice3A_1544 : vector<16x1024xf32>
    %slice3A_1546 = vector.extract_strided_slice %get3A_8 {offsets = [0, 4096], sizes = [1, 1024], strides = [1, 1]} : vector<1x8192xf32> to vector<1x1024xf32>
    %lt3A_1547 = arith.cmpf olt, %sub3A_1545, %min3A_1537 : vector<16x1024xf32>
    %broadcast_in_dim3A_1548 = vector.shape_cast %slice3A_1546 : vector<1x1024xf32> to vector<1x1024xf32>
    %broadcast_in_dim3A_1549 = vector.broadcast %broadcast_in_dim3A_1548 : vector<1x1024xf32> to vector<16x1024xf32>
    %select_n3A_1550 = arith.select %lt3A_1547, %broadcast_in_dim3A_1549, %select_n3A_1536 : vector<16x1024xi1>, vector<16x1024xf32>
    %min3A_1551 = arith.minimumf %sub3A_1545, %min3A_1537 : vector<16x1024xf32>
    %get3A_1552 = arith.constant 0 : index
    %get3A_1553 = arith.constant 5120 : index
    %get3A_1554 = vector.load %arg4[%get3A_1552, %get3A_1553] : memref<1x8192xf32, #tpu.memory_space<vmem>>, vector<1x1024xf32>
    %add3A_1555 = vector.broadcast %get3A_1484 : vector<16x1xf32> to vector<16x1024xf32>
    %add3A_1556 = vector.broadcast %get3A_1554 : vector<1x1024xf32> to vector<16x1024xf32>
    %add3A_1557 = arith.addf %add3A_1555, %add3A_1556 : vector<16x1024xf32>
    %slice3A_1558 = vector.extract_strided_slice %dot_general3A_5 {offsets = [176, 5120], sizes = [16, 1024], strides = [1, 1]} : vector<256x8192xf32> to vector<16x1024xf32>
    %sub3A_1559 = arith.subf %add3A_1557, %slice3A_1558 : vector<16x1024xf32>
    %slice3A_1560 = vector.extract_strided_slice %get3A_8 {offsets = [0, 5120], sizes = [1, 1024], strides = [1, 1]} : vector<1x8192xf32> to vector<1x1024xf32>
    %lt3A_1561 = arith.cmpf olt, %sub3A_1559, %min3A_1551 : vector<16x1024xf32>
    %broadcast_in_dim3A_1562 = vector.shape_cast %slice3A_1560 : vector<1x1024xf32> to vector<1x1024xf32>
    %broadcast_in_dim3A_1563 = vector.broadcast %broadcast_in_dim3A_1562 : vector<1x1024xf32> to vector<16x1024xf32>
    %select_n3A_1564 = arith.select %lt3A_1561, %broadcast_in_dim3A_1563, %select_n3A_1550 : vector<16x1024xi1>, vector<16x1024xf32>
    %min3A_1565 = arith.minimumf %sub3A_1559, %min3A_1551 : vector<16x1024xf32>
    %get3A_1566 = arith.constant 0 : index
    %get3A_1567 = arith.constant 6144 : index
    %get3A_1568 = vector.load %arg4[%get3A_1566, %get3A_1567] : memref<1x8192xf32, #tpu.memory_space<vmem>>, vector<1x1024xf32>
    %add3A_1569 = vector.broadcast %get3A_1484 : vector<16x1xf32> to vector<16x1024xf32>
    %add3A_1570 = vector.broadcast %get3A_1568 : vector<1x1024xf32> to vector<16x1024xf32>
    %add3A_1571 = arith.addf %add3A_1569, %add3A_1570 : vector<16x1024xf32>
    %slice3A_1572 = vector.extract_strided_slice %dot_general3A_5 {offsets = [176, 6144], sizes = [16, 1024], strides = [1, 1]} : vector<256x8192xf32> to vector<16x1024xf32>
    %sub3A_1573 = arith.subf %add3A_1571, %slice3A_1572 : vector<16x1024xf32>
    %slice3A_1574 = vector.extract_strided_slice %get3A_8 {offsets = [0, 6144], sizes = [1, 1024], strides = [1, 1]} : vector<1x8192xf32> to vector<1x1024xf32>
    %lt3A_1575 = arith.cmpf olt, %sub3A_1573, %min3A_1565 : vector<16x1024xf32>
    %broadcast_in_dim3A_1576 = vector.shape_cast %slice3A_1574 : vector<1x1024xf32> to vector<1x1024xf32>
    %broadcast_in_dim3A_1577 = vector.broadcast %broadcast_in_dim3A_1576 : vector<1x1024xf32> to vector<16x1024xf32>
    %select_n3A_1578 = arith.select %lt3A_1575, %broadcast_in_dim3A_1577, %select_n3A_1564 : vector<16x1024xi1>, vector<16x1024xf32>
    %min3A_1579 = arith.minimumf %sub3A_1573, %min3A_1565 : vector<16x1024xf32>
    %get3A_1580 = arith.constant 0 : index
    %get3A_1581 = arith.constant 7168 : index
    %get3A_1582 = vector.load %arg4[%get3A_1580, %get3A_1581] : memref<1x8192xf32, #tpu.memory_space<vmem>>, vector<1x1024xf32>
    %add3A_1583 = vector.broadcast %get3A_1484 : vector<16x1xf32> to vector<16x1024xf32>
    %add3A_1584 = vector.broadcast %get3A_1582 : vector<1x1024xf32> to vector<16x1024xf32>
    %add3A_1585 = arith.addf %add3A_1583, %add3A_1584 : vector<16x1024xf32>
    %slice3A_1586 = vector.extract_strided_slice %dot_general3A_5 {offsets = [176, 7168], sizes = [16, 1024], strides = [1, 1]} : vector<256x8192xf32> to vector<16x1024xf32>
    %sub3A_1587 = arith.subf %add3A_1585, %slice3A_1586 : vector<16x1024xf32>
    %slice3A_1588 = vector.extract_strided_slice %get3A_8 {offsets = [0, 7168], sizes = [1, 1024], strides = [1, 1]} : vector<1x8192xf32> to vector<1x1024xf32>
    %lt3A_1589 = arith.cmpf olt, %sub3A_1587, %min3A_1579 : vector<16x1024xf32>
    %broadcast_in_dim3A_1590 = vector.shape_cast %slice3A_1588 : vector<1x1024xf32> to vector<1x1024xf32>
    %broadcast_in_dim3A_1591 = vector.broadcast %broadcast_in_dim3A_1590 : vector<1x1024xf32> to vector<16x1024xf32>
    %select_n3A_1592 = arith.select %lt3A_1589, %broadcast_in_dim3A_1591, %select_n3A_1578 : vector<16x1024xi1>, vector<16x1024xf32>
    %min3A_1593 = arith.minimumf %sub3A_1587, %min3A_1579 : vector<16x1024xf32>
    %reduce_min3A_1594 = arith.constant dense<0x7F800000> : vector<16xf32>
    %reduce_min3A_1595 = vector.multi_reduction <minimumf>, %min3A_1593, %reduce_min3A_1594 [1] : vector<16x1024xf32> to vector<16xf32>
    %broadcast_in_dim3A_1596 = vector.shape_cast %reduce_min3A_1595 : vector<16xf32> to vector<16x1xf32>
    %eq3A_1597 = vector.broadcast %broadcast_in_dim3A_1596 : vector<16x1xf32> to vector<16x1024xf32>
    %eq3A_1598 = arith.cmpf oeq, %min3A_1593, %eq3A_1597 : vector<16x1024xf32>
    %jit3A_1599 = arith.constant 8.192000e+03 : f32
    %broadcast_in_dim3A_1600 = vector.broadcast %jit3A_1599 : f32 to vector<16x1024xf32>
    %select_n3A_1601 = arith.select %eq3A_1598, %select_n3A_1592, %broadcast_in_dim3A_1600 : vector<16x1024xi1>, vector<16x1024xf32>
    %reduce_min3A_1602 = arith.constant dense<0x7F800000> : vector<16xf32>
    %reduce_min3A_1603 = vector.multi_reduction <minimumf>, %select_n3A_1601, %reduce_min3A_1602 [1] : vector<16x1024xf32> to vector<16xf32>
    %add3A_1604 = arith.addf %add3A_1469, %broadcast_in_dim3A_1596 : vector<16x1xf32>
    %broadcast_in_dim3A_1605 = vector.shape_cast %reduce_min3A_1603 : vector<16xf32> to vector<16x1xf32>
    %eq3A_1606 = vector.broadcast %get3A_8 : vector<1x8192xf32> to vector<16x8192xf32>
    %eq3A_1607 = vector.broadcast %broadcast_in_dim3A_1605 : vector<16x1xf32> to vector<16x8192xf32>
    %eq3A_1608 = arith.cmpf oeq, %eq3A_1606, %eq3A_1607 : vector<16x8192xf32>
    %jit3A_1609 = arith.constant 1.000000e+00 : f32
    %jit3A_1610 = arith.constant 0.000000e+00 : f32
    %broadcast_in_dim3A_1611 = vector.broadcast %jit3A_1609 : f32 to vector<16x8192xf32>
    %broadcast_in_dim3A_1612 = vector.broadcast %jit3A_1610 : f32 to vector<16x8192xf32>
    %select_n3A_1613 = arith.select %eq3A_1608, %broadcast_in_dim3A_1611, %broadcast_in_dim3A_1612 : vector<16x8192xi1>, vector<16x8192xf32>
    %swap3A_1614 = arith.constant 176 : index
    %swap3A_1615 = arith.constant 0 : index
    %swap3A_1616 = vector.load %arg8[%swap3A_1614, %swap3A_1615] : memref<256x8192xf32, #tpu.memory_space<vmem>>, vector<16x8192xf32>
    tpu.vector_store %arg8[%swap3A_1614, %swap3A_1615], %select_n3A_1613 {strides = array<i32>} : memref<256x8192xf32, #tpu.memory_space<vmem>>, vector<16x8192xf32>,
    %get3A_1617 = arith.constant 192 : index
    %get3A_1618 = arith.constant 0 : index
    %get3A_1619 = vector.load %arg2[%get3A_1617, %get3A_1618] : memref<256x1xf32, #tpu.memory_space<vmem>>, vector<16x1xf32>
    %get3A_1620 = arith.constant 0 : index
    %get3A_1621 = arith.constant 0 : index
    %get3A_1622 = vector.load %arg4[%get3A_1620, %get3A_1621] : memref<1x8192xf32, #tpu.memory_space<vmem>>, vector<1x1024xf32>
    %add3A_1623 = vector.broadcast %get3A_1619 : vector<16x1xf32> to vector<16x1024xf32>
    %add3A_1624 = vector.broadcast %get3A_1622 : vector<1x1024xf32> to vector<16x1024xf32>
    %add3A_1625 = arith.addf %add3A_1623, %add3A_1624 : vector<16x1024xf32>
    %slice3A_1626 = vector.extract_strided_slice %dot_general3A_5 {offsets = [192, 0], sizes = [16, 1024], strides = [1, 1]} : vector<256x8192xf32> to vector<16x1024xf32>
    %sub3A_1627 = arith.subf %add3A_1625, %slice3A_1626 : vector<16x1024xf32>
    %slice3A_1628 = vector.extract_strided_slice %get3A_8 {offsets = [0, 0], sizes = [1, 1024], strides = [1, 1]} : vector<1x8192xf32> to vector<1x1024xf32>
    %broadcast_in_dim3A_1629 = vector.shape_cast %slice3A_1628 : vector<1x1024xf32> to vector<1x1024xf32>
    %broadcast_in_dim3A_1630 = vector.broadcast %broadcast_in_dim3A_1629 : vector<1x1024xf32> to vector<16x1024xf32>
    %get3A_1631 = arith.constant 0 : index
    %get3A_1632 = arith.constant 1024 : index
    %get3A_1633 = vector.load %arg4[%get3A_1631, %get3A_1632] : memref<1x8192xf32, #tpu.memory_space<vmem>>, vector<1x1024xf32>
    %add3A_1634 = vector.broadcast %get3A_1619 : vector<16x1xf32> to vector<16x1024xf32>
    %add3A_1635 = vector.broadcast %get3A_1633 : vector<1x1024xf32> to vector<16x1024xf32>
    %add3A_1636 = arith.addf %add3A_1634, %add3A_1635 : vector<16x1024xf32>
    %slice3A_1637 = vector.extract_strided_slice %dot_general3A_5 {offsets = [192, 1024], sizes = [16, 1024], strides = [1, 1]} : vector<256x8192xf32> to vector<16x1024xf32>
    %sub3A_1638 = arith.subf %add3A_1636, %slice3A_1637 : vector<16x1024xf32>
    %slice3A_1639 = vector.extract_strided_slice %get3A_8 {offsets = [0, 1024], sizes = [1, 1024], strides = [1, 1]} : vector<1x8192xf32> to vector<1x1024xf32>
    %lt3A_1640 = arith.cmpf olt, %sub3A_1638, %sub3A_1627 : vector<16x1024xf32>
    %broadcast_in_dim3A_1641 = vector.shape_cast %slice3A_1639 : vector<1x1024xf32> to vector<1x1024xf32>
    %broadcast_in_dim3A_1642 = vector.broadcast %broadcast_in_dim3A_1641 : vector<1x1024xf32> to vector<16x1024xf32>
    %select_n3A_1643 = arith.select %lt3A_1640, %broadcast_in_dim3A_1642, %broadcast_in_dim3A_1630 : vector<16x1024xi1>, vector<16x1024xf32>
    %min3A_1644 = arith.minimumf %sub3A_1638, %sub3A_1627 : vector<16x1024xf32>
    %get3A_1645 = arith.constant 0 : index
    %get3A_1646 = arith.constant 2048 : index
    %get3A_1647 = vector.load %arg4[%get3A_1645, %get3A_1646] : memref<1x8192xf32, #tpu.memory_space<vmem>>, vector<1x1024xf32>
    %add3A_1648 = vector.broadcast %get3A_1619 : vector<16x1xf32> to vector<16x1024xf32>
    %add3A_1649 = vector.broadcast %get3A_1647 : vector<1x1024xf32> to vector<16x1024xf32>
    %add3A_1650 = arith.addf %add3A_1648, %add3A_1649 : vector<16x1024xf32>
    %slice3A_1651 = vector.extract_strided_slice %dot_general3A_5 {offsets = [192, 2048], sizes = [16, 1024], strides = [1, 1]} : vector<256x8192xf32> to vector<16x1024xf32>
    %sub3A_1652 = arith.subf %add3A_1650, %slice3A_1651 : vector<16x1024xf32>
    %slice3A_1653 = vector.extract_strided_slice %get3A_8 {offsets = [0, 2048], sizes = [1, 1024], strides = [1, 1]} : vector<1x8192xf32> to vector<1x1024xf32>
    %lt3A_1654 = arith.cmpf olt, %sub3A_1652, %min3A_1644 : vector<16x1024xf32>
    %broadcast_in_dim3A_1655 = vector.shape_cast %slice3A_1653 : vector<1x1024xf32> to vector<1x1024xf32>
    %broadcast_in_dim3A_1656 = vector.broadcast %broadcast_in_dim3A_1655 : vector<1x1024xf32> to vector<16x1024xf32>
    %select_n3A_1657 = arith.select %lt3A_1654, %broadcast_in_dim3A_1656, %select_n3A_1643 : vector<16x1024xi1>, vector<16x1024xf32>
    %min3A_1658 = arith.minimumf %sub3A_1652, %min3A_1644 : vector<16x1024xf32>
    %get3A_1659 = arith.constant 0 : index
    %get3A_1660 = arith.constant 3072 : index
    %get3A_1661 = vector.load %arg4[%get3A_1659, %get3A_1660] : memref<1x8192xf32, #tpu.memory_space<vmem>>, vector<1x1024xf32>
    %add3A_1662 = vector.broadcast %get3A_1619 : vector<16x1xf32> to vector<16x1024xf32>
    %add3A_1663 = vector.broadcast %get3A_1661 : vector<1x1024xf32> to vector<16x1024xf32>
    %add3A_1664 = arith.addf %add3A_1662, %add3A_1663 : vector<16x1024xf32>
    %slice3A_1665 = vector.extract_strided_slice %dot_general3A_5 {offsets = [192, 3072], sizes = [16, 1024], strides = [1, 1]} : vector<256x8192xf32> to vector<16x1024xf32>
    %sub3A_1666 = arith.subf %add3A_1664, %slice3A_1665 : vector<16x1024xf32>
    %slice3A_1667 = vector.extract_strided_slice %get3A_8 {offsets = [0, 3072], sizes = [1, 1024], strides = [1, 1]} : vector<1x8192xf32> to vector<1x1024xf32>
    %lt3A_1668 = arith.cmpf olt, %sub3A_1666, %min3A_1658 : vector<16x1024xf32>
    %broadcast_in_dim3A_1669 = vector.shape_cast %slice3A_1667 : vector<1x1024xf32> to vector<1x1024xf32>
    %broadcast_in_dim3A_1670 = vector.broadcast %broadcast_in_dim3A_1669 : vector<1x1024xf32> to vector<16x1024xf32>
    %select_n3A_1671 = arith.select %lt3A_1668, %broadcast_in_dim3A_1670, %select_n3A_1657 : vector<16x1024xi1>, vector<16x1024xf32>
    %min3A_1672 = arith.minimumf %sub3A_1666, %min3A_1658 : vector<16x1024xf32>
    %get3A_1673 = arith.constant 0 : index
    %get3A_1674 = arith.constant 4096 : index
    %get3A_1675 = vector.load %arg4[%get3A_1673, %get3A_1674] : memref<1x8192xf32, #tpu.memory_space<vmem>>, vector<1x1024xf32>
    %add3A_1676 = vector.broadcast %get3A_1619 : vector<16x1xf32> to vector<16x1024xf32>
    %add3A_1677 = vector.broadcast %get3A_1675 : vector<1x1024xf32> to vector<16x1024xf32>
    %add3A_1678 = arith.addf %add3A_1676, %add3A_1677 : vector<16x1024xf32>
    %slice3A_1679 = vector.extract_strided_slice %dot_general3A_5 {offsets = [192, 4096], sizes = [16, 1024], strides = [1, 1]} : vector<256x8192xf32> to vector<16x1024xf32>
    %sub3A_1680 = arith.subf %add3A_1678, %slice3A_1679 : vector<16x1024xf32>
    %slice3A_1681 = vector.extract_strided_slice %get3A_8 {offsets = [0, 4096], sizes = [1, 1024], strides = [1, 1]} : vector<1x8192xf32> to vector<1x1024xf32>
    %lt3A_1682 = arith.cmpf olt, %sub3A_1680, %min3A_1672 : vector<16x1024xf32>
    %broadcast_in_dim3A_1683 = vector.shape_cast %slice3A_1681 : vector<1x1024xf32> to vector<1x1024xf32>
    %broadcast_in_dim3A_1684 = vector.broadcast %broadcast_in_dim3A_1683 : vector<1x1024xf32> to vector<16x1024xf32>
    %select_n3A_1685 = arith.select %lt3A_1682, %broadcast_in_dim3A_1684, %select_n3A_1671 : vector<16x1024xi1>, vector<16x1024xf32>
    %min3A_1686 = arith.minimumf %sub3A_1680, %min3A_1672 : vector<16x1024xf32>
    %get3A_1687 = arith.constant 0 : index
    %get3A_1688 = arith.constant 5120 : index
    %get3A_1689 = vector.load %arg4[%get3A_1687, %get3A_1688] : memref<1x8192xf32, #tpu.memory_space<vmem>>, vector<1x1024xf32>
    %add3A_1690 = vector.broadcast %get3A_1619 : vector<16x1xf32> to vector<16x1024xf32>
    %add3A_1691 = vector.broadcast %get3A_1689 : vector<1x1024xf32> to vector<16x1024xf32>
    %add3A_1692 = arith.addf %add3A_1690, %add3A_1691 : vector<16x1024xf32>
    %slice3A_1693 = vector.extract_strided_slice %dot_general3A_5 {offsets = [192, 5120], sizes = [16, 1024], strides = [1, 1]} : vector<256x8192xf32> to vector<16x1024xf32>
    %sub3A_1694 = arith.subf %add3A_1692, %slice3A_1693 : vector<16x1024xf32>
    %slice3A_1695 = vector.extract_strided_slice %get3A_8 {offsets = [0, 5120], sizes = [1, 1024], strides = [1, 1]} : vector<1x8192xf32> to vector<1x1024xf32>
    %lt3A_1696 = arith.cmpf olt, %sub3A_1694, %min3A_1686 : vector<16x1024xf32>
    %broadcast_in_dim3A_1697 = vector.shape_cast %slice3A_1695 : vector<1x1024xf32> to vector<1x1024xf32>
    %broadcast_in_dim3A_1698 = vector.broadcast %broadcast_in_dim3A_1697 : vector<1x1024xf32> to vector<16x1024xf32>
    %select_n3A_1699 = arith.select %lt3A_1696, %broadcast_in_dim3A_1698, %select_n3A_1685 : vector<16x1024xi1>, vector<16x1024xf32>
    %min3A_1700 = arith.minimumf %sub3A_1694, %min3A_1686 : vector<16x1024xf32>
    %get3A_1701 = arith.constant 0 : index
    %get3A_1702 = arith.constant 6144 : index
    %get3A_1703 = vector.load %arg4[%get3A_1701, %get3A_1702] : memref<1x8192xf32, #tpu.memory_space<vmem>>, vector<1x1024xf32>
    %add3A_1704 = vector.broadcast %get3A_1619 : vector<16x1xf32> to vector<16x1024xf32>
    %add3A_1705 = vector.broadcast %get3A_1703 : vector<1x1024xf32> to vector<16x1024xf32>
    %add3A_1706 = arith.addf %add3A_1704, %add3A_1705 : vector<16x1024xf32>
    %slice3A_1707 = vector.extract_strided_slice %dot_general3A_5 {offsets = [192, 6144], sizes = [16, 1024], strides = [1, 1]} : vector<256x8192xf32> to vector<16x1024xf32>
    %sub3A_1708 = arith.subf %add3A_1706, %slice3A_1707 : vector<16x1024xf32>
    %slice3A_1709 = vector.extract_strided_slice %get3A_8 {offsets = [0, 6144], sizes = [1, 1024], strides = [1, 1]} : vector<1x8192xf32> to vector<1x1024xf32>
    %lt3A_1710 = arith.cmpf olt, %sub3A_1708, %min3A_1700 : vector<16x1024xf32>
    %broadcast_in_dim3A_1711 = vector.shape_cast %slice3A_1709 : vector<1x1024xf32> to vector<1x1024xf32>
    %broadcast_in_dim3A_1712 = vector.broadcast %broadcast_in_dim3A_1711 : vector<1x1024xf32> to vector<16x1024xf32>
    %select_n3A_1713 = arith.select %lt3A_1710, %broadcast_in_dim3A_1712, %select_n3A_1699 : vector<16x1024xi1>, vector<16x1024xf32>
    %min3A_1714 = arith.minimumf %sub3A_1708, %min3A_1700 : vector<16x1024xf32>
    %get3A_1715 = arith.constant 0 : index
    %get3A_1716 = arith.constant 7168 : index
    %get3A_1717 = vector.load %arg4[%get3A_1715, %get3A_1716] : memref<1x8192xf32, #tpu.memory_space<vmem>>, vector<1x1024xf32>
    %add3A_1718 = vector.broadcast %get3A_1619 : vector<16x1xf32> to vector<16x1024xf32>
    %add3A_1719 = vector.broadcast %get3A_1717 : vector<1x1024xf32> to vector<16x1024xf32>
    %add3A_1720 = arith.addf %add3A_1718, %add3A_1719 : vector<16x1024xf32>
    %slice3A_1721 = vector.extract_strided_slice %dot_general3A_5 {offsets = [192, 7168], sizes = [16, 1024], strides = [1, 1]} : vector<256x8192xf32> to vector<16x1024xf32>
    %sub3A_1722 = arith.subf %add3A_1720, %slice3A_1721 : vector<16x1024xf32>
    %slice3A_1723 = vector.extract_strided_slice %get3A_8 {offsets = [0, 7168], sizes = [1, 1024], strides = [1, 1]} : vector<1x8192xf32> to vector<1x1024xf32>
    %lt3A_1724 = arith.cmpf olt, %sub3A_1722, %min3A_1714 : vector<16x1024xf32>
    %broadcast_in_dim3A_1725 = vector.shape_cast %slice3A_1723 : vector<1x1024xf32> to vector<1x1024xf32>
    %broadcast_in_dim3A_1726 = vector.broadcast %broadcast_in_dim3A_1725 : vector<1x1024xf32> to vector<16x1024xf32>
    %select_n3A_1727 = arith.select %lt3A_1724, %broadcast_in_dim3A_1726, %select_n3A_1713 : vector<16x1024xi1>, vector<16x1024xf32>
    %min3A_1728 = arith.minimumf %sub3A_1722, %min3A_1714 : vector<16x1024xf32>
    %reduce_min3A_1729 = arith.constant dense<0x7F800000> : vector<16xf32>
    %reduce_min3A_1730 = vector.multi_reduction <minimumf>, %min3A_1728, %reduce_min3A_1729 [1] : vector<16x1024xf32> to vector<16xf32>
    %broadcast_in_dim3A_1731 = vector.shape_cast %reduce_min3A_1730 : vector<16xf32> to vector<16x1xf32>
    %eq3A_1732 = vector.broadcast %broadcast_in_dim3A_1731 : vector<16x1xf32> to vector<16x1024xf32>
    %eq3A_1733 = arith.cmpf oeq, %min3A_1728, %eq3A_1732 : vector<16x1024xf32>
    %jit3A_1734 = arith.constant 8.192000e+03 : f32
    %broadcast_in_dim3A_1735 = vector.broadcast %jit3A_1734 : f32 to vector<16x1024xf32>
    %select_n3A_1736 = arith.select %eq3A_1733, %select_n3A_1727, %broadcast_in_dim3A_1735 : vector<16x1024xi1>, vector<16x1024xf32>
    %reduce_min3A_1737 = arith.constant dense<0x7F800000> : vector<16xf32>
    %reduce_min3A_1738 = vector.multi_reduction <minimumf>, %select_n3A_1736, %reduce_min3A_1737 [1] : vector<16x1024xf32> to vector<16xf32>
    %add3A_1739 = arith.addf %add3A_1604, %broadcast_in_dim3A_1731 : vector<16x1xf32>
    %broadcast_in_dim3A_1740 = vector.shape_cast %reduce_min3A_1738 : vector<16xf32> to vector<16x1xf32>
    %eq3A_1741 = vector.broadcast %get3A_8 : vector<1x8192xf32> to vector<16x8192xf32>
    %eq3A_1742 = vector.broadcast %broadcast_in_dim3A_1740 : vector<16x1xf32> to vector<16x8192xf32>
    %eq3A_1743 = arith.cmpf oeq, %eq3A_1741, %eq3A_1742 : vector<16x8192xf32>
    %jit3A_1744 = arith.constant 1.000000e+00 : f32
    %jit3A_1745 = arith.constant 0.000000e+00 : f32
    %broadcast_in_dim3A_1746 = vector.broadcast %jit3A_1744 : f32 to vector<16x8192xf32>
    %broadcast_in_dim3A_1747 = vector.broadcast %jit3A_1745 : f32 to vector<16x8192xf32>
    %select_n3A_1748 = arith.select %eq3A_1743, %broadcast_in_dim3A_1746, %broadcast_in_dim3A_1747 : vector<16x8192xi1>, vector<16x8192xf32>
    %swap3A_1749 = arith.constant 192 : index
    %swap3A_1750 = arith.constant 0 : index
    %swap3A_1751 = vector.load %arg8[%swap3A_1749, %swap3A_1750] : memref<256x8192xf32, #tpu.memory_space<vmem>>, vector<16x8192xf32>
    tpu.vector_store %arg8[%swap3A_1749, %swap3A_1750], %select_n3A_1748 {strides = array<i32>} : memref<256x8192xf32, #tpu.memory_space<vmem>>, vector<16x8192xf32>,
    %get3A_1752 = arith.constant 208 : index
    %get3A_1753 = arith.constant 0 : index
    %get3A_1754 = vector.load %arg2[%get3A_1752, %get3A_1753] : memref<256x1xf32, #tpu.memory_space<vmem>>, vector<16x1xf32>
    %get3A_1755 = arith.constant 0 : index
    %get3A_1756 = arith.constant 0 : index
    %get3A_1757 = vector.load %arg4[%get3A_1755, %get3A_1756] : memref<1x8192xf32, #tpu.memory_space<vmem>>, vector<1x1024xf32>
    %add3A_1758 = vector.broadcast %get3A_1754 : vector<16x1xf32> to vector<16x1024xf32>
    %add3A_1759 = vector.broadcast %get3A_1757 : vector<1x1024xf32> to vector<16x1024xf32>
    %add3A_1760 = arith.addf %add3A_1758, %add3A_1759 : vector<16x1024xf32>
    %slice3A_1761 = vector.extract_strided_slice %dot_general3A_5 {offsets = [208, 0], sizes = [16, 1024], strides = [1, 1]} : vector<256x8192xf32> to vector<16x1024xf32>
    %sub3A_1762 = arith.subf %add3A_1760, %slice3A_1761 : vector<16x1024xf32>
    %slice3A_1763 = vector.extract_strided_slice %get3A_8 {offsets = [0, 0], sizes = [1, 1024], strides = [1, 1]} : vector<1x8192xf32> to vector<1x1024xf32>
    %broadcast_in_dim3A_1764 = vector.shape_cast %slice3A_1763 : vector<1x1024xf32> to vector<1x1024xf32>
    %broadcast_in_dim3A_1765 = vector.broadcast %broadcast_in_dim3A_1764 : vector<1x1024xf32> to vector<16x1024xf32>
    %get3A_1766 = arith.constant 0 : index
    %get3A_1767 = arith.constant 1024 : index
    %get3A_1768 = vector.load %arg4[%get3A_1766, %get3A_1767] : memref<1x8192xf32, #tpu.memory_space<vmem>>, vector<1x1024xf32>
    %add3A_1769 = vector.broadcast %get3A_1754 : vector<16x1xf32> to vector<16x1024xf32>
    %add3A_1770 = vector.broadcast %get3A_1768 : vector<1x1024xf32> to vector<16x1024xf32>
    %add3A_1771 = arith.addf %add3A_1769, %add3A_1770 : vector<16x1024xf32>
    %slice3A_1772 = vector.extract_strided_slice %dot_general3A_5 {offsets = [208, 1024], sizes = [16, 1024], strides = [1, 1]} : vector<256x8192xf32> to vector<16x1024xf32>
    %sub3A_1773 = arith.subf %add3A_1771, %slice3A_1772 : vector<16x1024xf32>
    %slice3A_1774 = vector.extract_strided_slice %get3A_8 {offsets = [0, 1024], sizes = [1, 1024], strides = [1, 1]} : vector<1x8192xf32> to vector<1x1024xf32>
    %lt3A_1775 = arith.cmpf olt, %sub3A_1773, %sub3A_1762 : vector<16x1024xf32>
    %broadcast_in_dim3A_1776 = vector.shape_cast %slice3A_1774 : vector<1x1024xf32> to vector<1x1024xf32>
    %broadcast_in_dim3A_1777 = vector.broadcast %broadcast_in_dim3A_1776 : vector<1x1024xf32> to vector<16x1024xf32>
    %select_n3A_1778 = arith.select %lt3A_1775, %broadcast_in_dim3A_1777, %broadcast_in_dim3A_1765 : vector<16x1024xi1>, vector<16x1024xf32>
    %min3A_1779 = arith.minimumf %sub3A_1773, %sub3A_1762 : vector<16x1024xf32>
    %get3A_1780 = arith.constant 0 : index
    %get3A_1781 = arith.constant 2048 : index
    %get3A_1782 = vector.load %arg4[%get3A_1780, %get3A_1781] : memref<1x8192xf32, #tpu.memory_space<vmem>>, vector<1x1024xf32>
    %add3A_1783 = vector.broadcast %get3A_1754 : vector<16x1xf32> to vector<16x1024xf32>
    %add3A_1784 = vector.broadcast %get3A_1782 : vector<1x1024xf32> to vector<16x1024xf32>
    %add3A_1785 = arith.addf %add3A_1783, %add3A_1784 : vector<16x1024xf32>
    %slice3A_1786 = vector.extract_strided_slice %dot_general3A_5 {offsets = [208, 2048], sizes = [16, 1024], strides = [1, 1]} : vector<256x8192xf32> to vector<16x1024xf32>
    %sub3A_1787 = arith.subf %add3A_1785, %slice3A_1786 : vector<16x1024xf32>
    %slice3A_1788 = vector.extract_strided_slice %get3A_8 {offsets = [0, 2048], sizes = [1, 1024], strides = [1, 1]} : vector<1x8192xf32> to vector<1x1024xf32>
    %lt3A_1789 = arith.cmpf olt, %sub3A_1787, %min3A_1779 : vector<16x1024xf32>
    %broadcast_in_dim3A_1790 = vector.shape_cast %slice3A_1788 : vector<1x1024xf32> to vector<1x1024xf32>
    %broadcast_in_dim3A_1791 = vector.broadcast %broadcast_in_dim3A_1790 : vector<1x1024xf32> to vector<16x1024xf32>
    %select_n3A_1792 = arith.select %lt3A_1789, %broadcast_in_dim3A_1791, %select_n3A_1778 : vector<16x1024xi1>, vector<16x1024xf32>
    %min3A_1793 = arith.minimumf %sub3A_1787, %min3A_1779 : vector<16x1024xf32>
    %get3A_1794 = arith.constant 0 : index
    %get3A_1795 = arith.constant 3072 : index
    %get3A_1796 = vector.load %arg4[%get3A_1794, %get3A_1795] : memref<1x8192xf32, #tpu.memory_space<vmem>>, vector<1x1024xf32>
    %add3A_1797 = vector.broadcast %get3A_1754 : vector<16x1xf32> to vector<16x1024xf32>
    %add3A_1798 = vector.broadcast %get3A_1796 : vector<1x1024xf32> to vector<16x1024xf32>
    %add3A_1799 = arith.addf %add3A_1797, %add3A_1798 : vector<16x1024xf32>
    %slice3A_1800 = vector.extract_strided_slice %dot_general3A_5 {offsets = [208, 3072], sizes = [16, 1024], strides = [1, 1]} : vector<256x8192xf32> to vector<16x1024xf32>
    %sub3A_1801 = arith.subf %add3A_1799, %slice3A_1800 : vector<16x1024xf32>
    %slice3A_1802 = vector.extract_strided_slice %get3A_8 {offsets = [0, 3072], sizes = [1, 1024], strides = [1, 1]} : vector<1x8192xf32> to vector<1x1024xf32>
    %lt3A_1803 = arith.cmpf olt, %sub3A_1801, %min3A_1793 : vector<16x1024xf32>
    %broadcast_in_dim3A_1804 = vector.shape_cast %slice3A_1802 : vector<1x1024xf32> to vector<1x1024xf32>
    %broadcast_in_dim3A_1805 = vector.broadcast %broadcast_in_dim3A_1804 : vector<1x1024xf32> to vector<16x1024xf32>
    %select_n3A_1806 = arith.select %lt3A_1803, %broadcast_in_dim3A_1805, %select_n3A_1792 : vector<16x1024xi1>, vector<16x1024xf32>
    %min3A_1807 = arith.minimumf %sub3A_1801, %min3A_1793 : vector<16x1024xf32>
    %get3A_1808 = arith.constant 0 : index
    %get3A_1809 = arith.constant 4096 : index
    %get3A_1810 = vector.load %arg4[%get3A_1808, %get3A_1809] : memref<1x8192xf32, #tpu.memory_space<vmem>>, vector<1x1024xf32>
    %add3A_1811 = vector.broadcast %get3A_1754 : vector<16x1xf32> to vector<16x1024xf32>
    %add3A_1812 = vector.broadcast %get3A_1810 : vector<1x1024xf32> to vector<16x1024xf32>
    %add3A_1813 = arith.addf %add3A_1811, %add3A_1812 : vector<16x1024xf32>
    %slice3A_1814 = vector.extract_strided_slice %dot_general3A_5 {offsets = [208, 4096], sizes = [16, 1024], strides = [1, 1]} : vector<256x8192xf32> to vector<16x1024xf32>
    %sub3A_1815 = arith.subf %add3A_1813, %slice3A_1814 : vector<16x1024xf32>
    %slice3A_1816 = vector.extract_strided_slice %get3A_8 {offsets = [0, 4096], sizes = [1, 1024], strides = [1, 1]} : vector<1x8192xf32> to vector<1x1024xf32>
    %lt3A_1817 = arith.cmpf olt, %sub3A_1815, %min3A_1807 : vector<16x1024xf32>
    %broadcast_in_dim3A_1818 = vector.shape_cast %slice3A_1816 : vector<1x1024xf32> to vector<1x1024xf32>
    %broadcast_in_dim3A_1819 = vector.broadcast %broadcast_in_dim3A_1818 : vector<1x1024xf32> to vector<16x1024xf32>
    %select_n3A_1820 = arith.select %lt3A_1817, %broadcast_in_dim3A_1819, %select_n3A_1806 : vector<16x1024xi1>, vector<16x1024xf32>
    %min3A_1821 = arith.minimumf %sub3A_1815, %min3A_1807 : vector<16x1024xf32>
    %get3A_1822 = arith.constant 0 : index
    %get3A_1823 = arith.constant 5120 : index
    %get3A_1824 = vector.load %arg4[%get3A_1822, %get3A_1823] : memref<1x8192xf32, #tpu.memory_space<vmem>>, vector<1x1024xf32>
    %add3A_1825 = vector.broadcast %get3A_1754 : vector<16x1xf32> to vector<16x1024xf32>
    %add3A_1826 = vector.broadcast %get3A_1824 : vector<1x1024xf32> to vector<16x1024xf32>
    %add3A_1827 = arith.addf %add3A_1825, %add3A_1826 : vector<16x1024xf32>
    %slice3A_1828 = vector.extract_strided_slice %dot_general3A_5 {offsets = [208, 5120], sizes = [16, 1024], strides = [1, 1]} : vector<256x8192xf32> to vector<16x1024xf32>
    %sub3A_1829 = arith.subf %add3A_1827, %slice3A_1828 : vector<16x1024xf32>
    %slice3A_1830 = vector.extract_strided_slice %get3A_8 {offsets = [0, 5120], sizes = [1, 1024], strides = [1, 1]} : vector<1x8192xf32> to vector<1x1024xf32>
    %lt3A_1831 = arith.cmpf olt, %sub3A_1829, %min3A_1821 : vector<16x1024xf32>
    %broadcast_in_dim3A_1832 = vector.shape_cast %slice3A_1830 : vector<1x1024xf32> to vector<1x1024xf32>
    %broadcast_in_dim3A_1833 = vector.broadcast %broadcast_in_dim3A_1832 : vector<1x1024xf32> to vector<16x1024xf32>
    %select_n3A_1834 = arith.select %lt3A_1831, %broadcast_in_dim3A_1833, %select_n3A_1820 : vector<16x1024xi1>, vector<16x1024xf32>
    %min3A_1835 = arith.minimumf %sub3A_1829, %min3A_1821 : vector<16x1024xf32>
    %get3A_1836 = arith.constant 0 : index
    %get3A_1837 = arith.constant 6144 : index
    %get3A_1838 = vector.load %arg4[%get3A_1836, %get3A_1837] : memref<1x8192xf32, #tpu.memory_space<vmem>>, vector<1x1024xf32>
    %add3A_1839 = vector.broadcast %get3A_1754 : vector<16x1xf32> to vector<16x1024xf32>
    %add3A_1840 = vector.broadcast %get3A_1838 : vector<1x1024xf32> to vector<16x1024xf32>
    %add3A_1841 = arith.addf %add3A_1839, %add3A_1840 : vector<16x1024xf32>
    %slice3A_1842 = vector.extract_strided_slice %dot_general3A_5 {offsets = [208, 6144], sizes = [16, 1024], strides = [1, 1]} : vector<256x8192xf32> to vector<16x1024xf32>
    %sub3A_1843 = arith.subf %add3A_1841, %slice3A_1842 : vector<16x1024xf32>
    %slice3A_1844 = vector.extract_strided_slice %get3A_8 {offsets = [0, 6144], sizes = [1, 1024], strides = [1, 1]} : vector<1x8192xf32> to vector<1x1024xf32>
    %lt3A_1845 = arith.cmpf olt, %sub3A_1843, %min3A_1835 : vector<16x1024xf32>
    %broadcast_in_dim3A_1846 = vector.shape_cast %slice3A_1844 : vector<1x1024xf32> to vector<1x1024xf32>
    %broadcast_in_dim3A_1847 = vector.broadcast %broadcast_in_dim3A_1846 : vector<1x1024xf32> to vector<16x1024xf32>
    %select_n3A_1848 = arith.select %lt3A_1845, %broadcast_in_dim3A_1847, %select_n3A_1834 : vector<16x1024xi1>, vector<16x1024xf32>
    %min3A_1849 = arith.minimumf %sub3A_1843, %min3A_1835 : vector<16x1024xf32>
    %get3A_1850 = arith.constant 0 : index
    %get3A_1851 = arith.constant 7168 : index
    %get3A_1852 = vector.load %arg4[%get3A_1850, %get3A_1851] : memref<1x8192xf32, #tpu.memory_space<vmem>>, vector<1x1024xf32>
    %add3A_1853 = vector.broadcast %get3A_1754 : vector<16x1xf32> to vector<16x1024xf32>
    %add3A_1854 = vector.broadcast %get3A_1852 : vector<1x1024xf32> to vector<16x1024xf32>
    %add3A_1855 = arith.addf %add3A_1853, %add3A_1854 : vector<16x1024xf32>
    %slice3A_1856 = vector.extract_strided_slice %dot_general3A_5 {offsets = [208, 7168], sizes = [16, 1024], strides = [1, 1]} : vector<256x8192xf32> to vector<16x1024xf32>
    %sub3A_1857 = arith.subf %add3A_1855, %slice3A_1856 : vector<16x1024xf32>
    %slice3A_1858 = vector.extract_strided_slice %get3A_8 {offsets = [0, 7168], sizes = [1, 1024], strides = [1, 1]} : vector<1x8192xf32> to vector<1x1024xf32>
    %lt3A_1859 = arith.cmpf olt, %sub3A_1857, %min3A_1849 : vector<16x1024xf32>
    %broadcast_in_dim3A_1860 = vector.shape_cast %slice3A_1858 : vector<1x1024xf32> to vector<1x1024xf32>
    %broadcast_in_dim3A_1861 = vector.broadcast %broadcast_in_dim3A_1860 : vector<1x1024xf32> to vector<16x1024xf32>
    %select_n3A_1862 = arith.select %lt3A_1859, %broadcast_in_dim3A_1861, %select_n3A_1848 : vector<16x1024xi1>, vector<16x1024xf32>
    %min3A_1863 = arith.minimumf %sub3A_1857, %min3A_1849 : vector<16x1024xf32>
    %reduce_min3A_1864 = arith.constant dense<0x7F800000> : vector<16xf32>
    %reduce_min3A_1865 = vector.multi_reduction <minimumf>, %min3A_1863, %reduce_min3A_1864 [1] : vector<16x1024xf32> to vector<16xf32>
    %broadcast_in_dim3A_1866 = vector.shape_cast %reduce_min3A_1865 : vector<16xf32> to vector<16x1xf32>
    %eq3A_1867 = vector.broadcast %broadcast_in_dim3A_1866 : vector<16x1xf32> to vector<16x1024xf32>
    %eq3A_1868 = arith.cmpf oeq, %min3A_1863, %eq3A_1867 : vector<16x1024xf32>
    %jit3A_1869 = arith.constant 8.192000e+03 : f32
    %broadcast_in_dim3A_1870 = vector.broadcast %jit3A_1869 : f32 to vector<16x1024xf32>
    %select_n3A_1871 = arith.select %eq3A_1868, %select_n3A_1862, %broadcast_in_dim3A_1870 : vector<16x1024xi1>, vector<16x1024xf32>
    %reduce_min3A_1872 = arith.constant dense<0x7F800000> : vector<16xf32>
    %reduce_min3A_1873 = vector.multi_reduction <minimumf>, %select_n3A_1871, %reduce_min3A_1872 [1] : vector<16x1024xf32> to vector<16xf32>
    %add3A_1874 = arith.addf %add3A_1739, %broadcast_in_dim3A_1866 : vector<16x1xf32>
    %broadcast_in_dim3A_1875 = vector.shape_cast %reduce_min3A_1873 : vector<16xf32> to vector<16x1xf32>
    %eq3A_1876 = vector.broadcast %get3A_8 : vector<1x8192xf32> to vector<16x8192xf32>
    %eq3A_1877 = vector.broadcast %broadcast_in_dim3A_1875 : vector<16x1xf32> to vector<16x8192xf32>
    %eq3A_1878 = arith.cmpf oeq, %eq3A_1876, %eq3A_1877 : vector<16x8192xf32>
    %jit3A_1879 = arith.constant 1.000000e+00 : f32
    %jit3A_1880 = arith.constant 0.000000e+00 : f32
    %broadcast_in_dim3A_1881 = vector.broadcast %jit3A_1879 : f32 to vector<16x8192xf32>
    %broadcast_in_dim3A_1882 = vector.broadcast %jit3A_1880 : f32 to vector<16x8192xf32>
    %select_n3A_1883 = arith.select %eq3A_1878, %broadcast_in_dim3A_1881, %broadcast_in_dim3A_1882 : vector<16x8192xi1>, vector<16x8192xf32>
    %swap3A_1884 = arith.constant 208 : index
    %swap3A_1885 = arith.constant 0 : index
    %swap3A_1886 = vector.load %arg8[%swap3A_1884, %swap3A_1885] : memref<256x8192xf32, #tpu.memory_space<vmem>>, vector<16x8192xf32>
    tpu.vector_store %arg8[%swap3A_1884, %swap3A_1885], %select_n3A_1883 {strides = array<i32>} : memref<256x8192xf32, #tpu.memory_space<vmem>>, vector<16x8192xf32>,
    %get3A_1887 = arith.constant 224 : index
    %get3A_1888 = arith.constant 0 : index
    %get3A_1889 = vector.load %arg2[%get3A_1887, %get3A_1888] : memref<256x1xf32, #tpu.memory_space<vmem>>, vector<16x1xf32>
    %get3A_1890 = arith.constant 0 : index
    %get3A_1891 = arith.constant 0 : index
    %get3A_1892 = vector.load %arg4[%get3A_1890, %get3A_1891] : memref<1x8192xf32, #tpu.memory_space<vmem>>, vector<1x1024xf32>
    %add3A_1893 = vector.broadcast %get3A_1889 : vector<16x1xf32> to vector<16x1024xf32>
    %add3A_1894 = vector.broadcast %get3A_1892 : vector<1x1024xf32> to vector<16x1024xf32>
    %add3A_1895 = arith.addf %add3A_1893, %add3A_1894 : vector<16x1024xf32>
    %slice3A_1896 = vector.extract_strided_slice %dot_general3A_5 {offsets = [224, 0], sizes = [16, 1024], strides = [1, 1]} : vector<256x8192xf32> to vector<16x1024xf32>
    %sub3A_1897 = arith.subf %add3A_1895, %slice3A_1896 : vector<16x1024xf32>
    %slice3A_1898 = vector.extract_strided_slice %get3A_8 {offsets = [0, 0], sizes = [1, 1024], strides = [1, 1]} : vector<1x8192xf32> to vector<1x1024xf32>
    %broadcast_in_dim3A_1899 = vector.shape_cast %slice3A_1898 : vector<1x1024xf32> to vector<1x1024xf32>
    %broadcast_in_dim3A_1900 = vector.broadcast %broadcast_in_dim3A_1899 : vector<1x1024xf32> to vector<16x1024xf32>
    %get3A_1901 = arith.constant 0 : index
    %get3A_1902 = arith.constant 1024 : index
    %get3A_1903 = vector.load %arg4[%get3A_1901, %get3A_1902] : memref<1x8192xf32, #tpu.memory_space<vmem>>, vector<1x1024xf32>
    %add3A_1904 = vector.broadcast %get3A_1889 : vector<16x1xf32> to vector<16x1024xf32>
    %add3A_1905 = vector.broadcast %get3A_1903 : vector<1x1024xf32> to vector<16x1024xf32>
    %add3A_1906 = arith.addf %add3A_1904, %add3A_1905 : vector<16x1024xf32>
    %slice3A_1907 = vector.extract_strided_slice %dot_general3A_5 {offsets = [224, 1024], sizes = [16, 1024], strides = [1, 1]} : vector<256x8192xf32> to vector<16x1024xf32>
    %sub3A_1908 = arith.subf %add3A_1906, %slice3A_1907 : vector<16x1024xf32>
    %slice3A_1909 = vector.extract_strided_slice %get3A_8 {offsets = [0, 1024], sizes = [1, 1024], strides = [1, 1]} : vector<1x8192xf32> to vector<1x1024xf32>
    %lt3A_1910 = arith.cmpf olt, %sub3A_1908, %sub3A_1897 : vector<16x1024xf32>
    %broadcast_in_dim3A_1911 = vector.shape_cast %slice3A_1909 : vector<1x1024xf32> to vector<1x1024xf32>
    %broadcast_in_dim3A_1912 = vector.broadcast %broadcast_in_dim3A_1911 : vector<1x1024xf32> to vector<16x1024xf32>
    %select_n3A_1913 = arith.select %lt3A_1910, %broadcast_in_dim3A_1912, %broadcast_in_dim3A_1900 : vector<16x1024xi1>, vector<16x1024xf32>
    %min3A_1914 = arith.minimumf %sub3A_1908, %sub3A_1897 : vector<16x1024xf32>
    %get3A_1915 = arith.constant 0 : index
    %get3A_1916 = arith.constant 2048 : index
    %get3A_1917 = vector.load %arg4[%get3A_1915, %get3A_1916] : memref<1x8192xf32, #tpu.memory_space<vmem>>, vector<1x1024xf32>
    %add3A_1918 = vector.broadcast %get3A_1889 : vector<16x1xf32> to vector<16x1024xf32>
    %add3A_1919 = vector.broadcast %get3A_1917 : vector<1x1024xf32> to vector<16x1024xf32>
    %add3A_1920 = arith.addf %add3A_1918, %add3A_1919 : vector<16x1024xf32>
    %slice3A_1921 = vector.extract_strided_slice %dot_general3A_5 {offsets = [224, 2048], sizes = [16, 1024], strides = [1, 1]} : vector<256x8192xf32> to vector<16x1024xf32>
    %sub3A_1922 = arith.subf %add3A_1920, %slice3A_1921 : vector<16x1024xf32>
    %slice3A_1923 = vector.extract_strided_slice %get3A_8 {offsets = [0, 2048], sizes = [1, 1024], strides = [1, 1]} : vector<1x8192xf32> to vector<1x1024xf32>
    %lt3A_1924 = arith.cmpf olt, %sub3A_1922, %min3A_1914 : vector<16x1024xf32>
    %broadcast_in_dim3A_1925 = vector.shape_cast %slice3A_1923 : vector<1x1024xf32> to vector<1x1024xf32>
    %broadcast_in_dim3A_1926 = vector.broadcast %broadcast_in_dim3A_1925 : vector<1x1024xf32> to vector<16x1024xf32>
    %select_n3A_1927 = arith.select %lt3A_1924, %broadcast_in_dim3A_1926, %select_n3A_1913 : vector<16x1024xi1>, vector<16x1024xf32>
    %min3A_1928 = arith.minimumf %sub3A_1922, %min3A_1914 : vector<16x1024xf32>
    %get3A_1929 = arith.constant 0 : index
    %get3A_1930 = arith.constant 3072 : index
    %get3A_1931 = vector.load %arg4[%get3A_1929, %get3A_1930] : memref<1x8192xf32, #tpu.memory_space<vmem>>, vector<1x1024xf32>
    %add3A_1932 = vector.broadcast %get3A_1889 : vector<16x1xf32> to vector<16x1024xf32>
    %add3A_1933 = vector.broadcast %get3A_1931 : vector<1x1024xf32> to vector<16x1024xf32>
    %add3A_1934 = arith.addf %add3A_1932, %add3A_1933 : vector<16x1024xf32>
    %slice3A_1935 = vector.extract_strided_slice %dot_general3A_5 {offsets = [224, 3072], sizes = [16, 1024], strides = [1, 1]} : vector<256x8192xf32> to vector<16x1024xf32>
    %sub3A_1936 = arith.subf %add3A_1934, %slice3A_1935 : vector<16x1024xf32>
    %slice3A_1937 = vector.extract_strided_slice %get3A_8 {offsets = [0, 3072], sizes = [1, 1024], strides = [1, 1]} : vector<1x8192xf32> to vector<1x1024xf32>
    %lt3A_1938 = arith.cmpf olt, %sub3A_1936, %min3A_1928 : vector<16x1024xf32>
    %broadcast_in_dim3A_1939 = vector.shape_cast %slice3A_1937 : vector<1x1024xf32> to vector<1x1024xf32>
    %broadcast_in_dim3A_1940 = vector.broadcast %broadcast_in_dim3A_1939 : vector<1x1024xf32> to vector<16x1024xf32>
    %select_n3A_1941 = arith.select %lt3A_1938, %broadcast_in_dim3A_1940, %select_n3A_1927 : vector<16x1024xi1>, vector<16x1024xf32>
    %min3A_1942 = arith.minimumf %sub3A_1936, %min3A_1928 : vector<16x1024xf32>
    %get3A_1943 = arith.constant 0 : index
    %get3A_1944 = arith.constant 4096 : index
    %get3A_1945 = vector.load %arg4[%get3A_1943, %get3A_1944] : memref<1x8192xf32, #tpu.memory_space<vmem>>, vector<1x1024xf32>
    %add3A_1946 = vector.broadcast %get3A_1889 : vector<16x1xf32> to vector<16x1024xf32>
    %add3A_1947 = vector.broadcast %get3A_1945 : vector<1x1024xf32> to vector<16x1024xf32>
    %add3A_1948 = arith.addf %add3A_1946, %add3A_1947 : vector<16x1024xf32>
    %slice3A_1949 = vector.extract_strided_slice %dot_general3A_5 {offsets = [224, 4096], sizes = [16, 1024], strides = [1, 1]} : vector<256x8192xf32> to vector<16x1024xf32>
    %sub3A_1950 = arith.subf %add3A_1948, %slice3A_1949 : vector<16x1024xf32>
    %slice3A_1951 = vector.extract_strided_slice %get3A_8 {offsets = [0, 4096], sizes = [1, 1024], strides = [1, 1]} : vector<1x8192xf32> to vector<1x1024xf32>
    %lt3A_1952 = arith.cmpf olt, %sub3A_1950, %min3A_1942 : vector<16x1024xf32>
    %broadcast_in_dim3A_1953 = vector.shape_cast %slice3A_1951 : vector<1x1024xf32> to vector<1x1024xf32>
    %broadcast_in_dim3A_1954 = vector.broadcast %broadcast_in_dim3A_1953 : vector<1x1024xf32> to vector<16x1024xf32>
    %select_n3A_1955 = arith.select %lt3A_1952, %broadcast_in_dim3A_1954, %select_n3A_1941 : vector<16x1024xi1>, vector<16x1024xf32>
    %min3A_1956 = arith.minimumf %sub3A_1950, %min3A_1942 : vector<16x1024xf32>
    %get3A_1957 = arith.constant 0 : index
    %get3A_1958 = arith.constant 5120 : index
    %get3A_1959 = vector.load %arg4[%get3A_1957, %get3A_1958] : memref<1x8192xf32, #tpu.memory_space<vmem>>, vector<1x1024xf32>
    %add3A_1960 = vector.broadcast %get3A_1889 : vector<16x1xf32> to vector<16x1024xf32>
    %add3A_1961 = vector.broadcast %get3A_1959 : vector<1x1024xf32> to vector<16x1024xf32>
    %add3A_1962 = arith.addf %add3A_1960, %add3A_1961 : vector<16x1024xf32>
    %slice3A_1963 = vector.extract_strided_slice %dot_general3A_5 {offsets = [224, 5120], sizes = [16, 1024], strides = [1, 1]} : vector<256x8192xf32> to vector<16x1024xf32>
    %sub3A_1964 = arith.subf %add3A_1962, %slice3A_1963 : vector<16x1024xf32>
    %slice3A_1965 = vector.extract_strided_slice %get3A_8 {offsets = [0, 5120], sizes = [1, 1024], strides = [1, 1]} : vector<1x8192xf32> to vector<1x1024xf32>
    %lt3A_1966 = arith.cmpf olt, %sub3A_1964, %min3A_1956 : vector<16x1024xf32>
    %broadcast_in_dim3A_1967 = vector.shape_cast %slice3A_1965 : vector<1x1024xf32> to vector<1x1024xf32>
    %broadcast_in_dim3A_1968 = vector.broadcast %broadcast_in_dim3A_1967 : vector<1x1024xf32> to vector<16x1024xf32>
    %select_n3A_1969 = arith.select %lt3A_1966, %broadcast_in_dim3A_1968, %select_n3A_1955 : vector<16x1024xi1>, vector<16x1024xf32>
    %min3A_1970 = arith.minimumf %sub3A_1964, %min3A_1956 : vector<16x1024xf32>
    %get3A_1971 = arith.constant 0 : index
    %get3A_1972 = arith.constant 6144 : index
    %get3A_1973 = vector.load %arg4[%get3A_1971, %get3A_1972] : memref<1x8192xf32, #tpu.memory_space<vmem>>, vector<1x1024xf32>
    %add3A_1974 = vector.broadcast %get3A_1889 : vector<16x1xf32> to vector<16x1024xf32>
    %add3A_1975 = vector.broadcast %get3A_1973 : vector<1x1024xf32> to vector<16x1024xf32>
    %add3A_1976 = arith.addf %add3A_1974, %add3A_1975 : vector<16x1024xf32>
    %slice3A_1977 = vector.extract_strided_slice %dot_general3A_5 {offsets = [224, 6144], sizes = [16, 1024], strides = [1, 1]} : vector<256x8192xf32> to vector<16x1024xf32>
    %sub3A_1978 = arith.subf %add3A_1976, %slice3A_1977 : vector<16x1024xf32>
    %slice3A_1979 = vector.extract_strided_slice %get3A_8 {offsets = [0, 6144], sizes = [1, 1024], strides = [1, 1]} : vector<1x8192xf32> to vector<1x1024xf32>
    %lt3A_1980 = arith.cmpf olt, %sub3A_1978, %min3A_1970 : vector<16x1024xf32>
    %broadcast_in_dim3A_1981 = vector.shape_cast %slice3A_1979 : vector<1x1024xf32> to vector<1x1024xf32>
    %broadcast_in_dim3A_1982 = vector.broadcast %broadcast_in_dim3A_1981 : vector<1x1024xf32> to vector<16x1024xf32>
    %select_n3A_1983 = arith.select %lt3A_1980, %broadcast_in_dim3A_1982, %select_n3A_1969 : vector<16x1024xi1>, vector<16x1024xf32>
    %min3A_1984 = arith.minimumf %sub3A_1978, %min3A_1970 : vector<16x1024xf32>
    %get3A_1985 = arith.constant 0 : index
    %get3A_1986 = arith.constant 7168 : index
    %get3A_1987 = vector.load %arg4[%get3A_1985, %get3A_1986] : memref<1x8192xf32, #tpu.memory_space<vmem>>, vector<1x1024xf32>
    %add3A_1988 = vector.broadcast %get3A_1889 : vector<16x1xf32> to vector<16x1024xf32>
    %add3A_1989 = vector.broadcast %get3A_1987 : vector<1x1024xf32> to vector<16x1024xf32>
    %add3A_1990 = arith.addf %add3A_1988, %add3A_1989 : vector<16x1024xf32>
    %slice3A_1991 = vector.extract_strided_slice %dot_general3A_5 {offsets = [224, 7168], sizes = [16, 1024], strides = [1, 1]} : vector<256x8192xf32> to vector<16x1024xf32>
    %sub3A_1992 = arith.subf %add3A_1990, %slice3A_1991 : vector<16x1024xf32>
    %slice3A_1993 = vector.extract_strided_slice %get3A_8 {offsets = [0, 7168], sizes = [1, 1024], strides = [1, 1]} : vector<1x8192xf32> to vector<1x1024xf32>
    %lt3A_1994 = arith.cmpf olt, %sub3A_1992, %min3A_1984 : vector<16x1024xf32>
    %broadcast_in_dim3A_1995 = vector.shape_cast %slice3A_1993 : vector<1x1024xf32> to vector<1x1024xf32>
    %broadcast_in_dim3A_1996 = vector.broadcast %broadcast_in_dim3A_1995 : vector<1x1024xf32> to vector<16x1024xf32>
    %select_n3A_1997 = arith.select %lt3A_1994, %broadcast_in_dim3A_1996, %select_n3A_1983 : vector<16x1024xi1>, vector<16x1024xf32>
    %min3A_1998 = arith.minimumf %sub3A_1992, %min3A_1984 : vector<16x1024xf32>
    %reduce_min3A_1999 = arith.constant dense<0x7F800000> : vector<16xf32>
    %reduce_min3A_2000 = vector.multi_reduction <minimumf>, %min3A_1998, %reduce_min3A_1999 [1] : vector<16x1024xf32> to vector<16xf32>
    %broadcast_in_dim3A_2001 = vector.shape_cast %reduce_min3A_2000 : vector<16xf32> to vector<16x1xf32>
    %eq3A_2002 = vector.broadcast %broadcast_in_dim3A_2001 : vector<16x1xf32> to vector<16x1024xf32>
    %eq3A_2003 = arith.cmpf oeq, %min3A_1998, %eq3A_2002 : vector<16x1024xf32>
    %jit3A_2004 = arith.constant 8.192000e+03 : f32
    %broadcast_in_dim3A_2005 = vector.broadcast %jit3A_2004 : f32 to vector<16x1024xf32>
    %select_n3A_2006 = arith.select %eq3A_2003, %select_n3A_1997, %broadcast_in_dim3A_2005 : vector<16x1024xi1>, vector<16x1024xf32>
    %reduce_min3A_2007 = arith.constant dense<0x7F800000> : vector<16xf32>
    %reduce_min3A_2008 = vector.multi_reduction <minimumf>, %select_n3A_2006, %reduce_min3A_2007 [1] : vector<16x1024xf32> to vector<16xf32>
    %add3A_2009 = arith.addf %add3A_1874, %broadcast_in_dim3A_2001 : vector<16x1xf32>
    %broadcast_in_dim3A_2010 = vector.shape_cast %reduce_min3A_2008 : vector<16xf32> to vector<16x1xf32>
    %eq3A_2011 = vector.broadcast %get3A_8 : vector<1x8192xf32> to vector<16x8192xf32>
    %eq3A_2012 = vector.broadcast %broadcast_in_dim3A_2010 : vector<16x1xf32> to vector<16x8192xf32>
    %eq3A_2013 = arith.cmpf oeq, %eq3A_2011, %eq3A_2012 : vector<16x8192xf32>
    %jit3A_2014 = arith.constant 1.000000e+00 : f32
    %jit3A_2015 = arith.constant 0.000000e+00 : f32
    %broadcast_in_dim3A_2016 = vector.broadcast %jit3A_2014 : f32 to vector<16x8192xf32>
    %broadcast_in_dim3A_2017 = vector.broadcast %jit3A_2015 : f32 to vector<16x8192xf32>
    %select_n3A_2018 = arith.select %eq3A_2013, %broadcast_in_dim3A_2016, %broadcast_in_dim3A_2017 : vector<16x8192xi1>, vector<16x8192xf32>
    %swap3A_2019 = arith.constant 224 : index
    %swap3A_2020 = arith.constant 0 : index
    %swap3A_2021 = vector.load %arg8[%swap3A_2019, %swap3A_2020] : memref<256x8192xf32, #tpu.memory_space<vmem>>, vector<16x8192xf32>
    tpu.vector_store %arg8[%swap3A_2019, %swap3A_2020], %select_n3A_2018 {strides = array<i32>} : memref<256x8192xf32, #tpu.memory_space<vmem>>, vector<16x8192xf32>,
    %get3A_2022 = arith.constant 240 : index
    %get3A_2023 = arith.constant 0 : index
    %get3A_2024 = vector.load %arg2[%get3A_2022, %get3A_2023] : memref<256x1xf32, #tpu.memory_space<vmem>>, vector<16x1xf32>
    %get3A_2025 = arith.constant 0 : index
    %get3A_2026 = arith.constant 0 : index
    %get3A_2027 = vector.load %arg4[%get3A_2025, %get3A_2026] : memref<1x8192xf32, #tpu.memory_space<vmem>>, vector<1x1024xf32>
    %add3A_2028 = vector.broadcast %get3A_2024 : vector<16x1xf32> to vector<16x1024xf32>
    %add3A_2029 = vector.broadcast %get3A_2027 : vector<1x1024xf32> to vector<16x1024xf32>
    %add3A_2030 = arith.addf %add3A_2028, %add3A_2029 : vector<16x1024xf32>
    %slice3A_2031 = vector.extract_strided_slice %dot_general3A_5 {offsets = [240, 0], sizes = [16, 1024], strides = [1, 1]} : vector<256x8192xf32> to vector<16x1024xf32>
    %sub3A_2032 = arith.subf %add3A_2030, %slice3A_2031 : vector<16x1024xf32>
    %slice3A_2033 = vector.extract_strided_slice %get3A_8 {offsets = [0, 0], sizes = [1, 1024], strides = [1, 1]} : vector<1x8192xf32> to vector<1x1024xf32>
    %broadcast_in_dim3A_2034 = vector.shape_cast %slice3A_2033 : vector<1x1024xf32> to vector<1x1024xf32>
    %broadcast_in_dim3A_2035 = vector.broadcast %broadcast_in_dim3A_2034 : vector<1x1024xf32> to vector<16x1024xf32>
    %get3A_2036 = arith.constant 0 : index
    %get3A_2037 = arith.constant 1024 : index
    %get3A_2038 = vector.load %arg4[%get3A_2036, %get3A_2037] : memref<1x8192xf32, #tpu.memory_space<vmem>>, vector<1x1024xf32>
    %add3A_2039 = vector.broadcast %get3A_2024 : vector<16x1xf32> to vector<16x1024xf32>
    %add3A_2040 = vector.broadcast %get3A_2038 : vector<1x1024xf32> to vector<16x1024xf32>
    %add3A_2041 = arith.addf %add3A_2039, %add3A_2040 : vector<16x1024xf32>
    %slice3A_2042 = vector.extract_strided_slice %dot_general3A_5 {offsets = [240, 1024], sizes = [16, 1024], strides = [1, 1]} : vector<256x8192xf32> to vector<16x1024xf32>
    %sub3A_2043 = arith.subf %add3A_2041, %slice3A_2042 : vector<16x1024xf32>
    %slice3A_2044 = vector.extract_strided_slice %get3A_8 {offsets = [0, 1024], sizes = [1, 1024], strides = [1, 1]} : vector<1x8192xf32> to vector<1x1024xf32>
    %lt3A_2045 = arith.cmpf olt, %sub3A_2043, %sub3A_2032 : vector<16x1024xf32>
    %broadcast_in_dim3A_2046 = vector.shape_cast %slice3A_2044 : vector<1x1024xf32> to vector<1x1024xf32>
    %broadcast_in_dim3A_2047 = vector.broadcast %broadcast_in_dim3A_2046 : vector<1x1024xf32> to vector<16x1024xf32>
    %select_n3A_2048 = arith.select %lt3A_2045, %broadcast_in_dim3A_2047, %broadcast_in_dim3A_2035 : vector<16x1024xi1>, vector<16x1024xf32>
    %min3A_2049 = arith.minimumf %sub3A_2043, %sub3A_2032 : vector<16x1024xf32>
    %get3A_2050 = arith.constant 0 : index
    %get3A_2051 = arith.constant 2048 : index
    %get3A_2052 = vector.load %arg4[%get3A_2050, %get3A_2051] : memref<1x8192xf32, #tpu.memory_space<vmem>>, vector<1x1024xf32>
    %add3A_2053 = vector.broadcast %get3A_2024 : vector<16x1xf32> to vector<16x1024xf32>
    %add3A_2054 = vector.broadcast %get3A_2052 : vector<1x1024xf32> to vector<16x1024xf32>
    %add3A_2055 = arith.addf %add3A_2053, %add3A_2054 : vector<16x1024xf32>
    %slice3A_2056 = vector.extract_strided_slice %dot_general3A_5 {offsets = [240, 2048], sizes = [16, 1024], strides = [1, 1]} : vector<256x8192xf32> to vector<16x1024xf32>
    %sub3A_2057 = arith.subf %add3A_2055, %slice3A_2056 : vector<16x1024xf32>
    %slice3A_2058 = vector.extract_strided_slice %get3A_8 {offsets = [0, 2048], sizes = [1, 1024], strides = [1, 1]} : vector<1x8192xf32> to vector<1x1024xf32>
    %lt3A_2059 = arith.cmpf olt, %sub3A_2057, %min3A_2049 : vector<16x1024xf32>
    %broadcast_in_dim3A_2060 = vector.shape_cast %slice3A_2058 : vector<1x1024xf32> to vector<1x1024xf32>
    %broadcast_in_dim3A_2061 = vector.broadcast %broadcast_in_dim3A_2060 : vector<1x1024xf32> to vector<16x1024xf32>
    %select_n3A_2062 = arith.select %lt3A_2059, %broadcast_in_dim3A_2061, %select_n3A_2048 : vector<16x1024xi1>, vector<16x1024xf32>
    %min3A_2063 = arith.minimumf %sub3A_2057, %min3A_2049 : vector<16x1024xf32>
    %get3A_2064 = arith.constant 0 : index
    %get3A_2065 = arith.constant 3072 : index
    %get3A_2066 = vector.load %arg4[%get3A_2064, %get3A_2065] : memref<1x8192xf32, #tpu.memory_space<vmem>>, vector<1x1024xf32>
    %add3A_2067 = vector.broadcast %get3A_2024 : vector<16x1xf32> to vector<16x1024xf32>
    %add3A_2068 = vector.broadcast %get3A_2066 : vector<1x1024xf32> to vector<16x1024xf32>
    %add3A_2069 = arith.addf %add3A_2067, %add3A_2068 : vector<16x1024xf32>
    %slice3A_2070 = vector.extract_strided_slice %dot_general3A_5 {offsets = [240, 3072], sizes = [16, 1024], strides = [1, 1]} : vector<256x8192xf32> to vector<16x1024xf32>
    %sub3A_2071 = arith.subf %add3A_2069, %slice3A_2070 : vector<16x1024xf32>
    %slice3A_2072 = vector.extract_strided_slice %get3A_8 {offsets = [0, 3072], sizes = [1, 1024], strides = [1, 1]} : vector<1x8192xf32> to vector<1x1024xf32>
    %lt3A_2073 = arith.cmpf olt, %sub3A_2071, %min3A_2063 : vector<16x1024xf32>
    %broadcast_in_dim3A_2074 = vector.shape_cast %slice3A_2072 : vector<1x1024xf32> to vector<1x1024xf32>
    %broadcast_in_dim3A_2075 = vector.broadcast %broadcast_in_dim3A_2074 : vector<1x1024xf32> to vector<16x1024xf32>
    %select_n3A_2076 = arith.select %lt3A_2073, %broadcast_in_dim3A_2075, %select_n3A_2062 : vector<16x1024xi1>, vector<16x1024xf32>
    %min3A_2077 = arith.minimumf %sub3A_2071, %min3A_2063 : vector<16x1024xf32>
    %get3A_2078 = arith.constant 0 : index
    %get3A_2079 = arith.constant 4096 : index
    %get3A_2080 = vector.load %arg4[%get3A_2078, %get3A_2079] : memref<1x8192xf32, #tpu.memory_space<vmem>>, vector<1x1024xf32>
    %add3A_2081 = vector.broadcast %get3A_2024 : vector<16x1xf32> to vector<16x1024xf32>
    %add3A_2082 = vector.broadcast %get3A_2080 : vector<1x1024xf32> to vector<16x1024xf32>
    %add3A_2083 = arith.addf %add3A_2081, %add3A_2082 : vector<16x1024xf32>
    %slice3A_2084 = vector.extract_strided_slice %dot_general3A_5 {offsets = [240, 4096], sizes = [16, 1024], strides = [1, 1]} : vector<256x8192xf32> to vector<16x1024xf32>
    %sub3A_2085 = arith.subf %add3A_2083, %slice3A_2084 : vector<16x1024xf32>
    %slice3A_2086 = vector.extract_strided_slice %get3A_8 {offsets = [0, 4096], sizes = [1, 1024], strides = [1, 1]} : vector<1x8192xf32> to vector<1x1024xf32>
    %lt3A_2087 = arith.cmpf olt, %sub3A_2085, %min3A_2077 : vector<16x1024xf32>
    %broadcast_in_dim3A_2088 = vector.shape_cast %slice3A_2086 : vector<1x1024xf32> to vector<1x1024xf32>
    %broadcast_in_dim3A_2089 = vector.broadcast %broadcast_in_dim3A_2088 : vector<1x1024xf32> to vector<16x1024xf32>
    %select_n3A_2090 = arith.select %lt3A_2087, %broadcast_in_dim3A_2089, %select_n3A_2076 : vector<16x1024xi1>, vector<16x1024xf32>
    %min3A_2091 = arith.minimumf %sub3A_2085, %min3A_2077 : vector<16x1024xf32>
    %get3A_2092 = arith.constant 0 : index
    %get3A_2093 = arith.constant 5120 : index
    %get3A_2094 = vector.load %arg4[%get3A_2092, %get3A_2093] : memref<1x8192xf32, #tpu.memory_space<vmem>>, vector<1x1024xf32>
    %add3A_2095 = vector.broadcast %get3A_2024 : vector<16x1xf32> to vector<16x1024xf32>
    %add3A_2096 = vector.broadcast %get3A_2094 : vector<1x1024xf32> to vector<16x1024xf32>
    %add3A_2097 = arith.addf %add3A_2095, %add3A_2096 : vector<16x1024xf32>
    %slice3A_2098 = vector.extract_strided_slice %dot_general3A_5 {offsets = [240, 5120], sizes = [16, 1024], strides = [1, 1]} : vector<256x8192xf32> to vector<16x1024xf32>
    %sub3A_2099 = arith.subf %add3A_2097, %slice3A_2098 : vector<16x1024xf32>
    %slice3A_2100 = vector.extract_strided_slice %get3A_8 {offsets = [0, 5120], sizes = [1, 1024], strides = [1, 1]} : vector<1x8192xf32> to vector<1x1024xf32>
    %lt3A_2101 = arith.cmpf olt, %sub3A_2099, %min3A_2091 : vector<16x1024xf32>
    %broadcast_in_dim3A_2102 = vector.shape_cast %slice3A_2100 : vector<1x1024xf32> to vector<1x1024xf32>
    %broadcast_in_dim3A_2103 = vector.broadcast %broadcast_in_dim3A_2102 : vector<1x1024xf32> to vector<16x1024xf32>
    %select_n3A_2104 = arith.select %lt3A_2101, %broadcast_in_dim3A_2103, %select_n3A_2090 : vector<16x1024xi1>, vector<16x1024xf32>
    %min3A_2105 = arith.minimumf %sub3A_2099, %min3A_2091 : vector<16x1024xf32>
    %get3A_2106 = arith.constant 0 : index
    %get3A_2107 = arith.constant 6144 : index
    %get3A_2108 = vector.load %arg4[%get3A_2106, %get3A_2107] : memref<1x8192xf32, #tpu.memory_space<vmem>>, vector<1x1024xf32>
    %add3A_2109 = vector.broadcast %get3A_2024 : vector<16x1xf32> to vector<16x1024xf32>
    %add3A_2110 = vector.broadcast %get3A_2108 : vector<1x1024xf32> to vector<16x1024xf32>
    %add3A_2111 = arith.addf %add3A_2109, %add3A_2110 : vector<16x1024xf32>
    %slice3A_2112 = vector.extract_strided_slice %dot_general3A_5 {offsets = [240, 6144], sizes = [16, 1024], strides = [1, 1]} : vector<256x8192xf32> to vector<16x1024xf32>
    %sub3A_2113 = arith.subf %add3A_2111, %slice3A_2112 : vector<16x1024xf32>
    %slice3A_2114 = vector.extract_strided_slice %get3A_8 {offsets = [0, 6144], sizes = [1, 1024], strides = [1, 1]} : vector<1x8192xf32> to vector<1x1024xf32>
    %lt3A_2115 = arith.cmpf olt, %sub3A_2113, %min3A_2105 : vector<16x1024xf32>
    %broadcast_in_dim3A_2116 = vector.shape_cast %slice3A_2114 : vector<1x1024xf32> to vector<1x1024xf32>
    %broadcast_in_dim3A_2117 = vector.broadcast %broadcast_in_dim3A_2116 : vector<1x1024xf32> to vector<16x1024xf32>
    %select_n3A_2118 = arith.select %lt3A_2115, %broadcast_in_dim3A_2117, %select_n3A_2104 : vector<16x1024xi1>, vector<16x1024xf32>
    %min3A_2119 = arith.minimumf %sub3A_2113, %min3A_2105 : vector<16x1024xf32>
    %get3A_2120 = arith.constant 0 : index
    %get3A_2121 = arith.constant 7168 : index
    %get3A_2122 = vector.load %arg4[%get3A_2120, %get3A_2121] : memref<1x8192xf32, #tpu.memory_space<vmem>>, vector<1x1024xf32>
    %add3A_2123 = vector.broadcast %get3A_2024 : vector<16x1xf32> to vector<16x1024xf32>
    %add3A_2124 = vector.broadcast %get3A_2122 : vector<1x1024xf32> to vector<16x1024xf32>
    %add3A_2125 = arith.addf %add3A_2123, %add3A_2124 : vector<16x1024xf32>
    %slice3A_2126 = vector.extract_strided_slice %dot_general3A_5 {offsets = [240, 7168], sizes = [16, 1024], strides = [1, 1]} : vector<256x8192xf32> to vector<16x1024xf32>
    %sub3A_2127 = arith.subf %add3A_2125, %slice3A_2126 : vector<16x1024xf32>
    %slice3A_2128 = vector.extract_strided_slice %get3A_8 {offsets = [0, 7168], sizes = [1, 1024], strides = [1, 1]} : vector<1x8192xf32> to vector<1x1024xf32>
    %lt3A_2129 = arith.cmpf olt, %sub3A_2127, %min3A_2119 : vector<16x1024xf32>
    %broadcast_in_dim3A_2130 = vector.shape_cast %slice3A_2128 : vector<1x1024xf32> to vector<1x1024xf32>
    %broadcast_in_dim3A_2131 = vector.broadcast %broadcast_in_dim3A_2130 : vector<1x1024xf32> to vector<16x1024xf32>
    %select_n3A_2132 = arith.select %lt3A_2129, %broadcast_in_dim3A_2131, %select_n3A_2118 : vector<16x1024xi1>, vector<16x1024xf32>
    %min3A_2133 = arith.minimumf %sub3A_2127, %min3A_2119 : vector<16x1024xf32>
    %reduce_min3A_2134 = arith.constant dense<0x7F800000> : vector<16xf32>
    %reduce_min3A_2135 = vector.multi_reduction <minimumf>, %min3A_2133, %reduce_min3A_2134 [1] : vector<16x1024xf32> to vector<16xf32>
    %broadcast_in_dim3A_2136 = vector.shape_cast %reduce_min3A_2135 : vector<16xf32> to vector<16x1xf32>
    %eq3A_2137 = vector.broadcast %broadcast_in_dim3A_2136 : vector<16x1xf32> to vector<16x1024xf32>
    %eq3A_2138 = arith.cmpf oeq, %min3A_2133, %eq3A_2137 : vector<16x1024xf32>
    %jit3A_2139 = arith.constant 8.192000e+03 : f32
    %broadcast_in_dim3A_2140 = vector.broadcast %jit3A_2139 : f32 to vector<16x1024xf32>
    %select_n3A_2141 = arith.select %eq3A_2138, %select_n3A_2132, %broadcast_in_dim3A_2140 : vector<16x1024xi1>, vector<16x1024xf32>
    %reduce_min3A_2142 = arith.constant dense<0x7F800000> : vector<16xf32>
    %reduce_min3A_2143 = vector.multi_reduction <minimumf>, %select_n3A_2141, %reduce_min3A_2142 [1] : vector<16x1024xf32> to vector<16xf32>
    %add3A_2144 = arith.addf %add3A_2009, %broadcast_in_dim3A_2136 : vector<16x1xf32>
    %broadcast_in_dim3A_2145 = vector.shape_cast %reduce_min3A_2143 : vector<16xf32> to vector<16x1xf32>
    %eq3A_2146 = vector.broadcast %get3A_8 : vector<1x8192xf32> to vector<16x8192xf32>
    %eq3A_2147 = vector.broadcast %broadcast_in_dim3A_2145 : vector<16x1xf32> to vector<16x8192xf32>
    %eq3A_2148 = arith.cmpf oeq, %eq3A_2146, %eq3A_2147 : vector<16x8192xf32>
    %jit3A_2149 = arith.constant 1.000000e+00 : f32
    %jit3A_2150 = arith.constant 0.000000e+00 : f32
    %broadcast_in_dim3A_2151 = vector.broadcast %jit3A_2149 : f32 to vector<16x8192xf32>
    %broadcast_in_dim3A_2152 = vector.broadcast %jit3A_2150 : f32 to vector<16x8192xf32>
    %select_n3A_2153 = arith.select %eq3A_2148, %broadcast_in_dim3A_2151, %broadcast_in_dim3A_2152 : vector<16x8192xi1>, vector<16x8192xf32>
    %swap3A_2154 = arith.constant 240 : index
    %swap3A_2155 = arith.constant 0 : index
    %swap3A_2156 = vector.load %arg8[%swap3A_2154, %swap3A_2155] : memref<256x8192xf32, #tpu.memory_space<vmem>>, vector<16x8192xf32>
    tpu.vector_store %arg8[%swap3A_2154, %swap3A_2155], %select_n3A_2153 {strides = array<i32>} : memref<256x8192xf32, #tpu.memory_space<vmem>>, vector<16x8192xf32>,
    %concatenate3A = tpu.concatenate %reduce_min3A_120, %reduce_min3A_253, %reduce_min3A_388, %reduce_min3A_523, %reduce_min3A_658, %reduce_min3A_793, %reduce_min3A_928, %reduce_min3A_1063, %reduce_min3A_1198, %reduce_min3A_1333, %reduce_min3A_1468, %reduce_min3A_1603, %reduce_min3A_1738, %reduce_min3A_1873, %reduce_min3A_2008, %reduce_min3A_2143 in 0 : vector<16xf32>, vector<16xf32>, vector<16xf32>, vector<16xf32>, vector<16xf32>, vector<16xf32>, vector<16xf32>, vector<16xf32>, vector<16xf32>, vector<16xf32>, vector<16xf32>, vector<16xf32>, vector<16xf32>, vector<16xf32>, vector<16xf32>, vector<16xf32> -> vector<256xf32>
    %convert_element_type3A = arith.fptosi %concatenate3A : vector<256xf32> to vector<256xi32>
    %reshape3A = vector.shape_cast %convert_element_type3A : vector<256xi32> to vector<1x256xi32>
    %swap3A_2157 = arith.constant 0 : index
    %swap3A_2158 = arith.constant 0 : index
    %swap3A_2159 = vector.load %arg7[%swap3A_2157, %swap3A_2158] : memref<1x256xi32, #tpu.memory_space<vmem>>, vector<1x256xi32>
    tpu.vector_store %arg7[%swap3A_2157, %swap3A_2158], %reshape3A {strides = array<i32>} : memref<1x256xi32, #tpu.memory_space<vmem>>, vector<1x256xi32>,
    %eq3A_2160 = arith.constant 0 : i32
    %eq3A_2161 = arith.cmpi eq, %arg0, %eq3A_2160 : i32
    %convert_element_type3A_2162 = arith.extui %eq3A_2161 : i1 to i32
    %cond3A = arith.constant 0 : i32
    %cond3A_2163 = arith.cmpi ne, %convert_element_type3A_2162, %cond3A : i32
    scf.if %cond3A_2163 {
      %broadcast_in_dim3A_2196 = arith.constant 0.000000e+00 : f32
      %broadcast_in_dim3A_2197 = vector.broadcast %broadcast_in_dim3A_2196 : f32 to vector<1x8192xf32>
      %swap3A_2198 = arith.constant 0 : index
      %swap3A_2199 = arith.constant 0 : index
      %swap3A_2200 = vector.load %arg9[%swap3A_2198, %swap3A_2199] : memref<1x8192xf32, #tpu.memory_space<vmem>>, vector<1x8192xf32>
      tpu.vector_store %arg9[%swap3A_2198, %swap3A_2199], %broadcast_in_dim3A_2197 {strides = array<i32>} : memref<1x8192xf32, #tpu.memory_space<vmem>>, vector<1x8192xf32>,
      %broadcast_in_dim3A_2201 = arith.constant 0.000000e+00 : f32
      %broadcast_in_dim3A_2202 = vector.broadcast %broadcast_in_dim3A_2201 : f32 to vector<1x1xf32>
      %swap3A_2203 = arith.constant 0 : index
      %swap3A_2204 = arith.constant 0 : index
      %swap3A_2205 = vector.load %arg12[%swap3A_2203, %swap3A_2204] : memref<1x1xf32, #tpu.memory_space<vmem>>, vector<1x1xf32>
      tpu.vector_store %arg12[%swap3A_2203, %swap3A_2204], %broadcast_in_dim3A_2202 {strides = array<i32>} : memref<1x1xf32, #tpu.memory_space<vmem>>, vector<1x1xf32>,
    } else {
    }
    %get3A_2164 = arith.constant 0 : index
    %get3A_2165 = arith.constant 0 : index
    %get3A_2166 = vector.load %arg9[%get3A_2164, %get3A_2165] : memref<1x8192xf32, #tpu.memory_space<vmem>>, vector<1x8192xf32>
    %get3A_2167 = arith.constant 0 : index
    %get3A_2168 = arith.constant 0 : index
    %get3A_2169 = vector.load %arg6[%get3A_2167, %get3A_2168] : memref<1x256xf32, #tpu.memory_space<vmem>>, vector<1x256xf32>
    %get3A_2170 = arith.constant 0 : index
    %get3A_2171 = arith.constant 0 : index
    %get3A_2172 = vector.load %arg8[%get3A_2170, %get3A_2171] : memref<256x8192xf32, #tpu.memory_space<vmem>>, vector<256x8192xf32>
    %dot_general3A_2173 = arith.constant dense<0.000000e+00> : vector<1x8192xf32>
    %dot_general3A_2174 = tpu.matmul %get3A_2169, %get3A_2172, %dot_general3A_2173 {dimension_numbers = #tpu.dot_dimension_numbers<[1], [0], [0], [1], [0, 0, 1, 1], [], []>, transpose_lhs_hint = false} : vector<1x256xf32>, vector<256x8192xf32>, vector<1x8192xf32> -> vector<1x8192xf32>
    %add3A_2175 = arith.addf %get3A_2166, %dot_general3A_2174 : vector<1x8192xf32>
    %swap3A_2176 = arith.constant 0 : index
    %swap3A_2177 = arith.constant 0 : index
    %swap3A_2178 = vector.load %arg9[%swap3A_2176, %swap3A_2177] : memref<1x8192xf32, #tpu.memory_space<vmem>>, vector<1x8192xf32>
    tpu.vector_store %arg9[%swap3A_2176, %swap3A_2177], %add3A_2175 {strides = array<i32>} : memref<1x8192xf32, #tpu.memory_space<vmem>>, vector<1x8192xf32>,
    %get3A_2179 = arith.constant 0 : index
    %get3A_2180 = arith.constant 0 : index
    %get3A_2181 = vector.load %arg12[%get3A_2179, %get3A_2180] : memref<1x1xf32, #tpu.memory_space<vmem>>, vector<1x1xf32>
    %reduce_sum3A = vector.shape_cast %add3A_2144 : vector<16x1xf32> to vector<1x16x1xf32>
    %reduce_sum3A_2182 = arith.constant dense<0.000000e+00> : vector<1xf32>
    %reduce_sum3A_2183 = vector.multi_reduction <add>, %reduce_sum3A, %reduce_sum3A_2182 [1, 2] : vector<1x16x1xf32> to vector<1xf32>
    %reduce_sum3A_2184 = vector.shape_cast %reduce_sum3A_2183 : vector<1xf32> to vector<1x1x1xf32>
    %reduce_sum3A_2185 = vector.extract %reduce_sum3A_2184[0, 0, 0] : f32 from vector<1x1x1xf32>
    %reshape3A_2186 = vector.broadcast %reduce_sum3A_2185 : f32 to vector<1x1xf32>
    %add3A_2187 = arith.addf %get3A_2181, %reshape3A_2186 : vector<1x1xf32>
    %swap3A_2188 = arith.constant 0 : index
    %swap3A_2189 = arith.constant 0 : index
    %swap3A_2190 = vector.load %arg12[%swap3A_2188, %swap3A_2189] : memref<1x1xf32, #tpu.memory_space<vmem>>, vector<1x1xf32>
    tpu.vector_store %arg12[%swap3A_2188, %swap3A_2189], %add3A_2187 {strides = array<i32>} : memref<1x1xf32, #tpu.memory_space<vmem>>, vector<1x1xf32>,
    %eq3A_2191 = arith.constant 31 : i32
    %eq3A_2192 = arith.cmpi eq, %arg0, %eq3A_2191 : i32
    %convert_element_type3A_2193 = arith.extui %eq3A_2192 : i1 to i32
    %cond3A_2194 = arith.constant 0 : i32
    %cond3A_2195 = arith.cmpi ne, %convert_element_type3A_2193, %cond3A_2194 : i32
    scf.if %cond3A_2195 {
      %get3A_2196 = arith.constant 0 : index
      %get3A_2197 = arith.constant 0 : index
      %get3A_2198 = vector.load %arg12[%get3A_2196, %get3A_2197] : memref<1x1xf32, #tpu.memory_space<vmem>>, vector<1x1xf32>
      %get3A_2199 = vector.extract %get3A_2198[0, 0] : f32 from vector<1x1xf32>
      %mul3A = arith.constant 4.76837158E-7 : f32
      %mul3A_2200 = arith.mulf %get3A_2199, %mul3A : f32
      %mul3A_2201 = arith.constant 2.500000e-01 : f32
      %mul3A_2202 = arith.mulf %mul3A_2201, %mul3A_2200 : f32
      %add3A_2203 = arith.addf %mul3A_2200, %mul3A_2202 : f32
      %reshape3A_2204 = vector.broadcast %add3A_2203 : f32 to vector<1x1xf32>
      %swap3A_2205 = arith.constant 0 : index
      %swap3A_2206 = arith.constant 0 : index
      %swap3A_2207 = vector.load %arg10[%swap3A_2205, %swap3A_2206] : memref<1x1xf32, #tpu.memory_space<vmem>>, vector<1x1xf32>
      tpu.vector_store %arg10[%swap3A_2205, %swap3A_2206], %reshape3A_2204 {strides = array<i32>} : memref<1x1xf32, #tpu.memory_space<vmem>>, vector<1x1xf32>,
      %get3A_2208 = arith.constant 0 : index
      %get3A_2209 = arith.constant 0 : index
      %get3A_2210 = vector.load %arg9[%get3A_2208, %get3A_2209] : memref<1x8192xf32, #tpu.memory_space<vmem>>, vector<1x8192xf32>
      %mul3A_2211 = arith.constant 1.22070313E-4 : f32
      %mul3A_2212 = vector.broadcast %mul3A_2211 : f32 to vector<1x8192xf32>
      %mul3A_2213 = arith.mulf %get3A_2210, %mul3A_2212 : vector<1x8192xf32>
      %add3A_2214 = arith.constant 1.000000e-10 : f32
      %add3A_2215 = vector.broadcast %add3A_2214 : f32 to vector<1x8192xf32>
      %add3A_2216 = arith.addf %mul3A_2213, %add3A_2215 : vector<1x8192xf32>
      %log3A = math.log %add3A_2216 : vector<1x8192xf32>
      %mul3A_2217 = arith.mulf %mul3A_2213, %log3A : vector<1x8192xf32>
      %reduce_sum3A_2218 = vector.shape_cast %mul3A_2217 : vector<1x8192xf32> to vector<1x1x8192xf32>
      %reduce_sum3A_2219 = arith.constant dense<0.000000e+00> : vector<1xf32>
      %reduce_sum3A_2220 = vector.multi_reduction <add>, %reduce_sum3A_2218, %reduce_sum3A_2219 [1, 2] : vector<1x1x8192xf32> to vector<1xf32>
      %reduce_sum3A_2221 = vector.shape_cast %reduce_sum3A_2220 : vector<1xf32> to vector<1x1x1xf32>
      %reduce_sum3A_2222 = vector.extract %reduce_sum3A_2221[0, 0, 0] : f32 from vector<1x1x1xf32>
      %neg3A = arith.constant 0.000000e+00 : f32
      %neg3A_2223 = arith.subf %neg3A, %reduce_sum3A_2222 : f32
      %exp3A = math.exp %neg3A_2223 : f32
      %reshape3A_2224 = vector.broadcast %exp3A : f32 to vector<1x1xf32>
      %swap3A_2225 = arith.constant 0 : index
      %swap3A_2226 = arith.constant 0 : index
      %swap3A_2227 = vector.load %arg11[%swap3A_2225, %swap3A_2226] : memref<1x1xf32, #tpu.memory_space<vmem>>, vector<1x1xf32>
      tpu.vector_store %arg11[%swap3A_2225, %swap3A_2226], %reshape3A_2224 {strides = array<i32>} : memref<1x1xf32, #tpu.memory_space<vmem>>, vector<1x1xf32>,
    } else {
    }
    return
  }
  func.func @transform_0(%arg0: i32) -> (i32, i32) {
    %c0_i32 = arith.constant 0 : i32
    %c0_i32_0 = arith.constant 0 : i32
    return %arg0, %c0_i32 : i32, i32
  }
  func.func @transform_1(%arg0: i32) -> (i32, i32) {
    %c0_i32 = arith.constant 0 : i32
    %c0_i32_0 = arith.constant 0 : i32
    return %arg0, %c0_i32 : i32, i32
  }
  func.func @transform_2(%arg0: i32) -> (i32, i32) {
    %c0_i32 = arith.constant 0 : i32
    %c0_i32_0 = arith.constant 0 : i32
    %c0_i32_1 = arith.constant 0 : i32
    return %c0_i32, %c0_i32_0 : i32, i32
  }
  func.func @transform_3(%arg0: i32) -> (i32, i32) {
    %c0_i32 = arith.constant 0 : i32
    %c0_i32_0 = arith.constant 0 : i32
    %c0_i32_1 = arith.constant 0 : i32
    return %c0_i32, %c0_i32_0 : i32, i32
  }
  func.func @transform_4(%arg0: i32) -> (i32, i32) {
    %c0_i32 = arith.constant 0 : i32
    %c0_i32_0 = arith.constant 0 : i32
    %c0_i32_1 = arith.constant 0 : i32
    return %c0_i32, %c0_i32_0 : i32, i32
  }
  func.func @transform_5(%arg0: i32) -> (i32, i32) {
    %c0_i32 = arith.constant 0 : i32
    %c0_i32_0 = arith.constant 0 : i32
    %c0_i32_1 = arith.constant 0 : i32
    return %c0_i32, %c0_i32_0 : i32, i32
  }
  func.func @transform_6(%arg0: i32) -> (i32, i32) {
    %c0_i32 = arith.constant 0 : i32
    %c0_i32_0 = arith.constant 0 : i32
    return %c0_i32, %arg0 : i32, i32
  }
  func.func @transform_7(%arg0: i32) -> (i32, i32) {
    %c0_i32 = arith.constant 0 : i32
    %c0_i32_0 = arith.constant 0 : i32
    return %arg0, %c0_i32 : i32, i32
  }
  func.func @transform_8(%arg0: i32) -> (i32, i32) {
    %c0_i32 = arith.constant 0 : i32
    %c0_i32_0 = arith.constant 0 : i32
    %c0_i32_1 = arith.constant 0 : i32
    return %c0_i32, %c0_i32_0 : i32, i32
  }
  func.func @transform_9(%arg0: i32) -> (i32, i32) {
    %c0_i32 = arith.constant 0 : i32
    %c0_i32_0 = arith.constant 0 : i32
    %c0_i32_1 = arith.constant 0 : i32
    return %c0_i32, %c0_i32_0 : i32, i32
  }
  func.func @transform_10(%arg0: i32) -> (i32, i32) {
    %c0_i32 = arith.constant 0 : i32
    %c0_i32_0 = arith.constant 0 : i32
    %c0_i32_1 = arith.constant 0 : i32
    return %c0_i32, %c0_i32_0 : i32, i32
  }
}

</mosaic_0001>

<sc_bundles>
// kernel: kernel.4.cloned.1.call-start
scs
__scs_entry_jumppad:
0x0: {  	(pc) =	sbr.rel $0x88, $3  }
0x1: {  	(tag) =	ssettag $0x0;
	lr =	simm.s32 $0x1  }
0x2: {  	[smem:$0x3F9F] =	sst lr;
	_ =	strace $0xD0000000  }
0x3: {  	_ = 	snop  }
0x4: {  	_ = 	snop  }
0x5: {  	_ = 	snop  }
0x6: {  	_ = 	snop  }
0x7: {  	_ = 	snop  }
__scs_overlays_trampoline_lowered:
0x8: {  	[smem:$0x3FAE] =	sst s0  }
0x9: {  	[smem:$0x3FAF] =	sst s1  }
0xa: {  	[smem:$0x3FB0] =	sst s2  }
0xb: {  	[smem:$0x3FB1] =	sst s3  }
0xc: {  	[smem:$0x3FB2] =	sst s4  }
0xd: {  	[smem:$0x3FB3] =	sst s5  }
0xe: {  	[smem:$0x3FB4] =	sst s6  }
0xf: {  	[smem:$0x3FB5] =	sst s7  }
0x10: {  	[smem:$0x3FB6] =	sst s8  }
0x11: {  	[smem:$0x3FB7] =	sst s9;
	s0 =	simm.s32 @!p0 $0x0  }
0x12: {  	s1 =	sld [smem:$0x3F9D];
	s0 =	simm.s32 @p0 $0x1  }
0x13: {  	[smem:$0x3FB8] =	sst s0;
	s0 =	simm.s32 @!p1 $0x0  }
0x14: {  	s2 =	sld [smem:$0x3F9C];
	s0 =	simm.s32 @p1 $0x1  }
0x15: {  	[smem:$0x3FB9] =	sst s0;
	s0 =	simm.s32 @!p2 $0x0  }
0x16: {  	s3 =	sld [smem:$0x3FDB];
	s0 =	simm.s32 @p2 $0x1  }
0x17: {  	s4 =	simm.s32 $0x1BF5;
	[smem:$0x3FBB] =	sst s0  }
0x18: {  	s0 =	sld [smem:$0x3F9E];
	_ =	swait.ge [sflag:s4], $0x0  }
0x19: {  	s7 =	sld [smem:$0x3F9F]  }
0x1a: {  	s8 =	sadd.s32 $0xFFFFE003, lr  }
0x1b: {  	s9 =	sadd.s32 $0xFFFFFEF7, lr;
	s5 =	simm.s32 $0xFFFFFFFF;
	p2 =	slt.u32 s8, $0xFFFFF086  }
0x1c: {  	p1 =	slt.u32 s9, $0xF7A;
	s5 =	simm.s32 @!p2 $0x0  }
0x1d: {  	s5 =	simm.s32 @p1 $0x1;
	p0 =	seq.s32 s7, s2  }
0x1e: {  	s7 =	smul.u32 @!p0 $0xF7A, s2;
	p2 =	seq.s32 @!p0 s5, $0x0  }
0x1f: {  	s9 =	smul.u32 $0xF7A, s1;
	s8 =	simm.s32 @!p0 $0x1BF5;
	p2 =	por !p2, p0  }
0x20: {  	[sflag:s8] =	ssyncset.s32 @!p0 $0xFFFFF086;
	s6 =	sadd.s32 @!p0 s3, s7;
	s7 =	simm.s32 @!p0 $0x108  }
0x21: {  	s3 =	sadd.s32 s3, s9;
	s6 =	sadd.s32 @!p0 $0x88, s6;
	s7 =	simm.s32 @p2 $0x1082  }
0x22: {  	[simem:s7], [sflag:s8] =	dma.local @!p0 [hbm:s6], $0xF7A  }
0x23: {  	s9 =	sor.u32 $0xD0000000, s2;
	s6 =	simm.s32 $0x108;
	_ =	swait.ge @!p0 [sflag:s8], $0x0  }
0x24: {  	s3 =	sadd.s32 $0x88, s3;
	s6 =	simm.s32 @!p1 $0x1082;
	[sflag:s4] =	ssyncset.s32 $0xFFFFF086  }
0x25: {  	[simem:s6], [sflag:s4] =	dma.local [hbm:s3], $0xF7A  }
0x26: {  	[smem:$0x3F9F] =	sst s1;
	(tag) =	ssettag s2;
	_ =	strace s9  }
0x27: {  	s1 =	sld [smem:$0x3FAF]  }
0x28: {  	s2 =	sld [smem:$0x3FB0]  }
0x29: {  	s4 =	sld [smem:$0x3FB2]  }
0x2a: {  	p0 =	seq.s32 s5, $0x0;
	s5 =	sld [smem:$0x3FB3]  }
0x2b: {  	s6 =	sld [smem:$0x3FB4]  }
0x2c: {  	s7 =	sld [smem:$0x3FB5]  }
0x2d: {  	s3 =	simm.s32 $0x108;
	s8 =	sld [smem:$0x3FB6]  }
0x2e: {  	s3 =	simm.s32 @!p0 $0x1082;
	s9 =	sld [smem:$0x3FB7]  }
0x2f: {  	lr =	sadd.s32 s0, s3;
	s0 =	sld [smem:$0x3FAE]  }
0x30: {  	s3 =	sld [smem:$0x3FB1]  }
0x31: {  	[smem:$0x3FBA] =	sst s10  }
0x32: {  	s10 =	sld [smem:$0x3FB8];
	_ =	sdelay $0x3  }
0x33: {  	p0 =	seq.s32 s10, $0x1;
	s10 =	sld [smem:$0x3FBA];
	_ =	sdelay $0x3  }
0x34: {  	[smem:$0x3FBA] =	sst s10  }
0x35: {  	s10 =	sld [smem:$0x3FB9];
	_ =	sdelay $0x3  }
0x36: {  	p1 =	seq.s32 s10, $0x1;
	s10 =	sld [smem:$0x3FBA];
	_ =	sdelay $0x3  }
0x37: {  	[smem:$0x3FBA] =	sst s10  }
0x38: {  	s10 =	sld [smem:$0x3FBB]  }
0x39: {  	_ = 	snop;
	(pc) =	sbr.ind lr, $3  }
0x3a: {  	_ = 	snop  }
0x3b: {  	_ = 	snop  }
0x3c: {  	p2 =	seq.s32 s10, $0x1;
	s10 =	sld [smem:$0x3FBA]  }
0x3d: {  	_ =	shalt  }
0x3e: {  	_ =	shalt  }
0x3f: {  	_ =	shalt  }
0x40: {  	_ =	shalt  }
0x41: {  	_ =	shalt  }
0x42: {  	_ =	shalt  }
0x43: {  	_ =	shalt  }
0x44: {  	_ =	shalt  }
0x45: {  	_ =	shalt  }
0x46: {  	_ =	shalt  }
0x47: {  	_ =	shalt  }
0x48: {  	_ =	shalt  }
0x49: {  	_ =	shalt  }
0x4a: {  	_ =	shalt  }
0x4b: {  	_ =	shalt  }
0x4c: {  	_ =	shalt  }
0x4d: {  	_ =	shalt  }
0x4e: {  	_ =	shalt  }
0x4f: {  	_ =	shalt  }
0x50: {  	_ =	shalt  }
0x51: {  	_ =	shalt  }
0x52: {  	_ =	shalt  }
0x53: {  	_ =	shalt  }
0x54: {  	_ =	shalt  }
0x55: {  	_ =	shalt  }
0x56: {  	_ =	shalt  }
0x57: {  	_ =	shalt  }
0x58: {  	_ =	shalt  }
0x59: {  	_ =	shalt  }
0x5a: {  	_ =	shalt  }
0x5b: {  	_ =	shalt  }
0x5c: {  	_ =	shalt  }
0x5d: {  	_ =	shalt  }
0x5e: {  	_ =	shalt  }
0x5f: {  	_ =	shalt  }
0x60: {  	_ =	shalt  }
0x61: {  	_ =	shalt  }
0x62: {  	_ =	shalt  }
0x63: {  	_ =	shalt  }
0x64: {  	_ =	shalt  }
0x65: {  	_ =	shalt  }
0x66: {  	_ =	shalt  }
0x67: {  	_ =	shalt  }
0x68: {  	_ =	shalt  }
0x69: {  	_ =	shalt  }
0x6a: {  	_ =	shalt  }
0x6b: {  	_ =	shalt  }
0x6c: {  	_ =	shalt  }
0x6d: {  	_ =	shalt  }
0x6e: {  	_ =	shalt  }
0x6f: {  	_ =	shalt  }
0x70: {  	_ =	shalt  }
0x71: {  	_ =	shalt  }
0x72: {  	_ =	shalt  }
0x73: {  	_ =	shalt  }
0x74: {  	_ =	shalt  }
0x75: {  	_ =	shalt  }
0x76: {  	_ =	shalt  }
0x77: {  	_ =	shalt  }
0x78: {  	_ =	shalt  }
0x79: {  	_ =	shalt  }
0x7a: {  	_ =	shalt  }
0x7b: {  	_ =	shalt  }
0x7c: {  	_ =	shalt  }
0x7d: {  	_ =	shalt  }
0x7e: {  	_ =	shalt  }
0x7f: {  	_ =	shalt  }
0x80: {  	_ =	shalt  }
0x81: {  	_ =	shalt  }
0x82: {  	_ =	shalt  }
0x83: {  	_ =	shalt  }
0x84: {  	_ =	shalt  }
0x85: {  	_ =	shalt  }
0x86: {  	_ =	shalt  }
0x87: {  	_ =	shalt  }
.Lfunc_end0:
.L_simem_size_0:
called_computation_lowered:
.L_overlay_start_0:
0x88: {  	s2 =	sld [smem:$0x3FD9]  }
0x89: {  	s3 =	sld [smem:$0x3FFE];
	_ =	sdelay $0x1  }
0x8a: {  	s1 =	srdreg.scid  }
0x8b: {  	s0 =	sand.u32 $0x1, s1  }
0x8c: {  	s14 =	sshll.u32 s0, $0xA;
	s2 =	sadd.s32 s3, s2  }
0x8d: {  	s2 =	sadd.s32 s2, s14  }
0x8e: {  	[smem:$0x3FC6] =	sst s2  }
0x8f: {  	_ = 	snop  }
0x90: {  	s2 =	sld [smem:$0x3FD0];
	_ =	sdelay $0x2  }
0x91: {  	s4 =	simm.s32 $0xA;
	s5 =	simm.s32 $0x10;
	s15 =	sld [smem:$0x3FC8]  }
0x92: {  	[smem:s5], [sflag:s4] =	dma.local [hbm:s2], $0x1  }
0x93: {  	_ =	swait.eq [sflag:s4], $0x1  }
0x94: {  	[sflag:s4] =	ssyncset.done $0x0  }
0x95: {  	[sflag:s4] =	ssyncadd.s32 $0xFFFFFFFF  }
0x96: {  	s16 =	sld [smem:$0x11];
	(tm) =	ssettm $0x1  }
0x97: {  	s17 =	sld [smem:$0x3FFB];
	_ =	sdelay $0x3  }
0x98: {  	_ =	strace s17  }
0x99: {  	s4 =	sld [smem:$0x3FFC];
	_ =	sdelay $0x3  }
0x9a: {  	_ =	strace s4  }
0x9b: {  	s4 =	sld [smem:$0x3FFD];
	_ =	sdelay $0x3  }
0x9c: {  	_ =	strace s4  }
0x9d: {  	_ =	strace $0x8FFFFFFF  }
0x9e: {  	s18 =	sld [smem:$0x3FDB];
	_ =	sdelay $0x1  }
0x9f: {  	s19 =	simm.s32 $_scs_section_size  }
0xa0: {  	s6 =	simm.s32 $_size__tile_overlayer_lowered;
	s7 =	simm.s32 $_tile_overlayer_lowered  }
0xa1: {  	s22 =	simm.s32 $0x1BFF;
	s21 =	sshll.u32 s7, $0x1;
	s4 =	sadd.s32 s19, s18  }
0xa2: {  	s8 =	simm.s32 $0x0;
	s20 =	sshll.u32 s6, $0x1;
	s6 =	sadd.s32 s21, s4  }
0xa3: {  	[timem:s8], [sflag:s22] =	dma.local [hbm:s6], s20  }
0xa4: {  	_ =	swait.ge [sflag:s22], s20  }
0xa5: {  	s5 =	ssub.s32 $0x0, s20;
	[sflag:s22] =	ssyncset.done $0x0  }
0xa6: {  	[sflag:s22] =	ssyncadd.s32 s5;
	_ =	sdelay $0x1  }
0xa7: {  	s23 =	simm.s32 $0x1B8B  }
0xa8: {  	_ =	swait.ge [sflag:s23], $0x1  }
0xa9: {  	[sflag:s23] =	ssyncset.done $0x0  }
0xaa: {  	s25 =	simm.s32 $0x1B8E;
	s24 =	sld [smem:$0x3FFE];
	[sflag:s23] =	ssyncadd.s32 $0xFFFFFFFF  }
0xab: {  	s26 =	simm.s32 $execute0_lowered;
	[smem:$0x3FD2] =	sst s25  }
0xac: {  	s6 =	sshll.u32 s26, $0x1;
	_ =	strace $0x80000046;
	[dreg:$0x1] =	wrdreg $0xFFFFFFFF  }
0xad: {  	s28 =	simm.s32 $_size_execute0_lowered;
	s4 =	sadd.s32 s4, s6;
	[dreg:$0x0] =	wrdreg $0x0  }
0xae: {  	s6 =	sshll.u32 s28, $0x1;
	[dreg:$0x2] =	wrdreg s4  }
0xaf: {  	[dreg:$0x3] =	wrdreg s6  }
0xb0: {  	[dreg:$0x4] =	wrdreg $0xC0  }
0xb1: {  	_ =	task [dreg:s8], $0x5FFFF  }
0xb2: {  	[dreg:$0x1] =	wrdreg $0xFFFFFFFF  }
0xb3: {  	[dreg:$0x0] =	wrdreg $0x60  }
0xb4: {  	[dreg:$0x2] =	wrdreg s15  }
0xb5: {  	[dreg:$0x3] =	wrdreg s24  }
0xb6: {  	[dreg:$0x4] =	wrdreg s16  }
0xb7: {  	[dreg:$0x5] =	wrdreg $0x9  }
0xb8: {  	_ =	task.clear_ibuf [dreg:s8], $0x6FFFF;
	_ =	strace $0x90000046  }
0xb9: {  	s29 =	simm.s32 $0x9;
	_ =	strace $0x8000004F  }
0xba: {  	_ =	swait.ge [sflag:s29], $0x1  }
0xbb: {  	[sflag:s29] =	ssyncadd.s32 $0xFFFFFFFF  }
0xbc: {  	_ =	strace $0x9000004F  }
0xbd: {  	_ =	sfence  }
0xbe: {  	s30 =	sld [smem:$0x0];
	_ =	sdelay $0x2  }
0xbf: {  	s31 =	sshll.u32 s1, $0xD;
	s1 =	sshrl.u32 s1, $0x2  }
0xc0: {  	s3 =	sand.u32 $0x4000, s31;
	s1 =	sadd.s32 s1, s30  }
0xc1: {  	s0 =	sor.u32 s3, s0;
	s1 =	sshll.u32 s1, $0x11  }
0xc2: {  	s0 =	sor.u32 s1, s0  }
0xc3: {  	s0 =	sadd.s32 $0x8F2B, s0  }
0xc4: {  	[sflag:s0] =	ssyncadd.remote.s32 $0x1  }
0xc5: {  	_ =	sfence.sel $0xFFFF  }
0xc6: {  	[dreg:$0x0] =	wrdreg $0xFFFFFFFF;
	(pc) =	sbr.abs _section_cstart, $3  }
0xc7: {  	[dreg:$0x1] =	wrdreg $0xFFFFFFFF  }
0xc8: {  	_ =	task.clear_ibuf [dreg:s8], $0x2FFFF;
	_ =	strace $0x9FFFFFFF  }
0xc9: {  	(tm) =	ssettm $0x7FFFFFFF  }
tec
execute0_lowered:
.L_overlay_start_1:
0x0: {  	(tag) =	ssettag $0x1  }
0x1: {  	s1 =	rddreg [dreg:$0x0]  }
0x2: {  	s5 =	rddreg [dreg:$0x1]  }
0x3: {  	s2 =	rddreg [dreg:$0x2]  }
0x4: {  	s0 =	rddreg [dreg:$0x3];
	s4 =	simm.s32 $0x0;
	s3 =	srdreg.scid  }
0x5: {  	s9 =	simm.s32 $0x5;
	s10 =	simm.s32 $0x4;
	s11 =	simm.s32 $0x0  }
.Ltmp0:
0x6: {  	[smem:$0x7FF] =	sst s4;
	s6 =	sand.u32 $0x1, s3;
	(pc) =	sbr.rel .LBB2_1-.Ltmp0, $4  }
0x7: {  	s3 =	stileid.u32;
	s7 =	ssub.s32 $0x2, s6;
	s6 =	sshll.u32 s6, $0x4  }
0x8: {  	v2 =	vlaneseq.u32;
	s5 =	sadd.s32 $0xA00, s5;
	s8 =	sshrl.u32 s7, $0x1;
	s6 =	sor.u32 s3, s6  }
0x9: {  	vm0 =	vmmov $0xffff;
	v1 =	vshrl.u32 v2, $0x3;
	_ =	strace $0x80000047;
	s8 =	ssub.s32 s7, s8;
	s31 =	sshll.u32 s6, $0x5  }
0xa: {  	v0 =	vand.u32 $0x7, v2;
	v2 =	vor.u32 $0x8, v2;
	v1 =	vmul.u32 $0x8, v1;
	s6 =	sshll.u32 s6, $0x1;
	s7 =	sadd.s32 s5, s31;
	s8 =	smax.u32 s8, $0x1  }
.LBB2_4:
0xb: {  	s12 =	sand.u32 $0x1, s12  }
0xc: {  	_ =	strace $0x8000004D;
	s12 =	sadd.s32 $0x3, s12  }
0xd: {  	_ =	swait.ge [sflag:s12], $0x8000  }
0xe: {  	[sflag:s12] =	ssyncset.done $0x0  }
0xf: {  	s11 =	sadd.s32 $0x1, s11;
	[sflag:s12] =	ssyncadd.s32 $0xFFFF8000  }
0x10: {  	p0 =	sne.s32 s11, s8;
	_ =	strace $0x9000004D  }
.Ltmp1:
0x11: {  	_ =	strace $0x8000004E;
	(pc) =	sbr.rel @!p0 .LBB2_5-.Ltmp1, $4  }
0x12: {  	_ =	swait.ge [sflag:s10], $0x8000  }
0x13: {  	[sflag:s10] =	ssyncset.done $0x0  }
0x14: {  	[sflag:s10] =	ssyncadd.s32 $0xFFFF8000  }
0x15: {  	_ =	strace $0x9000004E  }
.LBB2_1:
0x16: {  	_ =	strace $0x80000048  }
0x17: {  	p0 =	por $0x1, $0x1;
	p2 =	por $0x0, $0x0;
	s13 =	simm.s32 $0x0  }
0x18: {  	s12 =	simm.s32 $0x0;
	s17 =	simm.s32 $0x0;
	s14 =	simm.s32 $0x0  }
0x19: {  	[tilespmem:s4], [sflag:$0x1] =	stream.linear.gather [hbm4b:s7+s4], $0x80, $0x200038;
	[tilespmem:$0x10100] =	vst v63  }
0x1a: {  	s15 =	simm.s32 $0x1;
	s16 =	simm.s32 $0x0;
	_ =	strace $0x90000048  }
.LBB2_2:
0x1b: {  	s18 =	smov.u32 s13;
	s13 =	sadd.s32 $0x1, s13  }
0x1c: {  	p1 =	seq.s32 s13, $0x2  }
0x1d: {  	s13 =	simm.s32 @p1 $0x0  }
0x1e: {  	p1 =	sne.s32 s18, s13  }
0x1f: {  	p1 =	por !p0, !p1  }
0x20: {  	p1 =	por !p1, !p1  }
0x21: {  	s19 =	sadd.s32 @p1 s6, s13  }
0x22: {  	s20 =	sand.u32 @p1 $0x1, s15;
	s19 =	sshll.u32 @p1 s19, $0x4  }
0x23: {  	_ =	strace @p1 $0x80000049;
	s22 =	simm.s32 @p1 $0x0;
	s19 =	sand.u32 @p1 $0x1FFFFFF0, s19  }
0x24: {  	s21 =	sshll.u32 @p1 s20, $0x7;
	s20 =	sadd.s32 @p1 $0x1, s20;
	s19 =	sadd.s32 @p1 s5, s19  }
0x25: {  	[tilespmem:s21], [sflag:s20] =	stream.linear.gather @p1 [hbm4b:s19+s22], $0x80, $0x200038;
	[tilespmem:$0x10100] =	vst v63  }
0x26: {  	s23 =	sand.u32 $0x1, s14;
	_ =	strace @p1 $0x90000049  }
0x27: {  	s19 =	sadd.s32 $0x1, s23;
	_ =	strace $0x8000004A  }
0x28: {  	_ =	swait.ge [sflag:s19], $0x80  }
0x29: {  	[sflag:s19] =	ssyncset.done $0x0  }
0x2a: {  	[sflag:s19] =	ssyncadd.s32 $0xFFFFFF80  }
0x2b: {  	s24 =	sshll.u32 s14, $0x7;
	_ =	strace $0x9000004A  }
0x2c: {  	s22 =	sand.u32 $0x80, s24;
	_ =	strace $0x8000004B  }
0x2d: {  	v3 =	vld [tilespmem:s22+$0x0];
	_ =	sdelay $0x4  }
0x2e: {  	v4 =	vshll.u32 v3, $0x1  }
0x2f: {  	v3 =	vand.u32 $0x7, v3;
	v4 =	vand.u32 $0xFFFFFFF0, v4  }
0x30: {  	v3 =	vor.u32 v3, v4  }
0x31: {  	v4 =	vperm.xlane v3, v0;
	_ =	sdelay $0x1  }
0x32: {  	v3 =	vperm.xlane v3, v2;
	v4 =	vadd.s32 v1, v4;
	_ =	sdelay $0x1  }
0x33: {  	s19 =	sand.u32 $0x1, s17;
	v3 =	vadd.s32 v1, v3  }
0x34: {  	s21 =	sshll.u32 s19, $0xF  }
0x35: {  	s20 =	sor.u32 $0x100, s21  }
0x36: {  	[tilespmem:s20], [sflag:$0x5] =	stream.indirect_vreg.gather [hbm4b:s1+s4], $0x80, v4, vm0, $0x2000b8;
	[tilespmem:$0x10100] =	vst v63  }
0x37: {  	s23 =	sor.u32 $0x900, s21  }
0x38: {  	[tilespmem:s23], [sflag:$0x5] =	stream.indirect_vreg.gather [hbm4b:s1+s4], $0x80, v3, vm0, $0x2000b8;
	[tilespmem:$0x10100] =	vst v63  }
0x39: {  	v3 =	vld [tilespmem:s22+$0x10];
	_ =	sdelay $0x4  }
0x3a: {  	v57 =	vshll.u32 v3, $0x1  }
0x3b: {  	v3 =	vand.u32 $0x7, v3;
	v4 =	vand.u32 $0xFFFFFFF0, v57  }
0x3c: {  	v3 =	vor.u32 v3, v4  }
0x3d: {  	v4 =	vperm.xlane v3, v0;
	_ =	sdelay $0x1  }
0x3e: {  	v3 =	vperm.xlane v3, v2;
	v4 =	vadd.s32 v1, v4;
	_ =	sdelay $0x1  }
0x3f: {  	v3 =	vadd.s32 v1, v3;
	_ =	sdelay $0x1  }
0x40: {  	s25 =	sor.u32 $0x1100, s21  }
0x41: {  	[tilespmem:s25], [sflag:$0x5] =	stream.indirect_vreg.gather [hbm4b:s1+s4], $0x80, v4, vm0, $0x2000b8;
	[tilespmem:$0x10100] =	vst v63  }
0x42: {  	s26 =	sor.u32 $0x1900, s21  }
0x43: {  	[tilespmem:s26], [sflag:$0x5] =	stream.indirect_vreg.gather [hbm4b:s1+s4], $0x80, v3, vm0, $0x2000b8;
	[tilespmem:$0x10100] =	vst v63  }
0x44: {  	v3 =	vld [tilespmem:s22+$0x20];
	_ =	sdelay $0x4  }
0x45: {  	v58 =	vshll.u32 v3, $0x1  }
0x46: {  	v3 =	vand.u32 $0x7, v3;
	v4 =	vand.u32 $0xFFFFFFF0, v58  }
0x47: {  	v3 =	vor.u32 v3, v4  }
0x48: {  	v4 =	vperm.xlane v3, v0;
	_ =	sdelay $0x1  }
0x49: {  	v3 =	vperm.xlane v3, v2;
	v4 =	vadd.s32 v1, v4;
	_ =	sdelay $0x1  }
0x4a: {  	v3 =	vadd.s32 v1, v3;
	_ =	sdelay $0x1  }
0x4b: {  	s28 =	sor.u32 $0x2100, s21  }
0x4c: {  	[tilespmem:s28], [sflag:$0x5] =	stream.indirect_vreg.gather [hbm4b:s1+s4], $0x80, v4, vm0, $0x2000b8;
	[tilespmem:$0x10100] =	vst v63  }
0x4d: {  	s29 =	sor.u32 $0x2900, s21  }
0x4e: {  	[tilespmem:s29], [sflag:$0x5] =	stream.indirect_vreg.gather [hbm4b:s1+s4], $0x80, v3, vm0, $0x2000b8;
	[tilespmem:$0x10100] =	vst v63  }
0x4f: {  	v3 =	vld [tilespmem:s22+$0x30];
	_ =	sdelay $0x4  }
0x50: {  	v59 =	vshll.u32 v3, $0x1  }
0x51: {  	v3 =	vand.u32 $0x7, v3;
	v4 =	vand.u32 $0xFFFFFFF0, v59  }
0x52: {  	v3 =	vor.u32 v3, v4  }
0x53: {  	v4 =	vperm.xlane v3, v0;
	_ =	sdelay $0x1  }
0x54: {  	v3 =	vperm.xlane v3, v2;
	v4 =	vadd.s32 v1, v4;
	_ =	sdelay $0x1  }
0x55: {  	v3 =	vadd.s32 v1, v3;
	_ =	sdelay $0x1  }
0x56: {  	s30 =	sor.u32 $0x3100, s21  }
0x57: {  	[tilespmem:s30], [sflag:$0x5] =	stream.indirect_vreg.gather [hbm4b:s1+s4], $0x80, v4, vm0, $0x2000b8;
	[tilespmem:$0x10100] =	vst v63  }
0x58: {  	s31 =	sor.u32 $0x3900, s21  }
0x59: {  	[tilespmem:s31], [sflag:$0x5] =	stream.indirect_vreg.gather [hbm4b:s1+s4], $0x80, v3, vm0, $0x2000b8;
	[tilespmem:$0x10100] =	vst v63  }
0x5a: {  	v3 =	vld [tilespmem:s22+$0x40];
	_ =	sdelay $0x4  }
0x5b: {  	v60 =	vshll.u32 v3, $0x1  }
0x5c: {  	v3 =	vand.u32 $0x7, v3;
	v4 =	vand.u32 $0xFFFFFFF0, v60  }
0x5d: {  	v3 =	vor.u32 v3, v4  }
0x5e: {  	v4 =	vperm.xlane v3, v0;
	_ =	sdelay $0x1  }
0x5f: {  	v3 =	vperm.xlane v3, v2;
	v4 =	vadd.s32 v1, v4;
	_ =	sdelay $0x1  }
0x60: {  	v3 =	vadd.s32 v1, v3;
	_ =	sdelay $0x1  }
0x61: {  	s24 =	sor.u32 $0x4100, s21  }
0x62: {  	[tilespmem:s24], [sflag:$0x5] =	stream.indirect_vreg.gather [hbm4b:s1+s4], $0x80, v4, vm0, $0x2000b8;
	[tilespmem:$0x10100] =	vst v63  }
0x63: {  	s25 =	sor.u32 $0x4900, s21  }
0x64: {  	[tilespmem:s25], [sflag:$0x5] =	stream.indirect_vreg.gather [hbm4b:s1+s4], $0x80, v3, vm0, $0x2000b8;
	[tilespmem:$0x10100] =	vst v63  }
0x65: {  	v3 =	vld [tilespmem:s22+$0x50];
	_ =	sdelay $0x4  }
0x66: {  	v61 =	vshll.u32 v3, $0x1  }
0x67: {  	v3 =	vand.u32 $0x7, v3;
	v4 =	vand.u32 $0xFFFFFFF0, v61  }
0x68: {  	v3 =	vor.u32 v3, v4  }
0x69: {  	v4 =	vperm.xlane v3, v0;
	_ =	sdelay $0x1  }
0x6a: {  	v3 =	vperm.xlane v3, v2;
	v4 =	vadd.s32 v1, v4;
	_ =	sdelay $0x1  }
0x6b: {  	v3 =	vadd.s32 v1, v3;
	_ =	sdelay $0x1  }
0x6c: {  	s26 =	sor.u32 $0x5100, s21  }
0x6d: {  	[tilespmem:s26], [sflag:$0x5] =	stream.indirect_vreg.gather [hbm4b:s1+s4], $0x80, v4, vm0, $0x2000b8;
	[tilespmem:$0x10100] =	vst v63  }
0x6e: {  	s28 =	sor.u32 $0x5900, s21  }
0x6f: {  	[tilespmem:s28], [sflag:$0x5] =	stream.indirect_vreg.gather [hbm4b:s1+s4], $0x80, v3, vm0, $0x2000b8;
	[tilespmem:$0x10100] =	vst v63  }
0x70: {  	v3 =	vld [tilespmem:s22+$0x60];
	_ =	sdelay $0x4  }
0x71: {  	v62 =	vshll.u32 v3, $0x1  }
0x72: {  	v3 =	vand.u32 $0x7, v3;
	v4 =	vand.u32 $0xFFFFFFF0, v62  }
0x73: {  	v3 =	vor.u32 v3, v4  }
0x74: {  	v4 =	vperm.xlane v3, v0;
	_ =	sdelay $0x1  }
0x75: {  	v3 =	vperm.xlane v3, v2;
	v4 =	vadd.s32 v1, v4;
	_ =	sdelay $0x1  }
0x76: {  	v3 =	vadd.s32 v1, v3;
	_ =	sdelay $0x1  }
0x77: {  	s29 =	sor.u32 $0x6100, s21  }
0x78: {  	[tilespmem:s29], [sflag:$0x5] =	stream.indirect_vreg.gather [hbm4b:s1+s4], $0x80, v4, vm0, $0x2000b8;
	[tilespmem:$0x10100] =	vst v63  }
0x79: {  	s30 =	sor.u32 $0x6900, s21  }
0x7a: {  	[tilespmem:s30], [sflag:$0x5] =	stream.indirect_vreg.gather [hbm4b:s1+s4], $0x80, v3, vm0, $0x2000b8;
	[tilespmem:$0x10100] =	vst v63  }
0x7b: {  	v3 =	vld [tilespmem:s22+$0x70];
	_ =	sdelay $0x4  }
0x7c: {  	v63 =	vshll.u32 v3, $0x1  }
0x7d: {  	v3 =	vand.u32 $0x7, v3;
	v4 =	vand.u32 $0xFFFFFFF0, v63  }
0x7e: {  	v3 =	vor.u32 v3, v4  }
0x7f: {  	v4 =	vperm.xlane v3, v0;
	_ =	sdelay $0x1  }
0x80: {  	v3 =	vperm.xlane v3, v2;
	v4 =	vadd.s32 v1, v4;
	_ =	sdelay $0x1  }
0x81: {  	v3 =	vadd.s32 v1, v3;
	_ =	sdelay $0x1  }
0x82: {  	p2 =	por !p2, !p2;
	p3 =	seq.s32 s18, s13;
	s31 =	sor.u32 $0x7100, s21  }
0x83: {  	[tilespmem:s31], [sflag:$0x5] =	stream.indirect_vreg.gather [hbm4b:s1+s4], $0x80, v4, vm0, $0x2000b8;
	[tilespmem:$0x10100] =	vst v63  }
0x84: {  	p2 =	por !p2, !p3;
	s21 =	sor.u32 $0x7900, s21  }
0x85: {  	[tilespmem:s21], [sflag:$0x5] =	stream.indirect_vreg.gather [hbm4b:s1+s4], $0x80, v3, vm0, $0x2000b8;
	[tilespmem:$0x10100] =	vst v63  }
0x86: {  	s18 =	sadd.s32 s6, s18;
	p2 =	por !p2, !p2;
	_ =	swait.ge [sflag:s9], $0x8000  }
0x87: {  	s18 =	sshll.u32 @!p2 s18, $0xC;
	p0 =	por p2, p0;
	[sflag:s9] =	ssyncset.done $0x0  }
.Ltmp2:
0x88: {  	s18 =	sand.u32 @!p2 $0x1FFFF000, s18;
	[sflag:s9] =	ssyncadd.s32 $0xFFFF8000;
	(pc) =	sbr.rel @!p0 .LBB2_4-.Ltmp2, $4  }
0x89: {  	s18 =	sadd.s32 @!p2 s2, s18;
	_ =	strace $0x9000004B  }
0x8a: {  	s19 =	sadd.s32 @!p2 $0x3, s19;
	s21 =	simm.s32 @!p2 $0x0;
	_ =	strace @!p2 $0x8000004C  }
0x8b: {  	[hbm4b:s18+s21] =	stream.linear.scatter @!p2 [tilespmem:s20], [sflag:s19], $0x8000, $0x200038;
	[tilespmem:$0x10100] =	vst v63  }
0x8c: {  	_ =	strace @!p2 $0x9000004C  }
.Ltmp3:
0x8d: {  	s18 =	simm.s32 $0x1;
	(pc) =	sbr.rel .LBB2_2-.Ltmp3, $4  }
0x8e: {  	s19 =	simm.s32 @!p2 $0x1;
	s12 =	sadd.s32 s16, s12;
	s18 =	simm.s32 @!p1 $0x0  }
0x8f: {  	s16 =	simm.s32 $0x1;
	s15 =	sadd.s32 s18, s15;
	s18 =	sadd.s32 @!p2 $0x1, s17  }
0x90: {  	p0 =	por $0x0, $0x0;
	s19 =	simm.s32 @p2 $0x0;
	s18 =	smov.u32 @p2 s17  }
0x91: {  	s14 =	sadd.s32 s14, s19;
	p2 =	por $0x1, $0x1;
	s17 =	smov.u32 s18  }
.LBB2_5:
0x92: {  	_ =	sfence.sel $0x180000  }
0x93: {  	[bflag:$0x0] =	sbarrier.arrive $0xFFFF  }
0x94: {  	p0 =	sne.s32 s3, $0x0;
	_ =	strace $0x90000047  }
0x95: {  	s0 =	sadd.s32 @!p0 $0x100000, s0;
	[bflag:$0x2] =	sbarrier.arrive $0xFFFF  }
0x96: {  	[sflag:s0] =	ssyncadd.tile.s32 @!p0 $0x1;
	_ =	shalt  }
.Lfunc_end2:
_tile_overlayer_lowered:
.L_overlay_start_2:
0x97: {  	(tag) =	ssettag $0x2  }
0x98: {  	s0 =	rddreg [dreg:$0x0];
	s2 =	stileid.u32  }
0x99: {  	s1 =	rddreg [dreg:$0x1];
	p0 =	sne.s32 s2, $0x0  }
0x9a: {  	s3 =	rddreg [dreg:$0x2];
	[bflag:$0x3] =	sbarrier.arrive $0xFFFF;
	s2 =	simm.s32 @!p0 $0x1C01  }
0x9b: {  	[timem:s3], [sflag:s2] =	dma.local @!p0 [hbm:s0], s1  }
0x9c: {  	s0 =	simm.s32 @!p0 $0x1  }
0x9d: {  	_ =	swait.ge @!p0 [sflag:s0], s1  }
0x9e: {  	s1 =	ssub.s32 @!p0 $0x0, s1;
	[sflag:s0] =	ssyncset.done @!p0 $0x0  }
0x9f: {  	[sflag:s0] =	ssyncadd.s32 @!p0 s1  }
0xa0: {  	[bflag:$0x3] =	sbarrier.arrive $0xFFFF  }
0xa1: {  	_ =	shalt  }

</sc_bundles>
